<compile_context>
chip_gen: v7x
topology: tpu7x:2x2x1
jax: 0.10.2.dev20260603
libtpu: 0.0.44.dev20260713+nightly
codegen_flags: <defaults>
</compile_context>

<pallas_src>
import functools

import jax
import jax.numpy as jnp
from jax import lax
from jax.experimental import pallas as pl
from jax.experimental.pallas import tpu as pltpu
from jax.experimental.pallas import tpu_sc as plsc

_EPS_BN = 1e-5
_EPS_L2 = 1e-12

_NC = 2
_NS = 16
_NW = _NC * _NS
_CHA = 128
_CHD = 128
_DBUF = 4
_ZR = 8



def _bn_msg_body(x_ref, gamma_ref, beta_ref, q_ref, qb_ref, h_ref, msg_ref):
    x = x_ref[...]
    mu = jnp.mean(x, axis=0, keepdims=True)
    xc = x - mu
    var = jnp.mean(xc * xc, axis=0, keepdims=True)
    h = gamma_ref[...] * xc * lax.rsqrt(var + _EPS_BN) + beta_ref[...]
    h_ref[...] = h
    msg_ref[...] = jnp.maximum(
        jnp.dot(h, q_ref[...], preferred_element_type=jnp.float32) + qb_ref[...], 0.0)


def _combine_msg_body(h_ref, agg_ref, deg_ref, w_ref, wb_ref, q_ref, qb_ref,
                      h2_ref, msg_ref, *, n, d):
    agg = agg_ref[0, :n, :] + agg_ref[1, :n, :]
    deg = deg_ref[0, :n, 0:1] + deg_ref[1, :n, 0:1]
    neigh = agg / jnp.maximum(deg, 1.0)
    h = h_ref[...]
    pre = (jnp.dot(h, w_ref[:d, :], preferred_element_type=jnp.float32)
           + jnp.dot(neigh, w_ref[d:, :], preferred_element_type=jnp.float32)
           + wb_ref[...])
    h2 = jnp.maximum(pre, 0.0)
    nrm = jnp.sqrt(jnp.sum(h2 * h2, axis=1, keepdims=True))
    h2n = h2 / (nrm + _EPS_L2)
    h2_ref[...] = h2n
    msg_ref[...] = jnp.maximum(
        jnp.dot(h2n, q_ref[...], preferred_element_type=jnp.float32) + qb_ref[...], 0.0)


def _final_body(h_ref, agg_ref, deg_ref, w_ref, wb_ref, gw_ref, gb_ref, g_ref,
                gamma_ref, beta_ref, out_ref, *, n, d):
    agg = agg_ref[0, :n, :] + agg_ref[1, :n, :]
    deg = deg_ref[0, :n, 0:1] + deg_ref[1, :n, 0:1]
    neigh = agg / jnp.maximum(deg, 1.0)
    h = h_ref[...]
    pre = (jnp.dot(h, w_ref[:d, :], preferred_element_type=jnp.float32)
           + jnp.dot(neigh, w_ref[d:, :], preferred_element_type=jnp.float32)
           + wb_ref[...])
    h2 = jnp.maximum(pre, 0.0)
    nrm = jnp.sqrt(jnp.sum(h2 * h2, axis=1, keepdims=True))
    h2n = h2 / (nrm + _EPS_L2)
    z = g_ref[0, 0] * jnp.maximum(
        jnp.dot(h2n, gw_ref[...], preferred_element_type=jnp.float32) + gb_ref[...], 0.0)
    mu = jnp.mean(z, axis=0, keepdims=True)
    zc = z - mu
    var = jnp.mean(zc * zc, axis=0, keepdims=True)
    out_ref[...] = gamma_ref[...] * zc * lax.rsqrt(var + _EPS_BN) + beta_ref[...]



def _zero_fill(zbuf, width):
    for i in range(_ZR):
        for j in range(width // 16):
            zbuf[i, pl.ds(j * 16, 16)] = jnp.zeros((16,), jnp.float32)


def _make_edge_agg(n_pad, epw, msg_d):
    rpt = n_pad // _NS
    n_chunks = epw // _CHA
    mesh = plsc.VectorSubcoreMesh(core_axis_name="c", subcore_axis_name="s")

    @functools.partial(
        pl.kernel, mesh=mesh,
        out_type=jax.ShapeDtypeStruct((_NC * n_pad, msg_d), jnp.float32),
        scratch_types=[
            pltpu.VMEM((_CHA,), jnp.int32),
            pltpu.VMEM((_CHA,), jnp.int32),
            pltpu.VMEM((_CHA, msg_d), jnp.float32),
            pltpu.VMEM((_ZR, msg_d), jnp.float32),
            pltpu.VMEM_SHARED((n_pad, msg_d), jnp.float32),
            pltpu.SemaphoreType.DMA,
        ])
    def edge_agg(msg_hbm, src_hbm, dst_hbm, agg_out,
                 src_v, dst_v, rows_v, zbuf_v, agg_sh, sem):
        c = lax.axis_index("c")
        s = lax.axis_index("s")
        wid = s * _NC + c
        _zero_fill(zbuf_v, msg_d)

        def zbody(k, carry):
            pltpu.sync_copy(zbuf_v, agg_sh.at[pl.ds(s * rpt + k * _ZR, _ZR)])
            return carry

        lax.fori_loop(0, rpt // _ZR, zbody, 0)
        plsc.subcore_barrier()

        def body(i, carry):
            base = wid * epw + i * _CHA
            pltpu.sync_copy(src_hbm.at[pl.ds(base, _CHA)], src_v)
            pltpu.sync_copy(dst_hbm.at[pl.ds(base, _CHA)], dst_v)
            pltpu.async_copy(msg_hbm.at[src_v], rows_v, sem).wait()
            pltpu.sync_copy(rows_v, agg_sh.at[dst_v], add=True)
            return carry

        lax.fori_loop(0, n_chunks, body, 0)
        plsc.subcore_barrier()
        pltpu.sync_copy(agg_sh.at[pl.ds(s * rpt, rpt)],
                        agg_out.at[pl.ds(c * n_pad + s * rpt, rpt)])

    return edge_agg


def _make_deg_hist(n_pad, epw, msg_d):
    rpt = n_pad // _NS
    n_chunks = epw // _CHD
    mesh = plsc.VectorSubcoreMesh(core_axis_name="c", subcore_axis_name="s")

    @functools.partial(
        pl.kernel, mesh=mesh,
        out_type=jax.ShapeDtypeStruct((_NC * n_pad, msg_d), jnp.float32),
        scratch_types=[
            pltpu.VMEM((_CHD,), jnp.int32),
            pltpu.VMEM((_CHD, msg_d), jnp.float32),
            pltpu.VMEM((_ZR, msg_d), jnp.float32),
            pltpu.VMEM_SHARED((n_pad, msg_d), jnp.float32),
        ])
    def deg_hist(dst_hbm, ones_hbm, deg_out, dst_v, ones_v, zbuf_v, deg_sh):
        c = lax.axis_index("c")
        s = lax.axis_index("s")
        wid = s * _NC + c
        _zero_fill(zbuf_v, msg_d)
        pltpu.sync_copy(ones_hbm, ones_v)

        def zbody(k, carry):
            pltpu.sync_copy(zbuf_v, deg_sh.at[pl.ds(s * rpt + k * _ZR, _ZR)])
            return carry

        lax.fori_loop(0, rpt // _ZR, zbody, 0)
        plsc.subcore_barrier()

        def body(i, carry):
            base = wid * epw + i * _CHD
            pltpu.sync_copy(dst_hbm.at[pl.ds(base, _CHD)], dst_v)
            pltpu.sync_copy(ones_v, deg_sh.at[dst_v], add=True)
            return carry

        lax.fori_loop(0, n_chunks, body, 0)
        plsc.subcore_barrier()
        pltpu.sync_copy(deg_sh.at[pl.ds(s * rpt, rpt)],
                        deg_out.at[pl.ds(c * n_pad + s * rpt, rpt)])

    return deg_hist



def kernel(x, Q1, qb1, W1, wb1, Q2, qb2, W2, wb2, GW, Gb, g,
           gamma_in, beta_in, gamma_out, beta_out, edge_index):
    n, d = x.shape
    h_dim = Q1.shape[1]
    o_dim = W1.shape[1]
    out_dim = GW.shape[1]
    e = edge_index.shape[1]

    n_pad = ((n + 16 + (_NS * _ZR) - 1) // (_NS * _ZR)) * (_NS * _ZR)
    epw = ((e + _NW * _CHA - 1) // (_NW * _CHA)) * _CHA
    e_pad = _NW * epw

    src = edge_index[0]
    dst = edge_index[1]
    pad_e = e_pad - e
    src_p = jnp.concatenate([src, jnp.zeros((pad_e,), jnp.int32)])
    dst_p = jnp.concatenate([dst, jnp.full((pad_e,), n, jnp.int32)])
    ones_blk = jnp.ones((_CHD, h_dim), jnp.float32)

    bn_msg = pl.pallas_call(
        _bn_msg_body,
        out_shape=[jax.ShapeDtypeStruct((n, d), jnp.float32),
                   jax.ShapeDtypeStruct((n, h_dim), jnp.float32)],
    )
    h0, msg1 = bn_msg(x, gamma_in.reshape(1, d), beta_in.reshape(1, d),
                      Q1, qb1.reshape(1, h_dim))

    deg_hist = _make_deg_hist(n_pad, epw, h_dim)
    deg = deg_hist(dst_p, ones_blk).reshape(_NC, n_pad, h_dim)

    edge_agg = _make_edge_agg(n_pad, epw, h_dim)
    agg1 = edge_agg(msg1, src_p, dst_p).reshape(_NC, n_pad, h_dim)

    combine1 = pl.pallas_call(
        functools.partial(_combine_msg_body, n=n, d=d),
        out_shape=[jax.ShapeDtypeStruct((n, o_dim), jnp.float32),
                   jax.ShapeDtypeStruct((n, Q2.shape[1]), jnp.float32)],
    )
    h1, msg2 = combine1(h0, agg1, deg, W1, wb1.reshape(1, o_dim),
                        Q2, qb2.reshape(1, Q2.shape[1]))

    agg2 = edge_agg(msg2, src_p, dst_p).reshape(_NC, n_pad, Q2.shape[1])

    final = pl.pallas_call(
        functools.partial(_final_body, n=n, d=o_dim),
        out_shape=jax.ShapeDtypeStruct((n, out_dim), jnp.float32),
    )
    out = final(h1, agg2, deg, W2, wb2.reshape(1, o_dim), GW,
                Gb.reshape(1, out_dim), g.reshape(1, 1), gamma_out.reshape(1, out_dim),
                beta_out.reshape(1, out_dim))
    return out

# --- scband reference (transcript-rebuilt; emitter-appended) ---
"""Pipeline reference for scband-gnet-24146306138114 (READ-ONLY COPY).

The authoritative reference and input builder live on the scoring server;
editing this copy changes nothing except your own understanding.
"""

import jax, jax.numpy as jnp
import numpy as np

N = 10000   # nodes
E = 320000  # edges (avg_degree=32)
D = 128     # fdim / in_feats
H = 128     # hidden_size
O = 128     # out_feats
OUT = 128   # output_size


def _glorot(key, shape):
    fan_in, fan_out = shape[0], shape[1]
    lim = jnp.sqrt(6.0 / (fan_in + fan_out))
    return jax.random.uniform(key, shape, jnp.float32, -lim, lim)


def setup_inputs(seed: int = 0) -> dict:
    key = jax.random.key(seed)
    ks = jax.random.split(key, 20)
    x = jax.random.normal(ks[0], (N, D), jnp.float32)
    edge_index = jax.random.randint(ks[1], (2, E), 0, N, dtype=jnp.int32)
    # PinConv layer 1 params (neighbor transform Q, combine W)
    Q1 = _glorot(ks[2], (D, H)); qb1 = jnp.zeros((H,), jnp.float32)
    W1 = _glorot(ks[3], (D + H, O)); wb1 = jnp.zeros((O,), jnp.float32)
    # PinConv layer 2 params
    Q2 = _glorot(ks[4], (O, H)); qb2 = jnp.zeros((H,), jnp.float32)
    W2 = _glorot(ks[5], (O + H, O)); wb2 = jnp.zeros((O,), jnp.float32)
    # Output projection G and scalar gate g
    GW = _glorot(ks[6], (O, OUT)); Gb = jnp.zeros((OUT,), jnp.float32)
    g = jnp.ones((1,), jnp.float32)
    # BatchNorm affine params (training mode: batch statistics)
    gamma_in = jnp.ones((D,), jnp.float32); beta_in = jnp.zeros((D,), jnp.float32)
    gamma_out = jnp.ones((OUT,), jnp.float32); beta_out = jnp.zeros((OUT,), jnp.float32)
    return {"x": x, "Q1": Q1, "qb1": qb1, "W1": W1, "wb1": wb1,
            "Q2": Q2, "qb2": qb2, "W2": W2, "wb2": wb2,
            "GW": GW, "Gb": Gb, "g": g,
            "gamma_in": gamma_in, "beta_in": beta_in,
            "gamma_out": gamma_out, "beta_out": beta_out,
            "edge_index": edge_index}


def _batchnorm(h, gamma, beta, eps=1e-5):
    mu = h.mean(axis=0)
    var = ((h - mu) ** 2).mean(axis=0)
    return gamma * (h - mu) / jnp.sqrt(var + eps) + beta


def _pinconv(h, src, dst, Q, qb, W, wb):
    # PinSAGE-style conv: transform neighbor feats, mean-aggregate by dst,
    # combine with self feats, L2-normalize.
    msg = jax.nn.relu(h @ Q + qb)
    gathered = jnp.take(msg, src, axis=0)                 # gather over edges
    agg = jax.ops.segment_sum(gathered, dst, num_segments=N)  # scatter-add
    deg = jax.ops.segment_sum(jnp.ones((src.shape[0],), jnp.float32), dst, num_segments=N)
    neigh = agg / jnp.clip(deg, 1.0, None)[:, None]
    h2 = jax.nn.relu(jnp.concatenate([h, neigh], axis=1) @ W + wb)
    nrm = jnp.sqrt(jnp.sum(h2 * h2, axis=1, keepdims=True))
    return h2 / (nrm + 1e-12)


def reference(x, Q1, qb1, W1, wb1, Q2, qb2, W2, wb2, GW, Gb, g,
              gamma_in, beta_in, gamma_out, beta_out, edge_index):
    src = edge_index[0]
    dst = edge_index[1]
    h = _batchnorm(x, gamma_in, beta_in)
    h = _pinconv(h, src, dst, Q1, qb1, W1, wb1)
    h = _pinconv(h, src, dst,2 * 0 + Q2, qb2, W2, wb2)
    h = g * jax.nn.relu(h @ GW + Gb)
    h = _batchnorm(h, gamma_out, beta_out)
    return h

if __name__ == "__main__":
    import jax
    _d = setup_inputs()
    print(jax.jit(kernel)(*tuple(_d.values())))

</pallas_src>

<mosaic_0001>
#map = affine_map<(d0, d1) -> (0, 0)>
#map1 = affine_map<(d0, d1) -> (0)>
module attributes {stable_mosaic.version = 14 : i64} {
  func.func @edge_agg(%arg0: i32, %arg1: i32, %arg2: memref<10000x128xf32, #tpu.memory_space<hbm>>, %arg3: memref<323584xi32, #tpu.memory_space<hbm>>, %arg4: memref<323584xi32, #tpu.memory_space<hbm>>, %arg5: memref<20224x128xf32, #tpu.memory_space<hbm>>, %arg6: memref<128xi32, #tpu.memory_space<vmem>>, %arg7: memref<128xi32, #tpu.memory_space<vmem>>, %arg8: memref<128x128xf32, #tpu.memory_space<vmem>>, %arg9: memref<8x128xf32, #tpu.memory_space<vmem>>, %arg10: memref<10112x128xf32, #tpu.memory_space<vmem_shared>>, %arg11: memref<!tpu.dma_semaphore, #tpu.memory_space<semaphore_mem>>) attributes {dimension_semantics = [#tpu.dimension_semantics<core_parallel>, #tpu.dimension_semantics<subcore_parallel>], iteration_bounds = array<i64: 2, 16>, scalar_prefetch = 0 : i64, scratch_operands = 6 : i64, tpu.core_type = #tpu.core_type<sc_vector_subcore>, window_params = [{transform_indices = #map}, {transform_indices = #map1}, {transform_indices = #map1}, {transform_indices = #map}]} {
    %mul3A = arith.constant 2 : i32
    %mul3A_0 = arith.muli %arg1, %mul3A : i32
    %add3A = arith.addi %mul3A_0, %arg0 : i32
    %broadcast_in_dim3A = arith.constant 0.000000e+00 : f32
    %broadcast_in_dim3A_1 = vector.broadcast %broadcast_in_dim3A : f32 to vector<16xf32>
    %swap3A = arith.constant 0 : i32
    %swap3A_2 = arith.index_cast %swap3A : i32 to index
    %swap3A_3 = arith.constant 0 : index
    %swap3A_4 = tpu.vector_load %arg9[%swap3A_2, %swap3A_3] {strides = array<i32>} : memref<8x128xf32, #tpu.memory_space<vmem>>, vector<1x16xf32>,
    %swap3A_5 = vector.shape_cast %swap3A_4 : vector<1x16xf32> to vector<16xf32>
    %swap3A_6 = vector.shape_cast %broadcast_in_dim3A_1 : vector<16xf32> to vector<1x16xf32>
    tpu.vector_store %arg9[%swap3A_2, %swap3A_3], %swap3A_6 {strides = array<i32>} : memref<8x128xf32, #tpu.memory_space<vmem>>, vector<1x16xf32>,
    %broadcast_in_dim3A_7 = arith.constant 0.000000e+00 : f32
    %broadcast_in_dim3A_8 = vector.broadcast %broadcast_in_dim3A_7 : f32 to vector<16xf32>
    %swap3A_9 = arith.constant 0 : i32
    %swap3A_10 = arith.index_cast %swap3A_9 : i32 to index
    %swap3A_11 = arith.constant 16 : index
    %swap3A_12 = tpu.vector_load %arg9[%swap3A_10, %swap3A_11] {strides = array<i32>} : memref<8x128xf32, #tpu.memory_space<vmem>>, vector<1x16xf32>,
    %swap3A_13 = vector.shape_cast %swap3A_12 : vector<1x16xf32> to vector<16xf32>
    %swap3A_14 = vector.shape_cast %broadcast_in_dim3A_8 : vector<16xf32> to vector<1x16xf32>
    tpu.vector_store %arg9[%swap3A_10, %swap3A_11], %swap3A_14 {strides = array<i32>} : memref<8x128xf32, #tpu.memory_space<vmem>>, vector<1x16xf32>,
    %broadcast_in_dim3A_15 = arith.constant 0.000000e+00 : f32
    %broadcast_in_dim3A_16 = vector.broadcast %broadcast_in_dim3A_15 : f32 to vector<16xf32>
    %swap3A_17 = arith.constant 0 : i32
    %swap3A_18 = arith.index_cast %swap3A_17 : i32 to index
    %swap3A_19 = arith.constant 32 : index
    %swap3A_20 = tpu.vector_load %arg9[%swap3A_18, %swap3A_19] {strides = array<i32>} : memref<8x128xf32, #tpu.memory_space<vmem>>, vector<1x16xf32>,
    %swap3A_21 = vector.shape_cast %swap3A_20 : vector<1x16xf32> to vector<16xf32>
    %swap3A_22 = vector.shape_cast %broadcast_in_dim3A_16 : vector<16xf32> to vector<1x16xf32>
    tpu.vector_store %arg9[%swap3A_18, %swap3A_19], %swap3A_22 {strides = array<i32>} : memref<8x128xf32, #tpu.memory_space<vmem>>, vector<1x16xf32>,
    %broadcast_in_dim3A_23 = arith.constant 0.000000e+00 : f32
    %broadcast_in_dim3A_24 = vector.broadcast %broadcast_in_dim3A_23 : f32 to vector<16xf32>
    %swap3A_25 = arith.constant 0 : i32
    %swap3A_26 = arith.index_cast %swap3A_25 : i32 to index
    %swap3A_27 = arith.constant 48 : index
    %swap3A_28 = tpu.vector_load %arg9[%swap3A_26, %swap3A_27] {strides = array<i32>} : memref<8x128xf32, #tpu.memory_space<vmem>>, vector<1x16xf32>,
    %swap3A_29 = vector.shape_cast %swap3A_28 : vector<1x16xf32> to vector<16xf32>
    %swap3A_30 = vector.shape_cast %broadcast_in_dim3A_24 : vector<16xf32> to vector<1x16xf32>
    tpu.vector_store %arg9[%swap3A_26, %swap3A_27], %swap3A_30 {strides = array<i32>} : memref<8x128xf32, #tpu.memory_space<vmem>>, vector<1x16xf32>,
    %broadcast_in_dim3A_31 = arith.constant 0.000000e+00 : f32
    %broadcast_in_dim3A_32 = vector.broadcast %broadcast_in_dim3A_31 : f32 to vector<16xf32>
    %swap3A_33 = arith.constant 0 : i32
    %swap3A_34 = arith.index_cast %swap3A_33 : i32 to index
    %swap3A_35 = arith.constant 64 : index
    %swap3A_36 = tpu.vector_load %arg9[%swap3A_34, %swap3A_35] {strides = array<i32>} : memref<8x128xf32, #tpu.memory_space<vmem>>, vector<1x16xf32>,
    %swap3A_37 = vector.shape_cast %swap3A_36 : vector<1x16xf32> to vector<16xf32>
    %swap3A_38 = vector.shape_cast %broadcast_in_dim3A_32 : vector<16xf32> to vector<1x16xf32>
    tpu.vector_store %arg9[%swap3A_34, %swap3A_35], %swap3A_38 {strides = array<i32>} : memref<8x128xf32, #tpu.memory_space<vmem>>, vector<1x16xf32>,
    %broadcast_in_dim3A_39 = arith.constant 0.000000e+00 : f32
    %broadcast_in_dim3A_40 = vector.broadcast %broadcast_in_dim3A_39 : f32 to vector<16xf32>
    %swap3A_41 = arith.constant 0 : i32
    %swap3A_42 = arith.index_cast %swap3A_41 : i32 to index
    %swap3A_43 = arith.constant 80 : index
    %swap3A_44 = tpu.vector_load %arg9[%swap3A_42, %swap3A_43] {strides = array<i32>} : memref<8x128xf32, #tpu.memory_space<vmem>>, vector<1x16xf32>,
    %swap3A_45 = vector.shape_cast %swap3A_44 : vector<1x16xf32> to vector<16xf32>
    %swap3A_46 = vector.shape_cast %broadcast_in_dim3A_40 : vector<16xf32> to vector<1x16xf32>
    tpu.vector_store %arg9[%swap3A_42, %swap3A_43], %swap3A_46 {strides = array<i32>} : memref<8x128xf32, #tpu.memory_space<vmem>>, vector<1x16xf32>,
    %broadcast_in_dim3A_47 = arith.constant 0.000000e+00 : f32
    %broadcast_in_dim3A_48 = vector.broadcast %broadcast_in_dim3A_47 : f32 to vector<16xf32>
    %swap3A_49 = arith.constant 0 : i32
    %swap3A_50 = arith.index_cast %swap3A_49 : i32 to index
    %swap3A_51 = arith.constant 96 : index
    %swap3A_52 = tpu.vector_load %arg9[%swap3A_50, %swap3A_51] {strides = array<i32>} : memref<8x128xf32, #tpu.memory_space<vmem>>, vector<1x16xf32>,
    %swap3A_53 = vector.shape_cast %swap3A_52 : vector<1x16xf32> to vector<16xf32>
    %swap3A_54 = vector.shape_cast %broadcast_in_dim3A_48 : vector<16xf32> to vector<1x16xf32>
    tpu.vector_store %arg9[%swap3A_50, %swap3A_51], %swap3A_54 {strides = array<i32>} : memref<8x128xf32, #tpu.memory_space<vmem>>, vector<1x16xf32>,
    %broadcast_in_dim3A_55 = arith.constant 0.000000e+00 : f32
    %broadcast_in_dim3A_56 = vector.broadcast %broadcast_in_dim3A_55 : f32 to vector<16xf32>
    %swap3A_57 = arith.constant 0 : i32
    %swap3A_58 = arith.index_cast %swap3A_57 : i32 to index
    %swap3A_59 = arith.constant 112 : index
    %swap3A_60 = tpu.vector_load %arg9[%swap3A_58, %swap3A_59] {strides = array<i32>} : memref<8x128xf32, #tpu.memory_space<vmem>>, vector<1x16xf32>,
    %swap3A_61 = vector.shape_cast %swap3A_60 : vector<1x16xf32> to vector<16xf32>
    %swap3A_62 = vector.shape_cast %broadcast_in_dim3A_56 : vector<16xf32> to vector<1x16xf32>
    tpu.vector_store %arg9[%swap3A_58, %swap3A_59], %swap3A_62 {strides = array<i32>} : memref<8x128xf32, #tpu.memory_space<vmem>>, vector<1x16xf32>,
    %broadcast_in_dim3A_63 = arith.constant 0.000000e+00 : f32
    %broadcast_in_dim3A_64 = vector.broadcast %broadcast_in_dim3A_63 : f32 to vector<16xf32>
    %swap3A_65 = arith.constant 1 : i32
    %swap3A_66 = arith.index_cast %swap3A_65 : i32 to index
    %swap3A_67 = arith.constant 0 : index
    %swap3A_68 = tpu.vector_load %arg9[%swap3A_66, %swap3A_67] {strides = array<i32>} : memref<8x128xf32, #tpu.memory_space<vmem>>, vector<1x16xf32>,
    %swap3A_69 = vector.shape_cast %swap3A_68 : vector<1x16xf32> to vector<16xf32>
    %swap3A_70 = vector.shape_cast %broadcast_in_dim3A_64 : vector<16xf32> to vector<1x16xf32>
    tpu.vector_store %arg9[%swap3A_66, %swap3A_67], %swap3A_70 {strides = array<i32>} : memref<8x128xf32, #tpu.memory_space<vmem>>, vector<1x16xf32>,
    %broadcast_in_dim3A_71 = arith.constant 0.000000e+00 : f32
    %broadcast_in_dim3A_72 = vector.broadcast %broadcast_in_dim3A_71 : f32 to vector<16xf32>
    %swap3A_73 = arith.constant 1 : i32
    %swap3A_74 = arith.index_cast %swap3A_73 : i32 to index
    %swap3A_75 = arith.constant 16 : index
    %swap3A_76 = tpu.vector_load %arg9[%swap3A_74, %swap3A_75] {strides = array<i32>} : memref<8x128xf32, #tpu.memory_space<vmem>>, vector<1x16xf32>,
    %swap3A_77 = vector.shape_cast %swap3A_76 : vector<1x16xf32> to vector<16xf32>
    %swap3A_78 = vector.shape_cast %broadcast_in_dim3A_72 : vector<16xf32> to vector<1x16xf32>
    tpu.vector_store %arg9[%swap3A_74, %swap3A_75], %swap3A_78 {strides = array<i32>} : memref<8x128xf32, #tpu.memory_space<vmem>>, vector<1x16xf32>,
    %broadcast_in_dim3A_79 = arith.constant 0.000000e+00 : f32
    %broadcast_in_dim3A_80 = vector.broadcast %broadcast_in_dim3A_79 : f32 to vector<16xf32>
    %swap3A_81 = arith.constant 1 : i32
    %swap3A_82 = arith.index_cast %swap3A_81 : i32 to index
    %swap3A_83 = arith.constant 32 : index
    %swap3A_84 = tpu.vector_load %arg9[%swap3A_82, %swap3A_83] {strides = array<i32>} : memref<8x128xf32, #tpu.memory_space<vmem>>, vector<1x16xf32>,
    %swap3A_85 = vector.shape_cast %swap3A_84 : vector<1x16xf32> to vector<16xf32>
    %swap3A_86 = vector.shape_cast %broadcast_in_dim3A_80 : vector<16xf32> to vector<1x16xf32>
    tpu.vector_store %arg9[%swap3A_82, %swap3A_83], %swap3A_86 {strides = array<i32>} : memref<8x128xf32, #tpu.memory_space<vmem>>, vector<1x16xf32>,
    %broadcast_in_dim3A_87 = arith.constant 0.000000e+00 : f32
    %broadcast_in_dim3A_88 = vector.broadcast %broadcast_in_dim3A_87 : f32 to vector<16xf32>
    %swap3A_89 = arith.constant 1 : i32
    %swap3A_90 = arith.index_cast %swap3A_89 : i32 to index
    %swap3A_91 = arith.constant 48 : index
    %swap3A_92 = tpu.vector_load %arg9[%swap3A_90, %swap3A_91] {strides = array<i32>} : memref<8x128xf32, #tpu.memory_space<vmem>>, vector<1x16xf32>,
    %swap3A_93 = vector.shape_cast %swap3A_92 : vector<1x16xf32> to vector<16xf32>
    %swap3A_94 = vector.shape_cast %broadcast_in_dim3A_88 : vector<16xf32> to vector<1x16xf32>
    tpu.vector_store %arg9[%swap3A_90, %swap3A_91], %swap3A_94 {strides = array<i32>} : memref<8x128xf32, #tpu.memory_space<vmem>>, vector<1x16xf32>,
    %broadcast_in_dim3A_95 = arith.constant 0.000000e+00 : f32
    %broadcast_in_dim3A_96 = vector.broadcast %broadcast_in_dim3A_95 : f32 to vector<16xf32>
    %swap3A_97 = arith.constant 1 : i32
    %swap3A_98 = arith.index_cast %swap3A_97 : i32 to index
    %swap3A_99 = arith.constant 64 : index
    %swap3A_100 = tpu.vector_load %arg9[%swap3A_98, %swap3A_99] {strides = array<i32>} : memref<8x128xf32, #tpu.memory_space<vmem>>, vector<1x16xf32>,
    %swap3A_101 = vector.shape_cast %swap3A_100 : vector<1x16xf32> to vector<16xf32>
    %swap3A_102 = vector.shape_cast %broadcast_in_dim3A_96 : vector<16xf32> to vector<1x16xf32>
    tpu.vector_store %arg9[%swap3A_98, %swap3A_99], %swap3A_102 {strides = array<i32>} : memref<8x128xf32, #tpu.memory_space<vmem>>, vector<1x16xf32>,
    %broadcast_in_dim3A_103 = arith.constant 0.000000e+00 : f32
    %broadcast_in_dim3A_104 = vector.broadcast %broadcast_in_dim3A_103 : f32 to vector<16xf32>
    %swap3A_105 = arith.constant 1 : i32
    %swap3A_106 = arith.index_cast %swap3A_105 : i32 to index
    %swap3A_107 = arith.constant 80 : index
    %swap3A_108 = tpu.vector_load %arg9[%swap3A_106, %swap3A_107] {strides = array<i32>} : memref<8x128xf32, #tpu.memory_space<vmem>>, vector<1x16xf32>,
    %swap3A_109 = vector.shape_cast %swap3A_108 : vector<1x16xf32> to vector<16xf32>
    %swap3A_110 = vector.shape_cast %broadcast_in_dim3A_104 : vector<16xf32> to vector<1x16xf32>
    tpu.vector_store %arg9[%swap3A_106, %swap3A_107], %swap3A_110 {strides = array<i32>} : memref<8x128xf32, #tpu.memory_space<vmem>>, vector<1x16xf32>,
    %broadcast_in_dim3A_111 = arith.constant 0.000000e+00 : f32
    %broadcast_in_dim3A_112 = vector.broadcast %broadcast_in_dim3A_111 : f32 to vector<16xf32>
    %swap3A_113 = arith.constant 1 : i32
    %swap3A_114 = arith.index_cast %swap3A_113 : i32 to index
    %swap3A_115 = arith.constant 96 : index
    %swap3A_116 = tpu.vector_load %arg9[%swap3A_114, %swap3A_115] {strides = array<i32>} : memref<8x128xf32, #tpu.memory_space<vmem>>, vector<1x16xf32>,
    %swap3A_117 = vector.shape_cast %swap3A_116 : vector<1x16xf32> to vector<16xf32>
    %swap3A_118 = vector.shape_cast %broadcast_in_dim3A_112 : vector<16xf32> to vector<1x16xf32>
    tpu.vector_store %arg9[%swap3A_114, %swap3A_115], %swap3A_118 {strides = array<i32>} : memref<8x128xf32, #tpu.memory_space<vmem>>, vector<1x16xf32>,
    %broadcast_in_dim3A_119 = arith.constant 0.000000e+00 : f32
    %broadcast_in_dim3A_120 = vector.broadcast %broadcast_in_dim3A_119 : f32 to vector<16xf32>
    %swap3A_121 = arith.constant 1 : i32
    %swap3A_122 = arith.index_cast %swap3A_121 : i32 to index
    %swap3A_123 = arith.constant 112 : index
    %swap3A_124 = tpu.vector_load %arg9[%swap3A_122, %swap3A_123] {strides = array<i32>} : memref<8x128xf32, #tpu.memory_space<vmem>>, vector<1x16xf32>,
    %swap3A_125 = vector.shape_cast %swap3A_124 : vector<1x16xf32> to vector<16xf32>
    %swap3A_126 = vector.shape_cast %broadcast_in_dim3A_120 : vector<16xf32> to vector<1x16xf32>
    tpu.vector_store %arg9[%swap3A_122, %swap3A_123], %swap3A_126 {strides = array<i32>} : memref<8x128xf32, #tpu.memory_space<vmem>>, vector<1x16xf32>,
    %broadcast_in_dim3A_127 = arith.constant 0.000000e+00 : f32
    %broadcast_in_dim3A_128 = vector.broadcast %broadcast_in_dim3A_127 : f32 to vector<16xf32>
    %swap3A_129 = arith.constant 2 : i32
    %swap3A_130 = arith.index_cast %swap3A_129 : i32 to index
    %swap3A_131 = arith.constant 0 : index
    %swap3A_132 = tpu.vector_load %arg9[%swap3A_130, %swap3A_131] {strides = array<i32>} : memref<8x128xf32, #tpu.memory_space<vmem>>, vector<1x16xf32>,
    %swap3A_133 = vector.shape_cast %swap3A_132 : vector<1x16xf32> to vector<16xf32>
    %swap3A_134 = vector.shape_cast %broadcast_in_dim3A_128 : vector<16xf32> to vector<1x16xf32>
    tpu.vector_store %arg9[%swap3A_130, %swap3A_131], %swap3A_134 {strides = array<i32>} : memref<8x128xf32, #tpu.memory_space<vmem>>, vector<1x16xf32>,
    %broadcast_in_dim3A_135 = arith.constant 0.000000e+00 : f32
    %broadcast_in_dim3A_136 = vector.broadcast %broadcast_in_dim3A_135 : f32 to vector<16xf32>
    %swap3A_137 = arith.constant 2 : i32
    %swap3A_138 = arith.index_cast %swap3A_137 : i32 to index
    %swap3A_139 = arith.constant 16 : index
    %swap3A_140 = tpu.vector_load %arg9[%swap3A_138, %swap3A_139] {strides = array<i32>} : memref<8x128xf32, #tpu.memory_space<vmem>>, vector<1x16xf32>,
    %swap3A_141 = vector.shape_cast %swap3A_140 : vector<1x16xf32> to vector<16xf32>
    %swap3A_142 = vector.shape_cast %broadcast_in_dim3A_136 : vector<16xf32> to vector<1x16xf32>
    tpu.vector_store %arg9[%swap3A_138, %swap3A_139], %swap3A_142 {strides = array<i32>} : memref<8x128xf32, #tpu.memory_space<vmem>>, vector<1x16xf32>,
    %broadcast_in_dim3A_143 = arith.constant 0.000000e+00 : f32
    %broadcast_in_dim3A_144 = vector.broadcast %broadcast_in_dim3A_143 : f32 to vector<16xf32>
    %swap3A_145 = arith.constant 2 : i32
    %swap3A_146 = arith.index_cast %swap3A_145 : i32 to index
    %swap3A_147 = arith.constant 32 : index
    %swap3A_148 = tpu.vector_load %arg9[%swap3A_146, %swap3A_147] {strides = array<i32>} : memref<8x128xf32, #tpu.memory_space<vmem>>, vector<1x16xf32>,
    %swap3A_149 = vector.shape_cast %swap3A_148 : vector<1x16xf32> to vector<16xf32>
    %swap3A_150 = vector.shape_cast %broadcast_in_dim3A_144 : vector<16xf32> to vector<1x16xf32>
    tpu.vector_store %arg9[%swap3A_146, %swap3A_147], %swap3A_150 {strides = array<i32>} : memref<8x128xf32, #tpu.memory_space<vmem>>, vector<1x16xf32>,
    %broadcast_in_dim3A_151 = arith.constant 0.000000e+00 : f32
    %broadcast_in_dim3A_152 = vector.broadcast %broadcast_in_dim3A_151 : f32 to vector<16xf32>
    %swap3A_153 = arith.constant 2 : i32
    %swap3A_154 = arith.index_cast %swap3A_153 : i32 to index
    %swap3A_155 = arith.constant 48 : index
    %swap3A_156 = tpu.vector_load %arg9[%swap3A_154, %swap3A_155] {strides = array<i32>} : memref<8x128xf32, #tpu.memory_space<vmem>>, vector<1x16xf32>,
    %swap3A_157 = vector.shape_cast %swap3A_156 : vector<1x16xf32> to vector<16xf32>
    %swap3A_158 = vector.shape_cast %broadcast_in_dim3A_152 : vector<16xf32> to vector<1x16xf32>
    tpu.vector_store %arg9[%swap3A_154, %swap3A_155], %swap3A_158 {strides = array<i32>} : memref<8x128xf32, #tpu.memory_space<vmem>>, vector<1x16xf32>,
    %broadcast_in_dim3A_159 = arith.constant 0.000000e+00 : f32
    %broadcast_in_dim3A_160 = vector.broadcast %broadcast_in_dim3A_159 : f32 to vector<16xf32>
    %swap3A_161 = arith.constant 2 : i32
    %swap3A_162 = arith.index_cast %swap3A_161 : i32 to index
    %swap3A_163 = arith.constant 64 : index
    %swap3A_164 = tpu.vector_load %arg9[%swap3A_162, %swap3A_163] {strides = array<i32>} : memref<8x128xf32, #tpu.memory_space<vmem>>, vector<1x16xf32>,
    %swap3A_165 = vector.shape_cast %swap3A_164 : vector<1x16xf32> to vector<16xf32>
    %swap3A_166 = vector.shape_cast %broadcast_in_dim3A_160 : vector<16xf32> to vector<1x16xf32>
    tpu.vector_store %arg9[%swap3A_162, %swap3A_163], %swap3A_166 {strides = array<i32>} : memref<8x128xf32, #tpu.memory_space<vmem>>, vector<1x16xf32>,
    %broadcast_in_dim3A_167 = arith.constant 0.000000e+00 : f32
    %broadcast_in_dim3A_168 = vector.broadcast %broadcast_in_dim3A_167 : f32 to vector<16xf32>
    %swap3A_169 = arith.constant 2 : i32
    %swap3A_170 = arith.index_cast %swap3A_169 : i32 to index
    %swap3A_171 = arith.constant 80 : index
    %swap3A_172 = tpu.vector_load %arg9[%swap3A_170, %swap3A_171] {strides = array<i32>} : memref<8x128xf32, #tpu.memory_space<vmem>>, vector<1x16xf32>,
    %swap3A_173 = vector.shape_cast %swap3A_172 : vector<1x16xf32> to vector<16xf32>
    %swap3A_174 = vector.shape_cast %broadcast_in_dim3A_168 : vector<16xf32> to vector<1x16xf32>
    tpu.vector_store %arg9[%swap3A_170, %swap3A_171], %swap3A_174 {strides = array<i32>} : memref<8x128xf32, #tpu.memory_space<vmem>>, vector<1x16xf32>,
    %broadcast_in_dim3A_175 = arith.constant 0.000000e+00 : f32
    %broadcast_in_dim3A_176 = vector.broadcast %broadcast_in_dim3A_175 : f32 to vector<16xf32>
    %swap3A_177 = arith.constant 2 : i32
    %swap3A_178 = arith.index_cast %swap3A_177 : i32 to index
    %swap3A_179 = arith.constant 96 : index
    %swap3A_180 = tpu.vector_load %arg9[%swap3A_178, %swap3A_179] {strides = array<i32>} : memref<8x128xf32, #tpu.memory_space<vmem>>, vector<1x16xf32>,
    %swap3A_181 = vector.shape_cast %swap3A_180 : vector<1x16xf32> to vector<16xf32>
    %swap3A_182 = vector.shape_cast %broadcast_in_dim3A_176 : vector<16xf32> to vector<1x16xf32>
    tpu.vector_store %arg9[%swap3A_178, %swap3A_179], %swap3A_182 {strides = array<i32>} : memref<8x128xf32, #tpu.memory_space<vmem>>, vector<1x16xf32>,
    %broadcast_in_dim3A_183 = arith.constant 0.000000e+00 : f32
    %broadcast_in_dim3A_184 = vector.broadcast %broadcast_in_dim3A_183 : f32 to vector<16xf32>
    %swap3A_185 = arith.constant 2 : i32
    %swap3A_186 = arith.index_cast %swap3A_185 : i32 to index
    %swap3A_187 = arith.constant 112 : index
    %swap3A_188 = tpu.vector_load %arg9[%swap3A_186, %swap3A_187] {strides = array<i32>} : memref<8x128xf32, #tpu.memory_space<vmem>>, vector<1x16xf32>,
    %swap3A_189 = vector.shape_cast %swap3A_188 : vector<1x16xf32> to vector<16xf32>
    %swap3A_190 = vector.shape_cast %broadcast_in_dim3A_184 : vector<16xf32> to vector<1x16xf32>
    tpu.vector_store %arg9[%swap3A_186, %swap3A_187], %swap3A_190 {strides = array<i32>} : memref<8x128xf32, #tpu.memory_space<vmem>>, vector<1x16xf32>,
    %broadcast_in_dim3A_191 = arith.constant 0.000000e+00 : f32
    %broadcast_in_dim3A_192 = vector.broadcast %broadcast_in_dim3A_191 : f32 to vector<16xf32>
    %swap3A_193 = arith.constant 3 : i32
    %swap3A_194 = arith.index_cast %swap3A_193 : i32 to index
    %swap3A_195 = arith.constant 0 : index
    %swap3A_196 = tpu.vector_load %arg9[%swap3A_194, %swap3A_195] {strides = array<i32>} : memref<8x128xf32, #tpu.memory_space<vmem>>, vector<1x16xf32>,
    %swap3A_197 = vector.shape_cast %swap3A_196 : vector<1x16xf32> to vector<16xf32>
    %swap3A_198 = vector.shape_cast %broadcast_in_dim3A_192 : vector<16xf32> to vector<1x16xf32>
    tpu.vector_store %arg9[%swap3A_194, %swap3A_195], %swap3A_198 {strides = array<i32>} : memref<8x128xf32, #tpu.memory_space<vmem>>, vector<1x16xf32>,
    %broadcast_in_dim3A_199 = arith.constant 0.000000e+00 : f32
    %broadcast_in_dim3A_200 = vector.broadcast %broadcast_in_dim3A_199 : f32 to vector<16xf32>
    %swap3A_201 = arith.constant 3 : i32
    %swap3A_202 = arith.index_cast %swap3A_201 : i32 to index
    %swap3A_203 = arith.constant 16 : index
    %swap3A_204 = tpu.vector_load %arg9[%swap3A_202, %swap3A_203] {strides = array<i32>} : memref<8x128xf32, #tpu.memory_space<vmem>>, vector<1x16xf32>,
    %swap3A_205 = vector.shape_cast %swap3A_204 : vector<1x16xf32> to vector<16xf32>
    %swap3A_206 = vector.shape_cast %broadcast_in_dim3A_200 : vector<16xf32> to vector<1x16xf32>
    tpu.vector_store %arg9[%swap3A_202, %swap3A_203], %swap3A_206 {strides = array<i32>} : memref<8x128xf32, #tpu.memory_space<vmem>>, vector<1x16xf32>,
    %broadcast_in_dim3A_207 = arith.constant 0.000000e+00 : f32
    %broadcast_in_dim3A_208 = vector.broadcast %broadcast_in_dim3A_207 : f32 to vector<16xf32>
    %swap3A_209 = arith.constant 3 : i32
    %swap3A_210 = arith.index_cast %swap3A_209 : i32 to index
    %swap3A_211 = arith.constant 32 : index
    %swap3A_212 = tpu.vector_load %arg9[%swap3A_210, %swap3A_211] {strides = array<i32>} : memref<8x128xf32, #tpu.memory_space<vmem>>, vector<1x16xf32>,
    %swap3A_213 = vector.shape_cast %swap3A_212 : vector<1x16xf32> to vector<16xf32>
    %swap3A_214 = vector.shape_cast %broadcast_in_dim3A_208 : vector<16xf32> to vector<1x16xf32>
    tpu.vector_store %arg9[%swap3A_210, %swap3A_211], %swap3A_214 {strides = array<i32>} : memref<8x128xf32, #tpu.memory_space<vmem>>, vector<1x16xf32>,
    %broadcast_in_dim3A_215 = arith.constant 0.000000e+00 : f32
    %broadcast_in_dim3A_216 = vector.broadcast %broadcast_in_dim3A_215 : f32 to vector<16xf32>
    %swap3A_217 = arith.constant 3 : i32
    %swap3A_218 = arith.index_cast %swap3A_217 : i32 to index
    %swap3A_219 = arith.constant 48 : index
    %swap3A_220 = tpu.vector_load %arg9[%swap3A_218, %swap3A_219] {strides = array<i32>} : memref<8x128xf32, #tpu.memory_space<vmem>>, vector<1x16xf32>,
    %swap3A_221 = vector.shape_cast %swap3A_220 : vector<1x16xf32> to vector<16xf32>
    %swap3A_222 = vector.shape_cast %broadcast_in_dim3A_216 : vector<16xf32> to vector<1x16xf32>
    tpu.vector_store %arg9[%swap3A_218, %swap3A_219], %swap3A_222 {strides = array<i32>} : memref<8x128xf32, #tpu.memory_space<vmem>>, vector<1x16xf32>,
    %broadcast_in_dim3A_223 = arith.constant 0.000000e+00 : f32
    %broadcast_in_dim3A_224 = vector.broadcast %broadcast_in_dim3A_223 : f32 to vector<16xf32>
    %swap3A_225 = arith.constant 3 : i32
    %swap3A_226 = arith.index_cast %swap3A_225 : i32 to index
    %swap3A_227 = arith.constant 64 : index
    %swap3A_228 = tpu.vector_load %arg9[%swap3A_226, %swap3A_227] {strides = array<i32>} : memref<8x128xf32, #tpu.memory_space<vmem>>, vector<1x16xf32>,
    %swap3A_229 = vector.shape_cast %swap3A_228 : vector<1x16xf32> to vector<16xf32>
    %swap3A_230 = vector.shape_cast %broadcast_in_dim3A_224 : vector<16xf32> to vector<1x16xf32>
    tpu.vector_store %arg9[%swap3A_226, %swap3A_227], %swap3A_230 {strides = array<i32>} : memref<8x128xf32, #tpu.memory_space<vmem>>, vector<1x16xf32>,
    %broadcast_in_dim3A_231 = arith.constant 0.000000e+00 : f32
    %broadcast_in_dim3A_232 = vector.broadcast %broadcast_in_dim3A_231 : f32 to vector<16xf32>
    %swap3A_233 = arith.constant 3 : i32
    %swap3A_234 = arith.index_cast %swap3A_233 : i32 to index
    %swap3A_235 = arith.constant 80 : index
    %swap3A_236 = tpu.vector_load %arg9[%swap3A_234, %swap3A_235] {strides = array<i32>} : memref<8x128xf32, #tpu.memory_space<vmem>>, vector<1x16xf32>,
    %swap3A_237 = vector.shape_cast %swap3A_236 : vector<1x16xf32> to vector<16xf32>
    %swap3A_238 = vector.shape_cast %broadcast_in_dim3A_232 : vector<16xf32> to vector<1x16xf32>
    tpu.vector_store %arg9[%swap3A_234, %swap3A_235], %swap3A_238 {strides = array<i32>} : memref<8x128xf32, #tpu.memory_space<vmem>>, vector<1x16xf32>,
    %broadcast_in_dim3A_239 = arith.constant 0.000000e+00 : f32
    %broadcast_in_dim3A_240 = vector.broadcast %broadcast_in_dim3A_239 : f32 to vector<16xf32>
    %swap3A_241 = arith.constant 3 : i32
    %swap3A_242 = arith.index_cast %swap3A_241 : i32 to index
    %swap3A_243 = arith.constant 96 : index
    %swap3A_244 = tpu.vector_load %arg9[%swap3A_242, %swap3A_243] {strides = array<i32>} : memref<8x128xf32, #tpu.memory_space<vmem>>, vector<1x16xf32>,
    %swap3A_245 = vector.shape_cast %swap3A_244 : vector<1x16xf32> to vector<16xf32>
    %swap3A_246 = vector.shape_cast %broadcast_in_dim3A_240 : vector<16xf32> to vector<1x16xf32>
    tpu.vector_store %arg9[%swap3A_242, %swap3A_243], %swap3A_246 {strides = array<i32>} : memref<8x128xf32, #tpu.memory_space<vmem>>, vector<1x16xf32>,
    %broadcast_in_dim3A_247 = arith.constant 0.000000e+00 : f32
    %broadcast_in_dim3A_248 = vector.broadcast %broadcast_in_dim3A_247 : f32 to vector<16xf32>
    %swap3A_249 = arith.constant 3 : i32
    %swap3A_250 = arith.index_cast %swap3A_249 : i32 to index
    %swap3A_251 = arith.constant 112 : index
    %swap3A_252 = tpu.vector_load %arg9[%swap3A_250, %swap3A_251] {strides = array<i32>} : memref<8x128xf32, #tpu.memory_space<vmem>>, vector<1x16xf32>,
    %swap3A_253 = vector.shape_cast %swap3A_252 : vector<1x16xf32> to vector<16xf32>
    %swap3A_254 = vector.shape_cast %broadcast_in_dim3A_248 : vector<16xf32> to vector<1x16xf32>
    tpu.vector_store %arg9[%swap3A_250, %swap3A_251], %swap3A_254 {strides = array<i32>} : memref<8x128xf32, #tpu.memory_space<vmem>>, vector<1x16xf32>,
    %broadcast_in_dim3A_255 = arith.constant 0.000000e+00 : f32
    %broadcast_in_dim3A_256 = vector.broadcast %broadcast_in_dim3A_255 : f32 to vector<16xf32>
    %swap3A_257 = arith.constant 4 : i32
    %swap3A_258 = arith.index_cast %swap3A_257 : i32 to index
    %swap3A_259 = arith.constant 0 : index
    %swap3A_260 = tpu.vector_load %arg9[%swap3A_258, %swap3A_259] {strides = array<i32>} : memref<8x128xf32, #tpu.memory_space<vmem>>, vector<1x16xf32>,
    %swap3A_261 = vector.shape_cast %swap3A_260 : vector<1x16xf32> to vector<16xf32>
    %swap3A_262 = vector.shape_cast %broadcast_in_dim3A_256 : vector<16xf32> to vector<1x16xf32>
    tpu.vector_store %arg9[%swap3A_258, %swap3A_259], %swap3A_262 {strides = array<i32>} : memref<8x128xf32, #tpu.memory_space<vmem>>, vector<1x16xf32>,
    %broadcast_in_dim3A_263 = arith.constant 0.000000e+00 : f32
    %broadcast_in_dim3A_264 = vector.broadcast %broadcast_in_dim3A_263 : f32 to vector<16xf32>
    %swap3A_265 = arith.constant 4 : i32
    %swap3A_266 = arith.index_cast %swap3A_265 : i32 to index
    %swap3A_267 = arith.constant 16 : index
    %swap3A_268 = tpu.vector_load %arg9[%swap3A_266, %swap3A_267] {strides = array<i32>} : memref<8x128xf32, #tpu.memory_space<vmem>>, vector<1x16xf32>,
    %swap3A_269 = vector.shape_cast %swap3A_268 : vector<1x16xf32> to vector<16xf32>
    %swap3A_270 = vector.shape_cast %broadcast_in_dim3A_264 : vector<16xf32> to vector<1x16xf32>
    tpu.vector_store %arg9[%swap3A_266, %swap3A_267], %swap3A_270 {strides = array<i32>} : memref<8x128xf32, #tpu.memory_space<vmem>>, vector<1x16xf32>,
    %broadcast_in_dim3A_271 = arith.constant 0.000000e+00 : f32
    %broadcast_in_dim3A_272 = vector.broadcast %broadcast_in_dim3A_271 : f32 to vector<16xf32>
    %swap3A_273 = arith.constant 4 : i32
    %swap3A_274 = arith.index_cast %swap3A_273 : i32 to index
    %swap3A_275 = arith.constant 32 : index
    %swap3A_276 = tpu.vector_load %arg9[%swap3A_274, %swap3A_275] {strides = array<i32>} : memref<8x128xf32, #tpu.memory_space<vmem>>, vector<1x16xf32>,
    %swap3A_277 = vector.shape_cast %swap3A_276 : vector<1x16xf32> to vector<16xf32>
    %swap3A_278 = vector.shape_cast %broadcast_in_dim3A_272 : vector<16xf32> to vector<1x16xf32>
    tpu.vector_store %arg9[%swap3A_274, %swap3A_275], %swap3A_278 {strides = array<i32>} : memref<8x128xf32, #tpu.memory_space<vmem>>, vector<1x16xf32>,
    %broadcast_in_dim3A_279 = arith.constant 0.000000e+00 : f32
    %broadcast_in_dim3A_280 = vector.broadcast %broadcast_in_dim3A_279 : f32 to vector<16xf32>
    %swap3A_281 = arith.constant 4 : i32
    %swap3A_282 = arith.index_cast %swap3A_281 : i32 to index
    %swap3A_283 = arith.constant 48 : index
    %swap3A_284 = tpu.vector_load %arg9[%swap3A_282, %swap3A_283] {strides = array<i32>} : memref<8x128xf32, #tpu.memory_space<vmem>>, vector<1x16xf32>,
    %swap3A_285 = vector.shape_cast %swap3A_284 : vector<1x16xf32> to vector<16xf32>
    %swap3A_286 = vector.shape_cast %broadcast_in_dim3A_280 : vector<16xf32> to vector<1x16xf32>
    tpu.vector_store %arg9[%swap3A_282, %swap3A_283], %swap3A_286 {strides = array<i32>} : memref<8x128xf32, #tpu.memory_space<vmem>>, vector<1x16xf32>,
    %broadcast_in_dim3A_287 = arith.constant 0.000000e+00 : f32
    %broadcast_in_dim3A_288 = vector.broadcast %broadcast_in_dim3A_287 : f32 to vector<16xf32>
    %swap3A_289 = arith.constant 4 : i32
    %swap3A_290 = arith.index_cast %swap3A_289 : i32 to index
    %swap3A_291 = arith.constant 64 : index
    %swap3A_292 = tpu.vector_load %arg9[%swap3A_290, %swap3A_291] {strides = array<i32>} : memref<8x128xf32, #tpu.memory_space<vmem>>, vector<1x16xf32>,
    %swap3A_293 = vector.shape_cast %swap3A_292 : vector<1x16xf32> to vector<16xf32>
    %swap3A_294 = vector.shape_cast %broadcast_in_dim3A_288 : vector<16xf32> to vector<1x16xf32>
    tpu.vector_store %arg9[%swap3A_290, %swap3A_291], %swap3A_294 {strides = array<i32>} : memref<8x128xf32, #tpu.memory_space<vmem>>, vector<1x16xf32>,
    %broadcast_in_dim3A_295 = arith.constant 0.000000e+00 : f32
    %broadcast_in_dim3A_296 = vector.broadcast %broadcast_in_dim3A_295 : f32 to vector<16xf32>
    %swap3A_297 = arith.constant 4 : i32
    %swap3A_298 = arith.index_cast %swap3A_297 : i32 to index
    %swap3A_299 = arith.constant 80 : index
    %swap3A_300 = tpu.vector_load %arg9[%swap3A_298, %swap3A_299] {strides = array<i32>} : memref<8x128xf32, #tpu.memory_space<vmem>>, vector<1x16xf32>,
    %swap3A_301 = vector.shape_cast %swap3A_300 : vector<1x16xf32> to vector<16xf32>
    %swap3A_302 = vector.shape_cast %broadcast_in_dim3A_296 : vector<16xf32> to vector<1x16xf32>
    tpu.vector_store %arg9[%swap3A_298, %swap3A_299], %swap3A_302 {strides = array<i32>} : memref<8x128xf32, #tpu.memory_space<vmem>>, vector<1x16xf32>,
    %broadcast_in_dim3A_303 = arith.constant 0.000000e+00 : f32
    %broadcast_in_dim3A_304 = vector.broadcast %broadcast_in_dim3A_303 : f32 to vector<16xf32>
    %swap3A_305 = arith.constant 4 : i32
    %swap3A_306 = arith.index_cast %swap3A_305 : i32 to index
    %swap3A_307 = arith.constant 96 : index
    %swap3A_308 = tpu.vector_load %arg9[%swap3A_306, %swap3A_307] {strides = array<i32>} : memref<8x128xf32, #tpu.memory_space<vmem>>, vector<1x16xf32>,
    %swap3A_309 = vector.shape_cast %swap3A_308 : vector<1x16xf32> to vector<16xf32>
    %swap3A_310 = vector.shape_cast %broadcast_in_dim3A_304 : vector<16xf32> to vector<1x16xf32>
    tpu.vector_store %arg9[%swap3A_306, %swap3A_307], %swap3A_310 {strides = array<i32>} : memref<8x128xf32, #tpu.memory_space<vmem>>, vector<1x16xf32>,
    %broadcast_in_dim3A_311 = arith.constant 0.000000e+00 : f32
    %broadcast_in_dim3A_312 = vector.broadcast %broadcast_in_dim3A_311 : f32 to vector<16xf32>
    %swap3A_313 = arith.constant 4 : i32
    %swap3A_314 = arith.index_cast %swap3A_313 : i32 to index
    %swap3A_315 = arith.constant 112 : index
    %swap3A_316 = tpu.vector_load %arg9[%swap3A_314, %swap3A_315] {strides = array<i32>} : memref<8x128xf32, #tpu.memory_space<vmem>>, vector<1x16xf32>,
    %swap3A_317 = vector.shape_cast %swap3A_316 : vector<1x16xf32> to vector<16xf32>
    %swap3A_318 = vector.shape_cast %broadcast_in_dim3A_312 : vector<16xf32> to vector<1x16xf32>
    tpu.vector_store %arg9[%swap3A_314, %swap3A_315], %swap3A_318 {strides = array<i32>} : memref<8x128xf32, #tpu.memory_space<vmem>>, vector<1x16xf32>,
    %broadcast_in_dim3A_319 = arith.constant 0.000000e+00 : f32
    %broadcast_in_dim3A_320 = vector.broadcast %broadcast_in_dim3A_319 : f32 to vector<16xf32>
    %swap3A_321 = arith.constant 5 : i32
    %swap3A_322 = arith.index_cast %swap3A_321 : i32 to index
    %swap3A_323 = arith.constant 0 : index
    %swap3A_324 = tpu.vector_load %arg9[%swap3A_322, %swap3A_323] {strides = array<i32>} : memref<8x128xf32, #tpu.memory_space<vmem>>, vector<1x16xf32>,
    %swap3A_325 = vector.shape_cast %swap3A_324 : vector<1x16xf32> to vector<16xf32>
    %swap3A_326 = vector.shape_cast %broadcast_in_dim3A_320 : vector<16xf32> to vector<1x16xf32>
    tpu.vector_store %arg9[%swap3A_322, %swap3A_323], %swap3A_326 {strides = array<i32>} : memref<8x128xf32, #tpu.memory_space<vmem>>, vector<1x16xf32>,
    %broadcast_in_dim3A_327 = arith.constant 0.000000e+00 : f32
    %broadcast_in_dim3A_328 = vector.broadcast %broadcast_in_dim3A_327 : f32 to vector<16xf32>
    %swap3A_329 = arith.constant 5 : i32
    %swap3A_330 = arith.index_cast %swap3A_329 : i32 to index
    %swap3A_331 = arith.constant 16 : index
    %swap3A_332 = tpu.vector_load %arg9[%swap3A_330, %swap3A_331] {strides = array<i32>} : memref<8x128xf32, #tpu.memory_space<vmem>>, vector<1x16xf32>,
    %swap3A_333 = vector.shape_cast %swap3A_332 : vector<1x16xf32> to vector<16xf32>
    %swap3A_334 = vector.shape_cast %broadcast_in_dim3A_328 : vector<16xf32> to vector<1x16xf32>
    tpu.vector_store %arg9[%swap3A_330, %swap3A_331], %swap3A_334 {strides = array<i32>} : memref<8x128xf32, #tpu.memory_space<vmem>>, vector<1x16xf32>,
    %broadcast_in_dim3A_335 = arith.constant 0.000000e+00 : f32
    %broadcast_in_dim3A_336 = vector.broadcast %broadcast_in_dim3A_335 : f32 to vector<16xf32>
    %swap3A_337 = arith.constant 5 : i32
    %swap3A_338 = arith.index_cast %swap3A_337 : i32 to index
    %swap3A_339 = arith.constant 32 : index
    %swap3A_340 = tpu.vector_load %arg9[%swap3A_338, %swap3A_339] {strides = array<i32>} : memref<8x128xf32, #tpu.memory_space<vmem>>, vector<1x16xf32>,
    %swap3A_341 = vector.shape_cast %swap3A_340 : vector<1x16xf32> to vector<16xf32>
    %swap3A_342 = vector.shape_cast %broadcast_in_dim3A_336 : vector<16xf32> to vector<1x16xf32>
    tpu.vector_store %arg9[%swap3A_338, %swap3A_339], %swap3A_342 {strides = array<i32>} : memref<8x128xf32, #tpu.memory_space<vmem>>, vector<1x16xf32>,
    %broadcast_in_dim3A_343 = arith.constant 0.000000e+00 : f32
    %broadcast_in_dim3A_344 = vector.broadcast %broadcast_in_dim3A_343 : f32 to vector<16xf32>
    %swap3A_345 = arith.constant 5 : i32
    %swap3A_346 = arith.index_cast %swap3A_345 : i32 to index
    %swap3A_347 = arith.constant 48 : index
    %swap3A_348 = tpu.vector_load %arg9[%swap3A_346, %swap3A_347] {strides = array<i32>} : memref<8x128xf32, #tpu.memory_space<vmem>>, vector<1x16xf32>,
    %swap3A_349 = vector.shape_cast %swap3A_348 : vector<1x16xf32> to vector<16xf32>
    %swap3A_350 = vector.shape_cast %broadcast_in_dim3A_344 : vector<16xf32> to vector<1x16xf32>
    tpu.vector_store %arg9[%swap3A_346, %swap3A_347], %swap3A_350 {strides = array<i32>} : memref<8x128xf32, #tpu.memory_space<vmem>>, vector<1x16xf32>,
    %broadcast_in_dim3A_351 = arith.constant 0.000000e+00 : f32
    %broadcast_in_dim3A_352 = vector.broadcast %broadcast_in_dim3A_351 : f32 to vector<16xf32>
    %swap3A_353 = arith.constant 5 : i32
    %swap3A_354 = arith.index_cast %swap3A_353 : i32 to index
    %swap3A_355 = arith.constant 64 : index
    %swap3A_356 = tpu.vector_load %arg9[%swap3A_354, %swap3A_355] {strides = array<i32>} : memref<8x128xf32, #tpu.memory_space<vmem>>, vector<1x16xf32>,
    %swap3A_357 = vector.shape_cast %swap3A_356 : vector<1x16xf32> to vector<16xf32>
    %swap3A_358 = vector.shape_cast %broadcast_in_dim3A_352 : vector<16xf32> to vector<1x16xf32>
    tpu.vector_store %arg9[%swap3A_354, %swap3A_355], %swap3A_358 {strides = array<i32>} : memref<8x128xf32, #tpu.memory_space<vmem>>, vector<1x16xf32>,
    %broadcast_in_dim3A_359 = arith.constant 0.000000e+00 : f32
    %broadcast_in_dim3A_360 = vector.broadcast %broadcast_in_dim3A_359 : f32 to vector<16xf32>
    %swap3A_361 = arith.constant 5 : i32
    %swap3A_362 = arith.index_cast %swap3A_361 : i32 to index
    %swap3A_363 = arith.constant 80 : index
    %swap3A_364 = tpu.vector_load %arg9[%swap3A_362, %swap3A_363] {strides = array<i32>} : memref<8x128xf32, #tpu.memory_space<vmem>>, vector<1x16xf32>,
    %swap3A_365 = vector.shape_cast %swap3A_364 : vector<1x16xf32> to vector<16xf32>
    %swap3A_366 = vector.shape_cast %broadcast_in_dim3A_360 : vector<16xf32> to vector<1x16xf32>
    tpu.vector_store %arg9[%swap3A_362, %swap3A_363], %swap3A_366 {strides = array<i32>} : memref<8x128xf32, #tpu.memory_space<vmem>>, vector<1x16xf32>,
    %broadcast_in_dim3A_367 = arith.constant 0.000000e+00 : f32
    %broadcast_in_dim3A_368 = vector.broadcast %broadcast_in_dim3A_367 : f32 to vector<16xf32>
    %swap3A_369 = arith.constant 5 : i32
    %swap3A_370 = arith.index_cast %swap3A_369 : i32 to index
    %swap3A_371 = arith.constant 96 : index
    %swap3A_372 = tpu.vector_load %arg9[%swap3A_370, %swap3A_371] {strides = array<i32>} : memref<8x128xf32, #tpu.memory_space<vmem>>, vector<1x16xf32>,
    %swap3A_373 = vector.shape_cast %swap3A_372 : vector<1x16xf32> to vector<16xf32>
    %swap3A_374 = vector.shape_cast %broadcast_in_dim3A_368 : vector<16xf32> to vector<1x16xf32>
    tpu.vector_store %arg9[%swap3A_370, %swap3A_371], %swap3A_374 {strides = array<i32>} : memref<8x128xf32, #tpu.memory_space<vmem>>, vector<1x16xf32>,
    %broadcast_in_dim3A_375 = arith.constant 0.000000e+00 : f32
    %broadcast_in_dim3A_376 = vector.broadcast %broadcast_in_dim3A_375 : f32 to vector<16xf32>
    %swap3A_377 = arith.constant 5 : i32
    %swap3A_378 = arith.index_cast %swap3A_377 : i32 to index
    %swap3A_379 = arith.constant 112 : index
    %swap3A_380 = tpu.vector_load %arg9[%swap3A_378, %swap3A_379] {strides = array<i32>} : memref<8x128xf32, #tpu.memory_space<vmem>>, vector<1x16xf32>,
    %swap3A_381 = vector.shape_cast %swap3A_380 : vector<1x16xf32> to vector<16xf32>
    %swap3A_382 = vector.shape_cast %broadcast_in_dim3A_376 : vector<16xf32> to vector<1x16xf32>
    tpu.vector_store %arg9[%swap3A_378, %swap3A_379], %swap3A_382 {strides = array<i32>} : memref<8x128xf32, #tpu.memory_space<vmem>>, vector<1x16xf32>,
    %broadcast_in_dim3A_383 = arith.constant 0.000000e+00 : f32
    %broadcast_in_dim3A_384 = vector.broadcast %broadcast_in_dim3A_383 : f32 to vector<16xf32>
    %swap3A_385 = arith.constant 6 : i32
    %swap3A_386 = arith.index_cast %swap3A_385 : i32 to index
    %swap3A_387 = arith.constant 0 : index
    %swap3A_388 = tpu.vector_load %arg9[%swap3A_386, %swap3A_387] {strides = array<i32>} : memref<8x128xf32, #tpu.memory_space<vmem>>, vector<1x16xf32>,
    %swap3A_389 = vector.shape_cast %swap3A_388 : vector<1x16xf32> to vector<16xf32>
    %swap3A_390 = vector.shape_cast %broadcast_in_dim3A_384 : vector<16xf32> to vector<1x16xf32>
    tpu.vector_store %arg9[%swap3A_386, %swap3A_387], %swap3A_390 {strides = array<i32>} : memref<8x128xf32, #tpu.memory_space<vmem>>, vector<1x16xf32>,
    %broadcast_in_dim3A_391 = arith.constant 0.000000e+00 : f32
    %broadcast_in_dim3A_392 = vector.broadcast %broadcast_in_dim3A_391 : f32 to vector<16xf32>
    %swap3A_393 = arith.constant 6 : i32
    %swap3A_394 = arith.index_cast %swap3A_393 : i32 to index
    %swap3A_395 = arith.constant 16 : index
    %swap3A_396 = tpu.vector_load %arg9[%swap3A_394, %swap3A_395] {strides = array<i32>} : memref<8x128xf32, #tpu.memory_space<vmem>>, vector<1x16xf32>,
    %swap3A_397 = vector.shape_cast %swap3A_396 : vector<1x16xf32> to vector<16xf32>
    %swap3A_398 = vector.shape_cast %broadcast_in_dim3A_392 : vector<16xf32> to vector<1x16xf32>
    tpu.vector_store %arg9[%swap3A_394, %swap3A_395], %swap3A_398 {strides = array<i32>} : memref<8x128xf32, #tpu.memory_space<vmem>>, vector<1x16xf32>,
    %broadcast_in_dim3A_399 = arith.constant 0.000000e+00 : f32
    %broadcast_in_dim3A_400 = vector.broadcast %broadcast_in_dim3A_399 : f32 to vector<16xf32>
    %swap3A_401 = arith.constant 6 : i32
    %swap3A_402 = arith.index_cast %swap3A_401 : i32 to index
    %swap3A_403 = arith.constant 32 : index
    %swap3A_404 = tpu.vector_load %arg9[%swap3A_402, %swap3A_403] {strides = array<i32>} : memref<8x128xf32, #tpu.memory_space<vmem>>, vector<1x16xf32>,
    %swap3A_405 = vector.shape_cast %swap3A_404 : vector<1x16xf32> to vector<16xf32>
    %swap3A_406 = vector.shape_cast %broadcast_in_dim3A_400 : vector<16xf32> to vector<1x16xf32>
    tpu.vector_store %arg9[%swap3A_402, %swap3A_403], %swap3A_406 {strides = array<i32>} : memref<8x128xf32, #tpu.memory_space<vmem>>, vector<1x16xf32>,
    %broadcast_in_dim3A_407 = arith.constant 0.000000e+00 : f32
    %broadcast_in_dim3A_408 = vector.broadcast %broadcast_in_dim3A_407 : f32 to vector<16xf32>
    %swap3A_409 = arith.constant 6 : i32
    %swap3A_410 = arith.index_cast %swap3A_409 : i32 to index
    %swap3A_411 = arith.constant 48 : index
    %swap3A_412 = tpu.vector_load %arg9[%swap3A_410, %swap3A_411] {strides = array<i32>} : memref<8x128xf32, #tpu.memory_space<vmem>>, vector<1x16xf32>,
    %swap3A_413 = vector.shape_cast %swap3A_412 : vector<1x16xf32> to vector<16xf32>
    %swap3A_414 = vector.shape_cast %broadcast_in_dim3A_408 : vector<16xf32> to vector<1x16xf32>
    tpu.vector_store %arg9[%swap3A_410, %swap3A_411], %swap3A_414 {strides = array<i32>} : memref<8x128xf32, #tpu.memory_space<vmem>>, vector<1x16xf32>,
    %broadcast_in_dim3A_415 = arith.constant 0.000000e+00 : f32
    %broadcast_in_dim3A_416 = vector.broadcast %broadcast_in_dim3A_415 : f32 to vector<16xf32>
    %swap3A_417 = arith.constant 6 : i32
    %swap3A_418 = arith.index_cast %swap3A_417 : i32 to index
    %swap3A_419 = arith.constant 64 : index
    %swap3A_420 = tpu.vector_load %arg9[%swap3A_418, %swap3A_419] {strides = array<i32>} : memref<8x128xf32, #tpu.memory_space<vmem>>, vector<1x16xf32>,
    %swap3A_421 = vector.shape_cast %swap3A_420 : vector<1x16xf32> to vector<16xf32>
    %swap3A_422 = vector.shape_cast %broadcast_in_dim3A_416 : vector<16xf32> to vector<1x16xf32>
    tpu.vector_store %arg9[%swap3A_418, %swap3A_419], %swap3A_422 {strides = array<i32>} : memref<8x128xf32, #tpu.memory_space<vmem>>, vector<1x16xf32>,
    %broadcast_in_dim3A_423 = arith.constant 0.000000e+00 : f32
    %broadcast_in_dim3A_424 = vector.broadcast %broadcast_in_dim3A_423 : f32 to vector<16xf32>
    %swap3A_425 = arith.constant 6 : i32
    %swap3A_426 = arith.index_cast %swap3A_425 : i32 to index
    %swap3A_427 = arith.constant 80 : index
    %swap3A_428 = tpu.vector_load %arg9[%swap3A_426, %swap3A_427] {strides = array<i32>} : memref<8x128xf32, #tpu.memory_space<vmem>>, vector<1x16xf32>,
    %swap3A_429 = vector.shape_cast %swap3A_428 : vector<1x16xf32> to vector<16xf32>
    %swap3A_430 = vector.shape_cast %broadcast_in_dim3A_424 : vector<16xf32> to vector<1x16xf32>
    tpu.vector_store %arg9[%swap3A_426, %swap3A_427], %swap3A_430 {strides = array<i32>} : memref<8x128xf32, #tpu.memory_space<vmem>>, vector<1x16xf32>,
    %broadcast_in_dim3A_431 = arith.constant 0.000000e+00 : f32
    %broadcast_in_dim3A_432 = vector.broadcast %broadcast_in_dim3A_431 : f32 to vector<16xf32>
    %swap3A_433 = arith.constant 6 : i32
    %swap3A_434 = arith.index_cast %swap3A_433 : i32 to index
    %swap3A_435 = arith.constant 96 : index
    %swap3A_436 = tpu.vector_load %arg9[%swap3A_434, %swap3A_435] {strides = array<i32>} : memref<8x128xf32, #tpu.memory_space<vmem>>, vector<1x16xf32>,
    %swap3A_437 = vector.shape_cast %swap3A_436 : vector<1x16xf32> to vector<16xf32>
    %swap3A_438 = vector.shape_cast %broadcast_in_dim3A_432 : vector<16xf32> to vector<1x16xf32>
    tpu.vector_store %arg9[%swap3A_434, %swap3A_435], %swap3A_438 {strides = array<i32>} : memref<8x128xf32, #tpu.memory_space<vmem>>, vector<1x16xf32>,
    %broadcast_in_dim3A_439 = arith.constant 0.000000e+00 : f32
    %broadcast_in_dim3A_440 = vector.broadcast %broadcast_in_dim3A_439 : f32 to vector<16xf32>
    %swap3A_441 = arith.constant 6 : i32
    %swap3A_442 = arith.index_cast %swap3A_441 : i32 to index
    %swap3A_443 = arith.constant 112 : index
    %swap3A_444 = tpu.vector_load %arg9[%swap3A_442, %swap3A_443] {strides = array<i32>} : memref<8x128xf32, #tpu.memory_space<vmem>>, vector<1x16xf32>,
    %swap3A_445 = vector.shape_cast %swap3A_444 : vector<1x16xf32> to vector<16xf32>
    %swap3A_446 = vector.shape_cast %broadcast_in_dim3A_440 : vector<16xf32> to vector<1x16xf32>
    tpu.vector_store %arg9[%swap3A_442, %swap3A_443], %swap3A_446 {strides = array<i32>} : memref<8x128xf32, #tpu.memory_space<vmem>>, vector<1x16xf32>,
    %broadcast_in_dim3A_447 = arith.constant 0.000000e+00 : f32
    %broadcast_in_dim3A_448 = vector.broadcast %broadcast_in_dim3A_447 : f32 to vector<16xf32>
    %swap3A_449 = arith.constant 7 : i32
    %swap3A_450 = arith.index_cast %swap3A_449 : i32 to index
    %swap3A_451 = arith.constant 0 : index
    %swap3A_452 = tpu.vector_load %arg9[%swap3A_450, %swap3A_451] {strides = array<i32>} : memref<8x128xf32, #tpu.memory_space<vmem>>, vector<1x16xf32>,
    %swap3A_453 = vector.shape_cast %swap3A_452 : vector<1x16xf32> to vector<16xf32>
    %swap3A_454 = vector.shape_cast %broadcast_in_dim3A_448 : vector<16xf32> to vector<1x16xf32>
    tpu.vector_store %arg9[%swap3A_450, %swap3A_451], %swap3A_454 {strides = array<i32>} : memref<8x128xf32, #tpu.memory_space<vmem>>, vector<1x16xf32>,
    %broadcast_in_dim3A_455 = arith.constant 0.000000e+00 : f32
    %broadcast_in_dim3A_456 = vector.broadcast %broadcast_in_dim3A_455 : f32 to vector<16xf32>
    %swap3A_457 = arith.constant 7 : i32
    %swap3A_458 = arith.index_cast %swap3A_457 : i32 to index
    %swap3A_459 = arith.constant 16 : index
    %swap3A_460 = tpu.vector_load %arg9[%swap3A_458, %swap3A_459] {strides = array<i32>} : memref<8x128xf32, #tpu.memory_space<vmem>>, vector<1x16xf32>,
    %swap3A_461 = vector.shape_cast %swap3A_460 : vector<1x16xf32> to vector<16xf32>
    %swap3A_462 = vector.shape_cast %broadcast_in_dim3A_456 : vector<16xf32> to vector<1x16xf32>
    tpu.vector_store %arg9[%swap3A_458, %swap3A_459], %swap3A_462 {strides = array<i32>} : memref<8x128xf32, #tpu.memory_space<vmem>>, vector<1x16xf32>,
    %broadcast_in_dim3A_463 = arith.constant 0.000000e+00 : f32
    %broadcast_in_dim3A_464 = vector.broadcast %broadcast_in_dim3A_463 : f32 to vector<16xf32>
    %swap3A_465 = arith.constant 7 : i32
    %swap3A_466 = arith.index_cast %swap3A_465 : i32 to index
    %swap3A_467 = arith.constant 32 : index
    %swap3A_468 = tpu.vector_load %arg9[%swap3A_466, %swap3A_467] {strides = array<i32>} : memref<8x128xf32, #tpu.memory_space<vmem>>, vector<1x16xf32>,
    %swap3A_469 = vector.shape_cast %swap3A_468 : vector<1x16xf32> to vector<16xf32>
    %swap3A_470 = vector.shape_cast %broadcast_in_dim3A_464 : vector<16xf32> to vector<1x16xf32>
    tpu.vector_store %arg9[%swap3A_466, %swap3A_467], %swap3A_470 {strides = array<i32>} : memref<8x128xf32, #tpu.memory_space<vmem>>, vector<1x16xf32>,
    %broadcast_in_dim3A_471 = arith.constant 0.000000e+00 : f32
    %broadcast_in_dim3A_472 = vector.broadcast %broadcast_in_dim3A_471 : f32 to vector<16xf32>
    %swap3A_473 = arith.constant 7 : i32
    %swap3A_474 = arith.index_cast %swap3A_473 : i32 to index
    %swap3A_475 = arith.constant 48 : index
    %swap3A_476 = tpu.vector_load %arg9[%swap3A_474, %swap3A_475] {strides = array<i32>} : memref<8x128xf32, #tpu.memory_space<vmem>>, vector<1x16xf32>,
    %swap3A_477 = vector.shape_cast %swap3A_476 : vector<1x16xf32> to vector<16xf32>
    %swap3A_478 = vector.shape_cast %broadcast_in_dim3A_472 : vector<16xf32> to vector<1x16xf32>
    tpu.vector_store %arg9[%swap3A_474, %swap3A_475], %swap3A_478 {strides = array<i32>} : memref<8x128xf32, #tpu.memory_space<vmem>>, vector<1x16xf32>,
    %broadcast_in_dim3A_479 = arith.constant 0.000000e+00 : f32
    %broadcast_in_dim3A_480 = vector.broadcast %broadcast_in_dim3A_479 : f32 to vector<16xf32>
    %swap3A_481 = arith.constant 7 : i32
    %swap3A_482 = arith.index_cast %swap3A_481 : i32 to index
    %swap3A_483 = arith.constant 64 : index
    %swap3A_484 = tpu.vector_load %arg9[%swap3A_482, %swap3A_483] {strides = array<i32>} : memref<8x128xf32, #tpu.memory_space<vmem>>, vector<1x16xf32>,
    %swap3A_485 = vector.shape_cast %swap3A_484 : vector<1x16xf32> to vector<16xf32>
    %swap3A_486 = vector.shape_cast %broadcast_in_dim3A_480 : vector<16xf32> to vector<1x16xf32>
    tpu.vector_store %arg9[%swap3A_482, %swap3A_483], %swap3A_486 {strides = array<i32>} : memref<8x128xf32, #tpu.memory_space<vmem>>, vector<1x16xf32>,
    %broadcast_in_dim3A_487 = arith.constant 0.000000e+00 : f32
    %broadcast_in_dim3A_488 = vector.broadcast %broadcast_in_dim3A_487 : f32 to vector<16xf32>
    %swap3A_489 = arith.constant 7 : i32
    %swap3A_490 = arith.index_cast %swap3A_489 : i32 to index
    %swap3A_491 = arith.constant 80 : index
    %swap3A_492 = tpu.vector_load %arg9[%swap3A_490, %swap3A_491] {strides = array<i32>} : memref<8x128xf32, #tpu.memory_space<vmem>>, vector<1x16xf32>,
    %swap3A_493 = vector.shape_cast %swap3A_492 : vector<1x16xf32> to vector<16xf32>
    %swap3A_494 = vector.shape_cast %broadcast_in_dim3A_488 : vector<16xf32> to vector<1x16xf32>
    tpu.vector_store %arg9[%swap3A_490, %swap3A_491], %swap3A_494 {strides = array<i32>} : memref<8x128xf32, #tpu.memory_space<vmem>>, vector<1x16xf32>,
    %broadcast_in_dim3A_495 = arith.constant 0.000000e+00 : f32
    %broadcast_in_dim3A_496 = vector.broadcast %broadcast_in_dim3A_495 : f32 to vector<16xf32>
    %swap3A_497 = arith.constant 7 : i32
    %swap3A_498 = arith.index_cast %swap3A_497 : i32 to index
    %swap3A_499 = arith.constant 96 : index
    %swap3A_500 = tpu.vector_load %arg9[%swap3A_498, %swap3A_499] {strides = array<i32>} : memref<8x128xf32, #tpu.memory_space<vmem>>, vector<1x16xf32>,
    %swap3A_501 = vector.shape_cast %swap3A_500 : vector<1x16xf32> to vector<16xf32>
    %swap3A_502 = vector.shape_cast %broadcast_in_dim3A_496 : vector<16xf32> to vector<1x16xf32>
    tpu.vector_store %arg9[%swap3A_498, %swap3A_499], %swap3A_502 {strides = array<i32>} : memref<8x128xf32, #tpu.memory_space<vmem>>, vector<1x16xf32>,
    %broadcast_in_dim3A_503 = arith.constant 0.000000e+00 : f32
    %broadcast_in_dim3A_504 = vector.broadcast %broadcast_in_dim3A_503 : f32 to vector<16xf32>
    %swap3A_505 = arith.constant 7 : i32
    %swap3A_506 = arith.index_cast %swap3A_505 : i32 to index
    %swap3A_507 = arith.constant 112 : index
    %swap3A_508 = tpu.vector_load %arg9[%swap3A_506, %swap3A_507] {strides = array<i32>} : memref<8x128xf32, #tpu.memory_space<vmem>>, vector<1x16xf32>,
    %swap3A_509 = vector.shape_cast %swap3A_508 : vector<1x16xf32> to vector<16xf32>
    %swap3A_510 = vector.shape_cast %broadcast_in_dim3A_504 : vector<16xf32> to vector<1x16xf32>
    tpu.vector_store %arg9[%swap3A_506, %swap3A_507], %swap3A_510 {strides = array<i32>} : memref<8x128xf32, #tpu.memory_space<vmem>>, vector<1x16xf32>,
    %scan3A = arith.constant 0 : i32
    %scan3A_511 = arith.constant 0 : i32
    %scan3A_512 = arith.constant 79 : i32
    %scan3A_513 = arith.addi %scan3A_511, %scan3A_512 : i32
    %scan3A_514 = arith.constant 1 : i32
    scf.for %scan3A_530 = %scan3A_511 to %scan3A_513 step %scan3A_514  : i32 {
      %mul3A_531 = arith.constant 632 : i32
      %mul3A_532 = arith.muli %arg1, %mul3A_531 : i32
      %mul3A_533 = arith.constant 8 : i32
      %mul3A_534 = arith.muli %scan3A_530, %mul3A_533 : i32
      %add3A_535 = arith.addi %mul3A_532, %mul3A_534 : i32
      "tpu.region"() ({
        %run_scoped3A = tpu.sem_alloc : memref<!tpu.dma_semaphore, #tpu.memory_space<semaphore_mem>>
        %dma_start3A = arith.constant 0 : i32
        %dma_start3A_536 = tpu.memref_slice %arg10[%add3A_535, %dma_start3A] : memref<10112x128xf32, #tpu.memory_space<vmem_shared>> -> memref<8x128xf32, #tpu.memory_space<vmem_shared>>
        %dma_start3A_537 = arith.constant 0 : i32
        %dma_start3A_538 = tpu.memref_slice %arg10[%add3A_535, %dma_start3A_537] : memref<10112x128xf32, #tpu.memory_space<vmem_shared>> -> memref<8x128xf32, #tpu.memory_space<vmem_shared>>
        tpu.enqueue_dma source(%arg9 : memref<8x128xf32, #tpu.memory_space<vmem>>) target(%dma_start3A_538 : memref<8x128xf32, #tpu.memory_space<vmem_shared>>) target_semaphore(%run_scoped3A : memref<!tpu.dma_semaphore, #tpu.memory_space<semaphore_mem>>)
        %dma_wait3A = arith.constant 0 : i32
        %dma_wait3A_539 = tpu.memref_slice %arg10[%add3A_535, %dma_wait3A] : memref<10112x128xf32, #tpu.memory_space<vmem_shared>> -> memref<8x128xf32, #tpu.memory_space<vmem_shared>>
        %dma_wait3A_540 = arith.constant 0 : i32
        %dma_wait3A_541 = tpu.memref_slice %arg10[%add3A_535, %dma_wait3A_540] : memref<10112x128xf32, #tpu.memory_space<vmem_shared>> -> memref<8x128xf32, #tpu.memory_space<vmem_shared>>
        tpu.wait_dma2 semaphore(%run_scoped3A : memref<!tpu.dma_semaphore, #tpu.memory_space<semaphore_mem>>) src(%arg9 : memref<8x128xf32, #tpu.memory_space<vmem>>) dst(%dma_wait3A_541 : memref<8x128xf32, #tpu.memory_space<vmem_shared>>)
        tpu.yield
      }) : () -> ()
    }
    %scan3A_515 = arith.constant 79 : i32
    %barrier3A = arith.constant 0 : index
    tpu.barrier barrier_id(%barrier3A)
    %scan3A_516 = arith.constant 0 : i32
    %scan3A_517 = arith.constant 0 : i32
    %scan3A_518 = arith.constant 79 : i32
    %scan3A_519 = arith.addi %scan3A_517, %scan3A_518 : i32
    %scan3A_520 = arith.constant 1 : i32
    scf.for %scan3A_530 = %scan3A_517 to %scan3A_519 step %scan3A_520  : i32 {
      %mul3A_531 = arith.constant 10112 : i32
      %mul3A_532 = arith.muli %add3A, %mul3A_531 : i32
      %mul3A_533 = arith.constant 128 : i32
      %mul3A_534 = arith.muli %scan3A_530, %mul3A_533 : i32
      %add3A_535 = arith.addi %mul3A_532, %mul3A_534 : i32
      "tpu.region"() ({
        %run_scoped3A = tpu.sem_alloc : memref<!tpu.dma_semaphore, #tpu.memory_space<semaphore_mem>>
        %dma_start3A_540 = tpu.memref_slice %arg3[%add3A_535] : memref<323584xi32, #tpu.memory_space<hbm>> -> memref<128xi32, #tpu.memory_space<hbm>>
        %dma_start3A_541 = tpu.memref_slice %arg3[%add3A_535] : memref<323584xi32, #tpu.memory_space<hbm>> -> memref<128xi32, #tpu.memory_space<hbm>>
        tpu.enqueue_dma source(%dma_start3A_541 : memref<128xi32, #tpu.memory_space<hbm>>) target(%arg6 : memref<128xi32, #tpu.memory_space<vmem>>) target_semaphore(%run_scoped3A : memref<!tpu.dma_semaphore, #tpu.memory_space<semaphore_mem>>)
        %dma_wait3A_542 = tpu.memref_slice %arg3[%add3A_535] : memref<323584xi32, #tpu.memory_space<hbm>> -> memref<128xi32, #tpu.memory_space<hbm>>
        %dma_wait3A_543 = tpu.memref_slice %arg3[%add3A_535] : memref<323584xi32, #tpu.memory_space<hbm>> -> memref<128xi32, #tpu.memory_space<hbm>>
        tpu.wait_dma2 semaphore(%run_scoped3A : memref<!tpu.dma_semaphore, #tpu.memory_space<semaphore_mem>>) src(%dma_wait3A_543 : memref<128xi32, #tpu.memory_space<hbm>>) dst(%arg6 : memref<128xi32, #tpu.memory_space<vmem>>)
        tpu.yield
      }) : () -> ()
      "tpu.region"() ({
        %run_scoped3A = tpu.sem_alloc : memref<!tpu.dma_semaphore, #tpu.memory_space<semaphore_mem>>
        %dma_start3A_540 = tpu.memref_slice %arg4[%add3A_535] : memref<323584xi32, #tpu.memory_space<hbm>> -> memref<128xi32, #tpu.memory_space<hbm>>
        %dma_start3A_541 = tpu.memref_slice %arg4[%add3A_535] : memref<323584xi32, #tpu.memory_space<hbm>> -> memref<128xi32, #tpu.memory_space<hbm>>
        tpu.enqueue_dma source(%dma_start3A_541 : memref<128xi32, #tpu.memory_space<hbm>>) target(%arg7 : memref<128xi32, #tpu.memory_space<vmem>>) target_semaphore(%run_scoped3A : memref<!tpu.dma_semaphore, #tpu.memory_space<semaphore_mem>>)
        %dma_wait3A_542 = tpu.memref_slice %arg4[%add3A_535] : memref<323584xi32, #tpu.memory_space<hbm>> -> memref<128xi32, #tpu.memory_space<hbm>>
        %dma_wait3A_543 = tpu.memref_slice %arg4[%add3A_535] : memref<323584xi32, #tpu.memory_space<hbm>> -> memref<128xi32, #tpu.memory_space<hbm>>
        tpu.wait_dma2 semaphore(%run_scoped3A : memref<!tpu.dma_semaphore, #tpu.memory_space<semaphore_mem>>) src(%dma_wait3A_543 : memref<128xi32, #tpu.memory_space<hbm>>) dst(%arg7 : memref<128xi32, #tpu.memory_space<vmem>>)
        tpu.yield
      }) : () -> ()
      %dma_start3A = arith.constant 0 : i32
      %dma_start3A_536 = arith.constant 0 : i32
      %dma_start3A_537 = tpu.memref_slice %arg2[%dma_start3A, %dma_start3A_536] : memref<10000x128xf32, #tpu.memory_space<hbm>> -> memref<10000x128xf32, #tpu.memory_space<hbm>>
      tpu.enqueue_indirect_dma source(%dma_start3A_537 : memref<10000x128xf32, #tpu.memory_space<hbm>>) target(%arg8 : memref<128x128xf32, #tpu.memory_space<vmem>>) offsets(%arg6 : memref<128xi32, #tpu.memory_space<vmem>>) semaphore(%arg11 : memref<!tpu.dma_semaphore, #tpu.memory_space<semaphore_mem>>)
      %dma_wait3A = arith.constant 0 : i32
      %dma_wait3A_538 = arith.constant 0 : i32
      %dma_wait3A_539 = tpu.memref_slice %arg2[%dma_wait3A, %dma_wait3A_538] : memref<10000x128xf32, #tpu.memory_space<hbm>> -> memref<10000x128xf32, #tpu.memory_space<hbm>>
      tpu.wait_indirect_dma semaphore(%arg11 : memref<!tpu.dma_semaphore, #tpu.memory_space<semaphore_mem>>) src(%dma_wait3A_539 : memref<10000x128xf32, #tpu.memory_space<hbm>>) dst(%arg8 : memref<128x128xf32, #tpu.memory_space<vmem>>)
      "tpu.region"() ({
        %run_scoped3A = tpu.sem_alloc : memref<!tpu.dma_semaphore, #tpu.memory_space<semaphore_mem>>
        %dma_start3A_540 = arith.constant 0 : i32
        %dma_start3A_541 = arith.constant 0 : i32
        %dma_start3A_542 = tpu.memref_slice %arg10[%dma_start3A_540, %dma_start3A_541] : memref<10112x128xf32, #tpu.memory_space<vmem_shared>> -> memref<10112x128xf32, #tpu.memory_space<vmem_shared>>
        tpu.enqueue_indirect_dma source(%arg8 : memref<128x128xf32, #tpu.memory_space<vmem>>) target(%dma_start3A_542 : memref<10112x128xf32, #tpu.memory_space<vmem_shared>>) offsets(%arg7 : memref<128xi32, #tpu.memory_space<vmem>>) semaphore(%run_scoped3A : memref<!tpu.dma_semaphore, #tpu.memory_space<semaphore_mem>>) {add = true}
        %dma_wait3A_543 = arith.constant 0 : i32
        %dma_wait3A_544 = arith.constant 0 : i32
        %dma_wait3A_545 = tpu.memref_slice %arg10[%dma_wait3A_543, %dma_wait3A_544] : memref<10112x128xf32, #tpu.memory_space<vmem_shared>> -> memref<10112x128xf32, #tpu.memory_space<vmem_shared>>
        tpu.wait_indirect_dma semaphore(%run_scoped3A : memref<!tpu.dma_semaphore, #tpu.memory_space<semaphore_mem>>) src(%arg8 : memref<128x128xf32, #tpu.memory_space<vmem>>) dst(%dma_wait3A_545 : memref<10112x128xf32, #tpu.memory_space<vmem_shared>>)
        tpu.yield
      }) : () -> ()
    }
    %scan3A_521 = arith.constant 79 : i32
    %barrier3A_522 = arith.constant 0 : index
    tpu.barrier barrier_id(%barrier3A_522)
    %mul3A_523 = arith.constant 632 : i32
    %mul3A_524 = arith.muli %arg1, %mul3A_523 : i32
    %mul3A_525 = arith.constant 10112 : i32
    %mul3A_526 = arith.muli %arg0, %mul3A_525 : i32
    %mul3A_527 = arith.constant 632 : i32
    %mul3A_528 = arith.muli %arg1, %mul3A_527 : i32
    %add3A_529 = arith.addi %mul3A_526, %mul3A_528 : i32
    "tpu.region"() ({
      %run_scoped3A = tpu.sem_alloc : memref<!tpu.dma_semaphore, #tpu.memory_space<semaphore_mem>>
      %dma_start3A = arith.constant 0 : i32
      %dma_start3A_530 = tpu.memref_slice %arg5[%add3A_529, %dma_start3A] : memref<20224x128xf32, #tpu.memory_space<hbm>> -> memref<632x128xf32, #tpu.memory_space<hbm>>
      %dma_start3A_531 = arith.constant 0 : i32
      %dma_start3A_532 = tpu.memref_slice %arg10[%mul3A_524, %dma_start3A_531] : memref<10112x128xf32, #tpu.memory_space<vmem_shared>> -> memref<632x128xf32, #tpu.memory_space<vmem_shared>>
      tpu.enqueue_dma source(%dma_start3A_532 : memref<632x128xf32, #tpu.memory_space<vmem_shared>>) target(%dma_start3A_530 : memref<632x128xf32, #tpu.memory_space<hbm>>) target_semaphore(%run_scoped3A : memref<!tpu.dma_semaphore, #tpu.memory_space<semaphore_mem>>)
      %dma_wait3A = arith.constant 0 : i32
      %dma_wait3A_533 = tpu.memref_slice %arg5[%add3A_529, %dma_wait3A] : memref<20224x128xf32, #tpu.memory_space<hbm>> -> memref<632x128xf32, #tpu.memory_space<hbm>>
      %dma_wait3A_534 = arith.constant 0 : i32
      %dma_wait3A_535 = tpu.memref_slice %arg10[%mul3A_524, %dma_wait3A_534] : memref<10112x128xf32, #tpu.memory_space<vmem_shared>> -> memref<632x128xf32, #tpu.memory_space<vmem_shared>>
      tpu.wait_dma2 semaphore(%run_scoped3A : memref<!tpu.dma_semaphore, #tpu.memory_space<semaphore_mem>>) src(%dma_wait3A_535 : memref<632x128xf32, #tpu.memory_space<vmem_shared>>) dst(%dma_wait3A_533 : memref<632x128xf32, #tpu.memory_space<hbm>>)
      tpu.yield
    }) : () -> ()
    return
  }
}

#map = affine_map<(d0, d1) -> (0, 0)>
#map1 = affine_map<(d0, d1) -> (0)>
module attributes {stable_mosaic.version = 14 : i64} {
  func.func @edge_agg(%arg0: i32, %arg1: i32, %arg2: memref<10000x128xf32, #tpu.memory_space<hbm>>, %arg3: memref<323584xi32, #tpu.memory_space<hbm>>, %arg4: memref<323584xi32, #tpu.memory_space<hbm>>, %arg5: memref<20224x128xf32, #tpu.memory_space<hbm>>, %arg6: memref<128xi32, #tpu.memory_space<vmem>>, %arg7: memref<128xi32, #tpu.memory_space<vmem>>, %arg8: memref<128x128xf32, #tpu.memory_space<vmem>>, %arg9: memref<8x128xf32, #tpu.memory_space<vmem>>, %arg10: memref<10112x128xf32, #tpu.memory_space<vmem_shared>>, %arg11: memref<!tpu.dma_semaphore, #tpu.memory_space<semaphore_mem>>) attributes {dimension_semantics = [#tpu.dimension_semantics<core_parallel>, #tpu.dimension_semantics<subcore_parallel>], iteration_bounds = array<i64: 2, 16>, scalar_prefetch = 0 : i64, scratch_operands = 6 : i64, tpu.core_type = #tpu.core_type<sc_vector_subcore>, window_params = [{transform_indices = #map}, {transform_indices = #map1}, {transform_indices = #map1}, {transform_indices = #map}]} {
    %mul3A = arith.constant 2 : i32
    %mul3A_0 = arith.muli %arg1, %mul3A : i32
    %add3A = arith.addi %mul3A_0, %arg0 : i32
    %broadcast_in_dim3A = arith.constant 0.000000e+00 : f32
    %broadcast_in_dim3A_1 = vector.broadcast %broadcast_in_dim3A : f32 to vector<16xf32>
    %swap3A = arith.constant 0 : i32
    %swap3A_2 = arith.index_cast %swap3A : i32 to index
    %swap3A_3 = arith.constant 0 : index
    %swap3A_4 = tpu.vector_load %arg9[%swap3A_2, %swap3A_3] {strides = array<i32>} : memref<8x128xf32, #tpu.memory_space<vmem>>, vector<1x16xf32>,
    %swap3A_5 = vector.shape_cast %swap3A_4 : vector<1x16xf32> to vector<16xf32>
    %swap3A_6 = vector.shape_cast %broadcast_in_dim3A_1 : vector<16xf32> to vector<1x16xf32>
    tpu.vector_store %arg9[%swap3A_2, %swap3A_3], %swap3A_6 {strides = array<i32>} : memref<8x128xf32, #tpu.memory_space<vmem>>, vector<1x16xf32>,
    %broadcast_in_dim3A_7 = arith.constant 0.000000e+00 : f32
    %broadcast_in_dim3A_8 = vector.broadcast %broadcast_in_dim3A_7 : f32 to vector<16xf32>
    %swap3A_9 = arith.constant 0 : i32
    %swap3A_10 = arith.index_cast %swap3A_9 : i32 to index
    %swap3A_11 = arith.constant 16 : index
    %swap3A_12 = tpu.vector_load %arg9[%swap3A_10, %swap3A_11] {strides = array<i32>} : memref<8x128xf32, #tpu.memory_space<vmem>>, vector<1x16xf32>,
    %swap3A_13 = vector.shape_cast %swap3A_12 : vector<1x16xf32> to vector<16xf32>
    %swap3A_14 = vector.shape_cast %broadcast_in_dim3A_8 : vector<16xf32> to vector<1x16xf32>
    tpu.vector_store %arg9[%swap3A_10, %swap3A_11], %swap3A_14 {strides = array<i32>} : memref<8x128xf32, #tpu.memory_space<vmem>>, vector<1x16xf32>,
    %broadcast_in_dim3A_15 = arith.constant 0.000000e+00 : f32
    %broadcast_in_dim3A_16 = vector.broadcast %broadcast_in_dim3A_15 : f32 to vector<16xf32>
    %swap3A_17 = arith.constant 0 : i32
    %swap3A_18 = arith.index_cast %swap3A_17 : i32 to index
    %swap3A_19 = arith.constant 32 : index
    %swap3A_20 = tpu.vector_load %arg9[%swap3A_18, %swap3A_19] {strides = array<i32>} : memref<8x128xf32, #tpu.memory_space<vmem>>, vector<1x16xf32>,
    %swap3A_21 = vector.shape_cast %swap3A_20 : vector<1x16xf32> to vector<16xf32>
    %swap3A_22 = vector.shape_cast %broadcast_in_dim3A_16 : vector<16xf32> to vector<1x16xf32>
    tpu.vector_store %arg9[%swap3A_18, %swap3A_19], %swap3A_22 {strides = array<i32>} : memref<8x128xf32, #tpu.memory_space<vmem>>, vector<1x16xf32>,
    %broadcast_in_dim3A_23 = arith.constant 0.000000e+00 : f32
    %broadcast_in_dim3A_24 = vector.broadcast %broadcast_in_dim3A_23 : f32 to vector<16xf32>
    %swap3A_25 = arith.constant 0 : i32
    %swap3A_26 = arith.index_cast %swap3A_25 : i32 to index
    %swap3A_27 = arith.constant 48 : index
    %swap3A_28 = tpu.vector_load %arg9[%swap3A_26, %swap3A_27] {strides = array<i32>} : memref<8x128xf32, #tpu.memory_space<vmem>>, vector<1x16xf32>,
    %swap3A_29 = vector.shape_cast %swap3A_28 : vector<1x16xf32> to vector<16xf32>
    %swap3A_30 = vector.shape_cast %broadcast_in_dim3A_24 : vector<16xf32> to vector<1x16xf32>
    tpu.vector_store %arg9[%swap3A_26, %swap3A_27], %swap3A_30 {strides = array<i32>} : memref<8x128xf32, #tpu.memory_space<vmem>>, vector<1x16xf32>,
    %broadcast_in_dim3A_31 = arith.constant 0.000000e+00 : f32
    %broadcast_in_dim3A_32 = vector.broadcast %broadcast_in_dim3A_31 : f32 to vector<16xf32>
    %swap3A_33 = arith.constant 0 : i32
    %swap3A_34 = arith.index_cast %swap3A_33 : i32 to index
    %swap3A_35 = arith.constant 64 : index
    %swap3A_36 = tpu.vector_load %arg9[%swap3A_34, %swap3A_35] {strides = array<i32>} : memref<8x128xf32, #tpu.memory_space<vmem>>, vector<1x16xf32>,
    %swap3A_37 = vector.shape_cast %swap3A_36 : vector<1x16xf32> to vector<16xf32>
    %swap3A_38 = vector.shape_cast %broadcast_in_dim3A_32 : vector<16xf32> to vector<1x16xf32>
    tpu.vector_store %arg9[%swap3A_34, %swap3A_35], %swap3A_38 {strides = array<i32>} : memref<8x128xf32, #tpu.memory_space<vmem>>, vector<1x16xf32>,
    %broadcast_in_dim3A_39 = arith.constant 0.000000e+00 : f32
    %broadcast_in_dim3A_40 = vector.broadcast %broadcast_in_dim3A_39 : f32 to vector<16xf32>
    %swap3A_41 = arith.constant 0 : i32
    %swap3A_42 = arith.index_cast %swap3A_41 : i32 to index
    %swap3A_43 = arith.constant 80 : index
    %swap3A_44 = tpu.vector_load %arg9[%swap3A_42, %swap3A_43] {strides = array<i32>} : memref<8x128xf32, #tpu.memory_space<vmem>>, vector<1x16xf32>,
    %swap3A_45 = vector.shape_cast %swap3A_44 : vector<1x16xf32> to vector<16xf32>
    %swap3A_46 = vector.shape_cast %broadcast_in_dim3A_40 : vector<16xf32> to vector<1x16xf32>
    tpu.vector_store %arg9[%swap3A_42, %swap3A_43], %swap3A_46 {strides = array<i32>} : memref<8x128xf32, #tpu.memory_space<vmem>>, vector<1x16xf32>,
    %broadcast_in_dim3A_47 = arith.constant 0.000000e+00 : f32
    %broadcast_in_dim3A_48 = vector.broadcast %broadcast_in_dim3A_47 : f32 to vector<16xf32>
    %swap3A_49 = arith.constant 0 : i32
    %swap3A_50 = arith.index_cast %swap3A_49 : i32 to index
    %swap3A_51 = arith.constant 96 : index
    %swap3A_52 = tpu.vector_load %arg9[%swap3A_50, %swap3A_51] {strides = array<i32>} : memref<8x128xf32, #tpu.memory_space<vmem>>, vector<1x16xf32>,
    %swap3A_53 = vector.shape_cast %swap3A_52 : vector<1x16xf32> to vector<16xf32>
    %swap3A_54 = vector.shape_cast %broadcast_in_dim3A_48 : vector<16xf32> to vector<1x16xf32>
    tpu.vector_store %arg9[%swap3A_50, %swap3A_51], %swap3A_54 {strides = array<i32>} : memref<8x128xf32, #tpu.memory_space<vmem>>, vector<1x16xf32>,
    %broadcast_in_dim3A_55 = arith.constant 0.000000e+00 : f32
    %broadcast_in_dim3A_56 = vector.broadcast %broadcast_in_dim3A_55 : f32 to vector<16xf32>
    %swap3A_57 = arith.constant 0 : i32
    %swap3A_58 = arith.index_cast %swap3A_57 : i32 to index
    %swap3A_59 = arith.constant 112 : index
    %swap3A_60 = tpu.vector_load %arg9[%swap3A_58, %swap3A_59] {strides = array<i32>} : memref<8x128xf32, #tpu.memory_space<vmem>>, vector<1x16xf32>,
    %swap3A_61 = vector.shape_cast %swap3A_60 : vector<1x16xf32> to vector<16xf32>
    %swap3A_62 = vector.shape_cast %broadcast_in_dim3A_56 : vector<16xf32> to vector<1x16xf32>
    tpu.vector_store %arg9[%swap3A_58, %swap3A_59], %swap3A_62 {strides = array<i32>} : memref<8x128xf32, #tpu.memory_space<vmem>>, vector<1x16xf32>,
    %broadcast_in_dim3A_63 = arith.constant 0.000000e+00 : f32
    %broadcast_in_dim3A_64 = vector.broadcast %broadcast_in_dim3A_63 : f32 to vector<16xf32>
    %swap3A_65 = arith.constant 1 : i32
    %swap3A_66 = arith.index_cast %swap3A_65 : i32 to index
    %swap3A_67 = arith.constant 0 : index
    %swap3A_68 = tpu.vector_load %arg9[%swap3A_66, %swap3A_67] {strides = array<i32>} : memref<8x128xf32, #tpu.memory_space<vmem>>, vector<1x16xf32>,
    %swap3A_69 = vector.shape_cast %swap3A_68 : vector<1x16xf32> to vector<16xf32>
    %swap3A_70 = vector.shape_cast %broadcast_in_dim3A_64 : vector<16xf32> to vector<1x16xf32>
    tpu.vector_store %arg9[%swap3A_66, %swap3A_67], %swap3A_70 {strides = array<i32>} : memref<8x128xf32, #tpu.memory_space<vmem>>, vector<1x16xf32>,
    %broadcast_in_dim3A_71 = arith.constant 0.000000e+00 : f32
    %broadcast_in_dim3A_72 = vector.broadcast %broadcast_in_dim3A_71 : f32 to vector<16xf32>
    %swap3A_73 = arith.constant 1 : i32
    %swap3A_74 = arith.index_cast %swap3A_73 : i32 to index
    %swap3A_75 = arith.constant 16 : index
    %swap3A_76 = tpu.vector_load %arg9[%swap3A_74, %swap3A_75] {strides = array<i32>} : memref<8x128xf32, #tpu.memory_space<vmem>>, vector<1x16xf32>,
    %swap3A_77 = vector.shape_cast %swap3A_76 : vector<1x16xf32> to vector<16xf32>
    %swap3A_78 = vector.shape_cast %broadcast_in_dim3A_72 : vector<16xf32> to vector<1x16xf32>
    tpu.vector_store %arg9[%swap3A_74, %swap3A_75], %swap3A_78 {strides = array<i32>} : memref<8x128xf32, #tpu.memory_space<vmem>>, vector<1x16xf32>,
    %broadcast_in_dim3A_79 = arith.constant 0.000000e+00 : f32
    %broadcast_in_dim3A_80 = vector.broadcast %broadcast_in_dim3A_79 : f32 to vector<16xf32>
    %swap3A_81 = arith.constant 1 : i32
    %swap3A_82 = arith.index_cast %swap3A_81 : i32 to index
    %swap3A_83 = arith.constant 32 : index
    %swap3A_84 = tpu.vector_load %arg9[%swap3A_82, %swap3A_83] {strides = array<i32>} : memref<8x128xf32, #tpu.memory_space<vmem>>, vector<1x16xf32>,
    %swap3A_85 = vector.shape_cast %swap3A_84 : vector<1x16xf32> to vector<16xf32>
    %swap3A_86 = vector.shape_cast %broadcast_in_dim3A_80 : vector<16xf32> to vector<1x16xf32>
    tpu.vector_store %arg9[%swap3A_82, %swap3A_83], %swap3A_86 {strides = array<i32>} : memref<8x128xf32, #tpu.memory_space<vmem>>, vector<1x16xf32>,
    %broadcast_in_dim3A_87 = arith.constant 0.000000e+00 : f32
    %broadcast_in_dim3A_88 = vector.broadcast %broadcast_in_dim3A_87 : f32 to vector<16xf32>
    %swap3A_89 = arith.constant 1 : i32
    %swap3A_90 = arith.index_cast %swap3A_89 : i32 to index
    %swap3A_91 = arith.constant 48 : index
    %swap3A_92 = tpu.vector_load %arg9[%swap3A_90, %swap3A_91] {strides = array<i32>} : memref<8x128xf32, #tpu.memory_space<vmem>>, vector<1x16xf32>,
    %swap3A_93 = vector.shape_cast %swap3A_92 : vector<1x16xf32> to vector<16xf32>
    %swap3A_94 = vector.shape_cast %broadcast_in_dim3A_88 : vector<16xf32> to vector<1x16xf32>
    tpu.vector_store %arg9[%swap3A_90, %swap3A_91], %swap3A_94 {strides = array<i32>} : memref<8x128xf32, #tpu.memory_space<vmem>>, vector<1x16xf32>,
    %broadcast_in_dim3A_95 = arith.constant 0.000000e+00 : f32
    %broadcast_in_dim3A_96 = vector.broadcast %broadcast_in_dim3A_95 : f32 to vector<16xf32>
    %swap3A_97 = arith.constant 1 : i32
    %swap3A_98 = arith.index_cast %swap3A_97 : i32 to index
    %swap3A_99 = arith.constant 64 : index
    %swap3A_100 = tpu.vector_load %arg9[%swap3A_98, %swap3A_99] {strides = array<i32>} : memref<8x128xf32, #tpu.memory_space<vmem>>, vector<1x16xf32>,
    %swap3A_101 = vector.shape_cast %swap3A_100 : vector<1x16xf32> to vector<16xf32>
    %swap3A_102 = vector.shape_cast %broadcast_in_dim3A_96 : vector<16xf32> to vector<1x16xf32>
    tpu.vector_store %arg9[%swap3A_98, %swap3A_99], %swap3A_102 {strides = array<i32>} : memref<8x128xf32, #tpu.memory_space<vmem>>, vector<1x16xf32>,
    %broadcast_in_dim3A_103 = arith.constant 0.000000e+00 : f32
    %broadcast_in_dim3A_104 = vector.broadcast %broadcast_in_dim3A_103 : f32 to vector<16xf32>
    %swap3A_105 = arith.constant 1 : i32
    %swap3A_106 = arith.index_cast %swap3A_105 : i32 to index
    %swap3A_107 = arith.constant 80 : index
    %swap3A_108 = tpu.vector_load %arg9[%swap3A_106, %swap3A_107] {strides = array<i32>} : memref<8x128xf32, #tpu.memory_space<vmem>>, vector<1x16xf32>,
    %swap3A_109 = vector.shape_cast %swap3A_108 : vector<1x16xf32> to vector<16xf32>
    %swap3A_110 = vector.shape_cast %broadcast_in_dim3A_104 : vector<16xf32> to vector<1x16xf32>
    tpu.vector_store %arg9[%swap3A_106, %swap3A_107], %swap3A_110 {strides = array<i32>} : memref<8x128xf32, #tpu.memory_space<vmem>>, vector<1x16xf32>,
    %broadcast_in_dim3A_111 = arith.constant 0.000000e+00 : f32
    %broadcast_in_dim3A_112 = vector.broadcast %broadcast_in_dim3A_111 : f32 to vector<16xf32>
    %swap3A_113 = arith.constant 1 : i32
    %swap3A_114 = arith.index_cast %swap3A_113 : i32 to index
    %swap3A_115 = arith.constant 96 : index
    %swap3A_116 = tpu.vector_load %arg9[%swap3A_114, %swap3A_115] {strides = array<i32>} : memref<8x128xf32, #tpu.memory_space<vmem>>, vector<1x16xf32>,
    %swap3A_117 = vector.shape_cast %swap3A_116 : vector<1x16xf32> to vector<16xf32>
    %swap3A_118 = vector.shape_cast %broadcast_in_dim3A_112 : vector<16xf32> to vector<1x16xf32>
    tpu.vector_store %arg9[%swap3A_114, %swap3A_115], %swap3A_118 {strides = array<i32>} : memref<8x128xf32, #tpu.memory_space<vmem>>, vector<1x16xf32>,
    %broadcast_in_dim3A_119 = arith.constant 0.000000e+00 : f32
    %broadcast_in_dim3A_120 = vector.broadcast %broadcast_in_dim3A_119 : f32 to vector<16xf32>
    %swap3A_121 = arith.constant 1 : i32
    %swap3A_122 = arith.index_cast %swap3A_121 : i32 to index
    %swap3A_123 = arith.constant 112 : index
    %swap3A_124 = tpu.vector_load %arg9[%swap3A_122, %swap3A_123] {strides = array<i32>} : memref<8x128xf32, #tpu.memory_space<vmem>>, vector<1x16xf32>,
    %swap3A_125 = vector.shape_cast %swap3A_124 : vector<1x16xf32> to vector<16xf32>
    %swap3A_126 = vector.shape_cast %broadcast_in_dim3A_120 : vector<16xf32> to vector<1x16xf32>
    tpu.vector_store %arg9[%swap3A_122, %swap3A_123], %swap3A_126 {strides = array<i32>} : memref<8x128xf32, #tpu.memory_space<vmem>>, vector<1x16xf32>,
    %broadcast_in_dim3A_127 = arith.constant 0.000000e+00 : f32
    %broadcast_in_dim3A_128 = vector.broadcast %broadcast_in_dim3A_127 : f32 to vector<16xf32>
    %swap3A_129 = arith.constant 2 : i32
    %swap3A_130 = arith.index_cast %swap3A_129 : i32 to index
    %swap3A_131 = arith.constant 0 : index
    %swap3A_132 = tpu.vector_load %arg9[%swap3A_130, %swap3A_131] {strides = array<i32>} : memref<8x128xf32, #tpu.memory_space<vmem>>, vector<1x16xf32>,
    %swap3A_133 = vector.shape_cast %swap3A_132 : vector<1x16xf32> to vector<16xf32>
    %swap3A_134 = vector.shape_cast %broadcast_in_dim3A_128 : vector<16xf32> to vector<1x16xf32>
    tpu.vector_store %arg9[%swap3A_130, %swap3A_131], %swap3A_134 {strides = array<i32>} : memref<8x128xf32, #tpu.memory_space<vmem>>, vector<1x16xf32>,
    %broadcast_in_dim3A_135 = arith.constant 0.000000e+00 : f32
    %broadcast_in_dim3A_136 = vector.broadcast %broadcast_in_dim3A_135 : f32 to vector<16xf32>
    %swap3A_137 = arith.constant 2 : i32
    %swap3A_138 = arith.index_cast %swap3A_137 : i32 to index
    %swap3A_139 = arith.constant 16 : index
    %swap3A_140 = tpu.vector_load %arg9[%swap3A_138, %swap3A_139] {strides = array<i32>} : memref<8x128xf32, #tpu.memory_space<vmem>>, vector<1x16xf32>,
    %swap3A_141 = vector.shape_cast %swap3A_140 : vector<1x16xf32> to vector<16xf32>
    %swap3A_142 = vector.shape_cast %broadcast_in_dim3A_136 : vector<16xf32> to vector<1x16xf32>
    tpu.vector_store %arg9[%swap3A_138, %swap3A_139], %swap3A_142 {strides = array<i32>} : memref<8x128xf32, #tpu.memory_space<vmem>>, vector<1x16xf32>,
    %broadcast_in_dim3A_143 = arith.constant 0.000000e+00 : f32
    %broadcast_in_dim3A_144 = vector.broadcast %broadcast_in_dim3A_143 : f32 to vector<16xf32>
    %swap3A_145 = arith.constant 2 : i32
    %swap3A_146 = arith.index_cast %swap3A_145 : i32 to index
    %swap3A_147 = arith.constant 32 : index
    %swap3A_148 = tpu.vector_load %arg9[%swap3A_146, %swap3A_147] {strides = array<i32>} : memref<8x128xf32, #tpu.memory_space<vmem>>, vector<1x16xf32>,
    %swap3A_149 = vector.shape_cast %swap3A_148 : vector<1x16xf32> to vector<16xf32>
    %swap3A_150 = vector.shape_cast %broadcast_in_dim3A_144 : vector<16xf32> to vector<1x16xf32>
    tpu.vector_store %arg9[%swap3A_146, %swap3A_147], %swap3A_150 {strides = array<i32>} : memref<8x128xf32, #tpu.memory_space<vmem>>, vector<1x16xf32>,
    %broadcast_in_dim3A_151 = arith.constant 0.000000e+00 : f32
    %broadcast_in_dim3A_152 = vector.broadcast %broadcast_in_dim3A_151 : f32 to vector<16xf32>
    %swap3A_153 = arith.constant 2 : i32
    %swap3A_154 = arith.index_cast %swap3A_153 : i32 to index
    %swap3A_155 = arith.constant 48 : index
    %swap3A_156 = tpu.vector_load %arg9[%swap3A_154, %swap3A_155] {strides = array<i32>} : memref<8x128xf32, #tpu.memory_space<vmem>>, vector<1x16xf32>,
    %swap3A_157 = vector.shape_cast %swap3A_156 : vector<1x16xf32> to vector<16xf32>
    %swap3A_158 = vector.shape_cast %broadcast_in_dim3A_152 : vector<16xf32> to vector<1x16xf32>
    tpu.vector_store %arg9[%swap3A_154, %swap3A_155], %swap3A_158 {strides = array<i32>} : memref<8x128xf32, #tpu.memory_space<vmem>>, vector<1x16xf32>,
    %broadcast_in_dim3A_159 = arith.constant 0.000000e+00 : f32
    %broadcast_in_dim3A_160 = vector.broadcast %broadcast_in_dim3A_159 : f32 to vector<16xf32>
    %swap3A_161 = arith.constant 2 : i32
    %swap3A_162 = arith.index_cast %swap3A_161 : i32 to index
    %swap3A_163 = arith.constant 64 : index
    %swap3A_164 = tpu.vector_load %arg9[%swap3A_162, %swap3A_163] {strides = array<i32>} : memref<8x128xf32, #tpu.memory_space<vmem>>, vector<1x16xf32>,
    %swap3A_165 = vector.shape_cast %swap3A_164 : vector<1x16xf32> to vector<16xf32>
    %swap3A_166 = vector.shape_cast %broadcast_in_dim3A_160 : vector<16xf32> to vector<1x16xf32>
    tpu.vector_store %arg9[%swap3A_162, %swap3A_163], %swap3A_166 {strides = array<i32>} : memref<8x128xf32, #tpu.memory_space<vmem>>, vector<1x16xf32>,
    %broadcast_in_dim3A_167 = arith.constant 0.000000e+00 : f32
    %broadcast_in_dim3A_168 = vector.broadcast %broadcast_in_dim3A_167 : f32 to vector<16xf32>
    %swap3A_169 = arith.constant 2 : i32
    %swap3A_170 = arith.index_cast %swap3A_169 : i32 to index
    %swap3A_171 = arith.constant 80 : index
    %swap3A_172 = tpu.vector_load %arg9[%swap3A_170, %swap3A_171] {strides = array<i32>} : memref<8x128xf32, #tpu.memory_space<vmem>>, vector<1x16xf32>,
    %swap3A_173 = vector.shape_cast %swap3A_172 : vector<1x16xf32> to vector<16xf32>
    %swap3A_174 = vector.shape_cast %broadcast_in_dim3A_168 : vector<16xf32> to vector<1x16xf32>
    tpu.vector_store %arg9[%swap3A_170, %swap3A_171], %swap3A_174 {strides = array<i32>} : memref<8x128xf32, #tpu.memory_space<vmem>>, vector<1x16xf32>,
    %broadcast_in_dim3A_175 = arith.constant 0.000000e+00 : f32
    %broadcast_in_dim3A_176 = vector.broadcast %broadcast_in_dim3A_175 : f32 to vector<16xf32>
    %swap3A_177 = arith.constant 2 : i32
    %swap3A_178 = arith.index_cast %swap3A_177 : i32 to index
    %swap3A_179 = arith.constant 96 : index
    %swap3A_180 = tpu.vector_load %arg9[%swap3A_178, %swap3A_179] {strides = array<i32>} : memref<8x128xf32, #tpu.memory_space<vmem>>, vector<1x16xf32>,
    %swap3A_181 = vector.shape_cast %swap3A_180 : vector<1x16xf32> to vector<16xf32>
    %swap3A_182 = vector.shape_cast %broadcast_in_dim3A_176 : vector<16xf32> to vector<1x16xf32>
    tpu.vector_store %arg9[%swap3A_178, %swap3A_179], %swap3A_182 {strides = array<i32>} : memref<8x128xf32, #tpu.memory_space<vmem>>, vector<1x16xf32>,
    %broadcast_in_dim3A_183 = arith.constant 0.000000e+00 : f32
    %broadcast_in_dim3A_184 = vector.broadcast %broadcast_in_dim3A_183 : f32 to vector<16xf32>
    %swap3A_185 = arith.constant 2 : i32
    %swap3A_186 = arith.index_cast %swap3A_185 : i32 to index
    %swap3A_187 = arith.constant 112 : index
    %swap3A_188 = tpu.vector_load %arg9[%swap3A_186, %swap3A_187] {strides = array<i32>} : memref<8x128xf32, #tpu.memory_space<vmem>>, vector<1x16xf32>,
    %swap3A_189 = vector.shape_cast %swap3A_188 : vector<1x16xf32> to vector<16xf32>
    %swap3A_190 = vector.shape_cast %broadcast_in_dim3A_184 : vector<16xf32> to vector<1x16xf32>
    tpu.vector_store %arg9[%swap3A_186, %swap3A_187], %swap3A_190 {strides = array<i32>} : memref<8x128xf32, #tpu.memory_space<vmem>>, vector<1x16xf32>,
    %broadcast_in_dim3A_191 = arith.constant 0.000000e+00 : f32
    %broadcast_in_dim3A_192 = vector.broadcast %broadcast_in_dim3A_191 : f32 to vector<16xf32>
    %swap3A_193 = arith.constant 3 : i32
    %swap3A_194 = arith.index_cast %swap3A_193 : i32 to index
    %swap3A_195 = arith.constant 0 : index
    %swap3A_196 = tpu.vector_load %arg9[%swap3A_194, %swap3A_195] {strides = array<i32>} : memref<8x128xf32, #tpu.memory_space<vmem>>, vector<1x16xf32>,
    %swap3A_197 = vector.shape_cast %swap3A_196 : vector<1x16xf32> to vector<16xf32>
    %swap3A_198 = vector.shape_cast %broadcast_in_dim3A_192 : vector<16xf32> to vector<1x16xf32>
    tpu.vector_store %arg9[%swap3A_194, %swap3A_195], %swap3A_198 {strides = array<i32>} : memref<8x128xf32, #tpu.memory_space<vmem>>, vector<1x16xf32>,
    %broadcast_in_dim3A_199 = arith.constant 0.000000e+00 : f32
    %broadcast_in_dim3A_200 = vector.broadcast %broadcast_in_dim3A_199 : f32 to vector<16xf32>
    %swap3A_201 = arith.constant 3 : i32
    %swap3A_202 = arith.index_cast %swap3A_201 : i32 to index
    %swap3A_203 = arith.constant 16 : index
    %swap3A_204 = tpu.vector_load %arg9[%swap3A_202, %swap3A_203] {strides = array<i32>} : memref<8x128xf32, #tpu.memory_space<vmem>>, vector<1x16xf32>,
    %swap3A_205 = vector.shape_cast %swap3A_204 : vector<1x16xf32> to vector<16xf32>
    %swap3A_206 = vector.shape_cast %broadcast_in_dim3A_200 : vector<16xf32> to vector<1x16xf32>
    tpu.vector_store %arg9[%swap3A_202, %swap3A_203], %swap3A_206 {strides = array<i32>} : memref<8x128xf32, #tpu.memory_space<vmem>>, vector<1x16xf32>,
    %broadcast_in_dim3A_207 = arith.constant 0.000000e+00 : f32
    %broadcast_in_dim3A_208 = vector.broadcast %broadcast_in_dim3A_207 : f32 to vector<16xf32>
    %swap3A_209 = arith.constant 3 : i32
    %swap3A_210 = arith.index_cast %swap3A_209 : i32 to index
    %swap3A_211 = arith.constant 32 : index
    %swap3A_212 = tpu.vector_load %arg9[%swap3A_210, %swap3A_211] {strides = array<i32>} : memref<8x128xf32, #tpu.memory_space<vmem>>, vector<1x16xf32>,
    %swap3A_213 = vector.shape_cast %swap3A_212 : vector<1x16xf32> to vector<16xf32>
    %swap3A_214 = vector.shape_cast %broadcast_in_dim3A_208 : vector<16xf32> to vector<1x16xf32>
    tpu.vector_store %arg9[%swap3A_210, %swap3A_211], %swap3A_214 {strides = array<i32>} : memref<8x128xf32, #tpu.memory_space<vmem>>, vector<1x16xf32>,
    %broadcast_in_dim3A_215 = arith.constant 0.000000e+00 : f32
    %broadcast_in_dim3A_216 = vector.broadcast %broadcast_in_dim3A_215 : f32 to vector<16xf32>
    %swap3A_217 = arith.constant 3 : i32
    %swap3A_218 = arith.index_cast %swap3A_217 : i32 to index
    %swap3A_219 = arith.constant 48 : index
    %swap3A_220 = tpu.vector_load %arg9[%swap3A_218, %swap3A_219] {strides = array<i32>} : memref<8x128xf32, #tpu.memory_space<vmem>>, vector<1x16xf32>,
    %swap3A_221 = vector.shape_cast %swap3A_220 : vector<1x16xf32> to vector<16xf32>
    %swap3A_222 = vector.shape_cast %broadcast_in_dim3A_216 : vector<16xf32> to vector<1x16xf32>
    tpu.vector_store %arg9[%swap3A_218, %swap3A_219], %swap3A_222 {strides = array<i32>} : memref<8x128xf32, #tpu.memory_space<vmem>>, vector<1x16xf32>,
    %broadcast_in_dim3A_223 = arith.constant 0.000000e+00 : f32
    %broadcast_in_dim3A_224 = vector.broadcast %broadcast_in_dim3A_223 : f32 to vector<16xf32>
    %swap3A_225 = arith.constant 3 : i32
    %swap3A_226 = arith.index_cast %swap3A_225 : i32 to index
    %swap3A_227 = arith.constant 64 : index
    %swap3A_228 = tpu.vector_load %arg9[%swap3A_226, %swap3A_227] {strides = array<i32>} : memref<8x128xf32, #tpu.memory_space<vmem>>, vector<1x16xf32>,
    %swap3A_229 = vector.shape_cast %swap3A_228 : vector<1x16xf32> to vector<16xf32>
    %swap3A_230 = vector.shape_cast %broadcast_in_dim3A_224 : vector<16xf32> to vector<1x16xf32>
    tpu.vector_store %arg9[%swap3A_226, %swap3A_227], %swap3A_230 {strides = array<i32>} : memref<8x128xf32, #tpu.memory_space<vmem>>, vector<1x16xf32>,
    %broadcast_in_dim3A_231 = arith.constant 0.000000e+00 : f32
    %broadcast_in_dim3A_232 = vector.broadcast %broadcast_in_dim3A_231 : f32 to vector<16xf32>
    %swap3A_233 = arith.constant 3 : i32
    %swap3A_234 = arith.index_cast %swap3A_233 : i32 to index
    %swap3A_235 = arith.constant 80 : index
    %swap3A_236 = tpu.vector_load %arg9[%swap3A_234, %swap3A_235] {strides = array<i32>} : memref<8x128xf32, #tpu.memory_space<vmem>>, vector<1x16xf32>,
    %swap3A_237 = vector.shape_cast %swap3A_236 : vector<1x16xf32> to vector<16xf32>
    %swap3A_238 = vector.shape_cast %broadcast_in_dim3A_232 : vector<16xf32> to vector<1x16xf32>
    tpu.vector_store %arg9[%swap3A_234, %swap3A_235], %swap3A_238 {strides = array<i32>} : memref<8x128xf32, #tpu.memory_space<vmem>>, vector<1x16xf32>,
    %broadcast_in_dim3A_239 = arith.constant 0.000000e+00 : f32
    %broadcast_in_dim3A_240 = vector.broadcast %broadcast_in_dim3A_239 : f32 to vector<16xf32>
    %swap3A_241 = arith.constant 3 : i32
    %swap3A_242 = arith.index_cast %swap3A_241 : i32 to index
    %swap3A_243 = arith.constant 96 : index
    %swap3A_244 = tpu.vector_load %arg9[%swap3A_242, %swap3A_243] {strides = array<i32>} : memref<8x128xf32, #tpu.memory_space<vmem>>, vector<1x16xf32>,
    %swap3A_245 = vector.shape_cast %swap3A_244 : vector<1x16xf32> to vector<16xf32>
    %swap3A_246 = vector.shape_cast %broadcast_in_dim3A_240 : vector<16xf32> to vector<1x16xf32>
    tpu.vector_store %arg9[%swap3A_242, %swap3A_243], %swap3A_246 {strides = array<i32>} : memref<8x128xf32, #tpu.memory_space<vmem>>, vector<1x16xf32>,
    %broadcast_in_dim3A_247 = arith.constant 0.000000e+00 : f32
    %broadcast_in_dim3A_248 = vector.broadcast %broadcast_in_dim3A_247 : f32 to vector<16xf32>
    %swap3A_249 = arith.constant 3 : i32
    %swap3A_250 = arith.index_cast %swap3A_249 : i32 to index
    %swap3A_251 = arith.constant 112 : index
    %swap3A_252 = tpu.vector_load %arg9[%swap3A_250, %swap3A_251] {strides = array<i32>} : memref<8x128xf32, #tpu.memory_space<vmem>>, vector<1x16xf32>,
    %swap3A_253 = vector.shape_cast %swap3A_252 : vector<1x16xf32> to vector<16xf32>
    %swap3A_254 = vector.shape_cast %broadcast_in_dim3A_248 : vector<16xf32> to vector<1x16xf32>
    tpu.vector_store %arg9[%swap3A_250, %swap3A_251], %swap3A_254 {strides = array<i32>} : memref<8x128xf32, #tpu.memory_space<vmem>>, vector<1x16xf32>,
    %broadcast_in_dim3A_255 = arith.constant 0.000000e+00 : f32
    %broadcast_in_dim3A_256 = vector.broadcast %broadcast_in_dim3A_255 : f32 to vector<16xf32>
    %swap3A_257 = arith.constant 4 : i32
    %swap3A_258 = arith.index_cast %swap3A_257 : i32 to index
    %swap3A_259 = arith.constant 0 : index
    %swap3A_260 = tpu.vector_load %arg9[%swap3A_258, %swap3A_259] {strides = array<i32>} : memref<8x128xf32, #tpu.memory_space<vmem>>, vector<1x16xf32>,
    %swap3A_261 = vector.shape_cast %swap3A_260 : vector<1x16xf32> to vector<16xf32>
    %swap3A_262 = vector.shape_cast %broadcast_in_dim3A_256 : vector<16xf32> to vector<1x16xf32>
    tpu.vector_store %arg9[%swap3A_258, %swap3A_259], %swap3A_262 {strides = array<i32>} : memref<8x128xf32, #tpu.memory_space<vmem>>, vector<1x16xf32>,
    %broadcast_in_dim3A_263 = arith.constant 0.000000e+00 : f32
    %broadcast_in_dim3A_264 = vector.broadcast %broadcast_in_dim3A_263 : f32 to vector<16xf32>
    %swap3A_265 = arith.constant 4 : i32
    %swap3A_266 = arith.index_cast %swap3A_265 : i32 to index
    %swap3A_267 = arith.constant 16 : index
    %swap3A_268 = tpu.vector_load %arg9[%swap3A_266, %swap3A_267] {strides = array<i32>} : memref<8x128xf32, #tpu.memory_space<vmem>>, vector<1x16xf32>,
    %swap3A_269 = vector.shape_cast %swap3A_268 : vector<1x16xf32> to vector<16xf32>
    %swap3A_270 = vector.shape_cast %broadcast_in_dim3A_264 : vector<16xf32> to vector<1x16xf32>
    tpu.vector_store %arg9[%swap3A_266, %swap3A_267], %swap3A_270 {strides = array<i32>} : memref<8x128xf32, #tpu.memory_space<vmem>>, vector<1x16xf32>,
    %broadcast_in_dim3A_271 = arith.constant 0.000000e+00 : f32
    %broadcast_in_dim3A_272 = vector.broadcast %broadcast_in_dim3A_271 : f32 to vector<16xf32>
    %swap3A_273 = arith.constant 4 : i32
    %swap3A_274 = arith.index_cast %swap3A_273 : i32 to index
    %swap3A_275 = arith.constant 32 : index
    %swap3A_276 = tpu.vector_load %arg9[%swap3A_274, %swap3A_275] {strides = array<i32>} : memref<8x128xf32, #tpu.memory_space<vmem>>, vector<1x16xf32>,
    %swap3A_277 = vector.shape_cast %swap3A_276 : vector<1x16xf32> to vector<16xf32>
    %swap3A_278 = vector.shape_cast %broadcast_in_dim3A_272 : vector<16xf32> to vector<1x16xf32>
    tpu.vector_store %arg9[%swap3A_274, %swap3A_275], %swap3A_278 {strides = array<i32>} : memref<8x128xf32, #tpu.memory_space<vmem>>, vector<1x16xf32>,
    %broadcast_in_dim3A_279 = arith.constant 0.000000e+00 : f32
    %broadcast_in_dim3A_280 = vector.broadcast %broadcast_in_dim3A_279 : f32 to vector<16xf32>
    %swap3A_281 = arith.constant 4 : i32
    %swap3A_282 = arith.index_cast %swap3A_281 : i32 to index
    %swap3A_283 = arith.constant 48 : index
    %swap3A_284 = tpu.vector_load %arg9[%swap3A_282, %swap3A_283] {strides = array<i32>} : memref<8x128xf32, #tpu.memory_space<vmem>>, vector<1x16xf32>,
    %swap3A_285 = vector.shape_cast %swap3A_284 : vector<1x16xf32> to vector<16xf32>
    %swap3A_286 = vector.shape_cast %broadcast_in_dim3A_280 : vector<16xf32> to vector<1x16xf32>
    tpu.vector_store %arg9[%swap3A_282, %swap3A_283], %swap3A_286 {strides = array<i32>} : memref<8x128xf32, #tpu.memory_space<vmem>>, vector<1x16xf32>,
    %broadcast_in_dim3A_287 = arith.constant 0.000000e+00 : f32
    %broadcast_in_dim3A_288 = vector.broadcast %broadcast_in_dim3A_287 : f32 to vector<16xf32>
    %swap3A_289 = arith.constant 4 : i32
    %swap3A_290 = arith.index_cast %swap3A_289 : i32 to index
    %swap3A_291 = arith.constant 64 : index
    %swap3A_292 = tpu.vector_load %arg9[%swap3A_290, %swap3A_291] {strides = array<i32>} : memref<8x128xf32, #tpu.memory_space<vmem>>, vector<1x16xf32>,
    %swap3A_293 = vector.shape_cast %swap3A_292 : vector<1x16xf32> to vector<16xf32>
    %swap3A_294 = vector.shape_cast %broadcast_in_dim3A_288 : vector<16xf32> to vector<1x16xf32>
    tpu.vector_store %arg9[%swap3A_290, %swap3A_291], %swap3A_294 {strides = array<i32>} : memref<8x128xf32, #tpu.memory_space<vmem>>, vector<1x16xf32>,
    %broadcast_in_dim3A_295 = arith.constant 0.000000e+00 : f32
    %broadcast_in_dim3A_296 = vector.broadcast %broadcast_in_dim3A_295 : f32 to vector<16xf32>
    %swap3A_297 = arith.constant 4 : i32
    %swap3A_298 = arith.index_cast %swap3A_297 : i32 to index
    %swap3A_299 = arith.constant 80 : index
    %swap3A_300 = tpu.vector_load %arg9[%swap3A_298, %swap3A_299] {strides = array<i32>} : memref<8x128xf32, #tpu.memory_space<vmem>>, vector<1x16xf32>,
    %swap3A_301 = vector.shape_cast %swap3A_300 : vector<1x16xf32> to vector<16xf32>
    %swap3A_302 = vector.shape_cast %broadcast_in_dim3A_296 : vector<16xf32> to vector<1x16xf32>
    tpu.vector_store %arg9[%swap3A_298, %swap3A_299], %swap3A_302 {strides = array<i32>} : memref<8x128xf32, #tpu.memory_space<vmem>>, vector<1x16xf32>,
    %broadcast_in_dim3A_303 = arith.constant 0.000000e+00 : f32
    %broadcast_in_dim3A_304 = vector.broadcast %broadcast_in_dim3A_303 : f32 to vector<16xf32>
    %swap3A_305 = arith.constant 4 : i32
    %swap3A_306 = arith.index_cast %swap3A_305 : i32 to index
    %swap3A_307 = arith.constant 96 : index
    %swap3A_308 = tpu.vector_load %arg9[%swap3A_306, %swap3A_307] {strides = array<i32>} : memref<8x128xf32, #tpu.memory_space<vmem>>, vector<1x16xf32>,
    %swap3A_309 = vector.shape_cast %swap3A_308 : vector<1x16xf32> to vector<16xf32>
    %swap3A_310 = vector.shape_cast %broadcast_in_dim3A_304 : vector<16xf32> to vector<1x16xf32>
    tpu.vector_store %arg9[%swap3A_306, %swap3A_307], %swap3A_310 {strides = array<i32>} : memref<8x128xf32, #tpu.memory_space<vmem>>, vector<1x16xf32>,
    %broadcast_in_dim3A_311 = arith.constant 0.000000e+00 : f32
    %broadcast_in_dim3A_312 = vector.broadcast %broadcast_in_dim3A_311 : f32 to vector<16xf32>
    %swap3A_313 = arith.constant 4 : i32
    %swap3A_314 = arith.index_cast %swap3A_313 : i32 to index
    %swap3A_315 = arith.constant 112 : index
    %swap3A_316 = tpu.vector_load %arg9[%swap3A_314, %swap3A_315] {strides = array<i32>} : memref<8x128xf32, #tpu.memory_space<vmem>>, vector<1x16xf32>,
    %swap3A_317 = vector.shape_cast %swap3A_316 : vector<1x16xf32> to vector<16xf32>
    %swap3A_318 = vector.shape_cast %broadcast_in_dim3A_312 : vector<16xf32> to vector<1x16xf32>
    tpu.vector_store %arg9[%swap3A_314, %swap3A_315], %swap3A_318 {strides = array<i32>} : memref<8x128xf32, #tpu.memory_space<vmem>>, vector<1x16xf32>,
    %broadcast_in_dim3A_319 = arith.constant 0.000000e+00 : f32
    %broadcast_in_dim3A_320 = vector.broadcast %broadcast_in_dim3A_319 : f32 to vector<16xf32>
    %swap3A_321 = arith.constant 5 : i32
    %swap3A_322 = arith.index_cast %swap3A_321 : i32 to index
    %swap3A_323 = arith.constant 0 : index
    %swap3A_324 = tpu.vector_load %arg9[%swap3A_322, %swap3A_323] {strides = array<i32>} : memref<8x128xf32, #tpu.memory_space<vmem>>, vector<1x16xf32>,
    %swap3A_325 = vector.shape_cast %swap3A_324 : vector<1x16xf32> to vector<16xf32>
    %swap3A_326 = vector.shape_cast %broadcast_in_dim3A_320 : vector<16xf32> to vector<1x16xf32>
    tpu.vector_store %arg9[%swap3A_322, %swap3A_323], %swap3A_326 {strides = array<i32>} : memref<8x128xf32, #tpu.memory_space<vmem>>, vector<1x16xf32>,
    %broadcast_in_dim3A_327 = arith.constant 0.000000e+00 : f32
    %broadcast_in_dim3A_328 = vector.broadcast %broadcast_in_dim3A_327 : f32 to vector<16xf32>
    %swap3A_329 = arith.constant 5 : i32
    %swap3A_330 = arith.index_cast %swap3A_329 : i32 to index
    %swap3A_331 = arith.constant 16 : index
    %swap3A_332 = tpu.vector_load %arg9[%swap3A_330, %swap3A_331] {strides = array<i32>} : memref<8x128xf32, #tpu.memory_space<vmem>>, vector<1x16xf32>,
    %swap3A_333 = vector.shape_cast %swap3A_332 : vector<1x16xf32> to vector<16xf32>
    %swap3A_334 = vector.shape_cast %broadcast_in_dim3A_328 : vector<16xf32> to vector<1x16xf32>
    tpu.vector_store %arg9[%swap3A_330, %swap3A_331], %swap3A_334 {strides = array<i32>} : memref<8x128xf32, #tpu.memory_space<vmem>>, vector<1x16xf32>,
    %broadcast_in_dim3A_335 = arith.constant 0.000000e+00 : f32
    %broadcast_in_dim3A_336 = vector.broadcast %broadcast_in_dim3A_335 : f32 to vector<16xf32>
    %swap3A_337 = arith.constant 5 : i32
    %swap3A_338 = arith.index_cast %swap3A_337 : i32 to index
    %swap3A_339 = arith.constant 32 : index
    %swap3A_340 = tpu.vector_load %arg9[%swap3A_338, %swap3A_339] {strides = array<i32>} : memref<8x128xf32, #tpu.memory_space<vmem>>, vector<1x16xf32>,
    %swap3A_341 = vector.shape_cast %swap3A_340 : vector<1x16xf32> to vector<16xf32>
    %swap3A_342 = vector.shape_cast %broadcast_in_dim3A_336 : vector<16xf32> to vector<1x16xf32>
    tpu.vector_store %arg9[%swap3A_338, %swap3A_339], %swap3A_342 {strides = array<i32>} : memref<8x128xf32, #tpu.memory_space<vmem>>, vector<1x16xf32>,
    %broadcast_in_dim3A_343 = arith.constant 0.000000e+00 : f32
    %broadcast_in_dim3A_344 = vector.broadcast %broadcast_in_dim3A_343 : f32 to vector<16xf32>
    %swap3A_345 = arith.constant 5 : i32
    %swap3A_346 = arith.index_cast %swap3A_345 : i32 to index
    %swap3A_347 = arith.constant 48 : index
    %swap3A_348 = tpu.vector_load %arg9[%swap3A_346, %swap3A_347] {strides = array<i32>} : memref<8x128xf32, #tpu.memory_space<vmem>>, vector<1x16xf32>,
    %swap3A_349 = vector.shape_cast %swap3A_348 : vector<1x16xf32> to vector<16xf32>
    %swap3A_350 = vector.shape_cast %broadcast_in_dim3A_344 : vector<16xf32> to vector<1x16xf32>
    tpu.vector_store %arg9[%swap3A_346, %swap3A_347], %swap3A_350 {strides = array<i32>} : memref<8x128xf32, #tpu.memory_space<vmem>>, vector<1x16xf32>,
    %broadcast_in_dim3A_351 = arith.constant 0.000000e+00 : f32
    %broadcast_in_dim3A_352 = vector.broadcast %broadcast_in_dim3A_351 : f32 to vector<16xf32>
    %swap3A_353 = arith.constant 5 : i32
    %swap3A_354 = arith.index_cast %swap3A_353 : i32 to index
    %swap3A_355 = arith.constant 64 : index
    %swap3A_356 = tpu.vector_load %arg9[%swap3A_354, %swap3A_355] {strides = array<i32>} : memref<8x128xf32, #tpu.memory_space<vmem>>, vector<1x16xf32>,
    %swap3A_357 = vector.shape_cast %swap3A_356 : vector<1x16xf32> to vector<16xf32>
    %swap3A_358 = vector.shape_cast %broadcast_in_dim3A_352 : vector<16xf32> to vector<1x16xf32>
    tpu.vector_store %arg9[%swap3A_354, %swap3A_355], %swap3A_358 {strides = array<i32>} : memref<8x128xf32, #tpu.memory_space<vmem>>, vector<1x16xf32>,
    %broadcast_in_dim3A_359 = arith.constant 0.000000e+00 : f32
    %broadcast_in_dim3A_360 = vector.broadcast %broadcast_in_dim3A_359 : f32 to vector<16xf32>
    %swap3A_361 = arith.constant 5 : i32
    %swap3A_362 = arith.index_cast %swap3A_361 : i32 to index
    %swap3A_363 = arith.constant 80 : index
    %swap3A_364 = tpu.vector_load %arg9[%swap3A_362, %swap3A_363] {strides = array<i32>} : memref<8x128xf32, #tpu.memory_space<vmem>>, vector<1x16xf32>,
    %swap3A_365 = vector.shape_cast %swap3A_364 : vector<1x16xf32> to vector<16xf32>
    %swap3A_366 = vector.shape_cast %broadcast_in_dim3A_360 : vector<16xf32> to vector<1x16xf32>
    tpu.vector_store %arg9[%swap3A_362, %swap3A_363], %swap3A_366 {strides = array<i32>} : memref<8x128xf32, #tpu.memory_space<vmem>>, vector<1x16xf32>,
    %broadcast_in_dim3A_367 = arith.constant 0.000000e+00 : f32
    %broadcast_in_dim3A_368 = vector.broadcast %broadcast_in_dim3A_367 : f32 to vector<16xf32>
    %swap3A_369 = arith.constant 5 : i32
    %swap3A_370 = arith.index_cast %swap3A_369 : i32 to index
    %swap3A_371 = arith.constant 96 : index
    %swap3A_372 = tpu.vector_load %arg9[%swap3A_370, %swap3A_371] {strides = array<i32>} : memref<8x128xf32, #tpu.memory_space<vmem>>, vector<1x16xf32>,
    %swap3A_373 = vector.shape_cast %swap3A_372 : vector<1x16xf32> to vector<16xf32>
    %swap3A_374 = vector.shape_cast %broadcast_in_dim3A_368 : vector<16xf32> to vector<1x16xf32>
    tpu.vector_store %arg9[%swap3A_370, %swap3A_371], %swap3A_374 {strides = array<i32>} : memref<8x128xf32, #tpu.memory_space<vmem>>, vector<1x16xf32>,
    %broadcast_in_dim3A_375 = arith.constant 0.000000e+00 : f32
    %broadcast_in_dim3A_376 = vector.broadcast %broadcast_in_dim3A_375 : f32 to vector<16xf32>
    %swap3A_377 = arith.constant 5 : i32
    %swap3A_378 = arith.index_cast %swap3A_377 : i32 to index
    %swap3A_379 = arith.constant 112 : index
    %swap3A_380 = tpu.vector_load %arg9[%swap3A_378, %swap3A_379] {strides = array<i32>} : memref<8x128xf32, #tpu.memory_space<vmem>>, vector<1x16xf32>,
    %swap3A_381 = vector.shape_cast %swap3A_380 : vector<1x16xf32> to vector<16xf32>
    %swap3A_382 = vector.shape_cast %broadcast_in_dim3A_376 : vector<16xf32> to vector<1x16xf32>
    tpu.vector_store %arg9[%swap3A_378, %swap3A_379], %swap3A_382 {strides = array<i32>} : memref<8x128xf32, #tpu.memory_space<vmem>>, vector<1x16xf32>,
    %broadcast_in_dim3A_383 = arith.constant 0.000000e+00 : f32
    %broadcast_in_dim3A_384 = vector.broadcast %broadcast_in_dim3A_383 : f32 to vector<16xf32>
    %swap3A_385 = arith.constant 6 : i32
    %swap3A_386 = arith.index_cast %swap3A_385 : i32 to index
    %swap3A_387 = arith.constant 0 : index
    %swap3A_388 = tpu.vector_load %arg9[%swap3A_386, %swap3A_387] {strides = array<i32>} : memref<8x128xf32, #tpu.memory_space<vmem>>, vector<1x16xf32>,
    %swap3A_389 = vector.shape_cast %swap3A_388 : vector<1x16xf32> to vector<16xf32>
    %swap3A_390 = vector.shape_cast %broadcast_in_dim3A_384 : vector<16xf32> to vector<1x16xf32>
    tpu.vector_store %arg9[%swap3A_386, %swap3A_387], %swap3A_390 {strides = array<i32>} : memref<8x128xf32, #tpu.memory_space<vmem>>, vector<1x16xf32>,
    %broadcast_in_dim3A_391 = arith.constant 0.000000e+00 : f32
    %broadcast_in_dim3A_392 = vector.broadcast %broadcast_in_dim3A_391 : f32 to vector<16xf32>
    %swap3A_393 = arith.constant 6 : i32
    %swap3A_394 = arith.index_cast %swap3A_393 : i32 to index
    %swap3A_395 = arith.constant 16 : index
    %swap3A_396 = tpu.vector_load %arg9[%swap3A_394, %swap3A_395] {strides = array<i32>} : memref<8x128xf32, #tpu.memory_space<vmem>>, vector<1x16xf32>,
    %swap3A_397 = vector.shape_cast %swap3A_396 : vector<1x16xf32> to vector<16xf32>
    %swap3A_398 = vector.shape_cast %broadcast_in_dim3A_392 : vector<16xf32> to vector<1x16xf32>
    tpu.vector_store %arg9[%swap3A_394, %swap3A_395], %swap3A_398 {strides = array<i32>} : memref<8x128xf32, #tpu.memory_space<vmem>>, vector<1x16xf32>,
    %broadcast_in_dim3A_399 = arith.constant 0.000000e+00 : f32
    %broadcast_in_dim3A_400 = vector.broadcast %broadcast_in_dim3A_399 : f32 to vector<16xf32>
    %swap3A_401 = arith.constant 6 : i32
    %swap3A_402 = arith.index_cast %swap3A_401 : i32 to index
    %swap3A_403 = arith.constant 32 : index
    %swap3A_404 = tpu.vector_load %arg9[%swap3A_402, %swap3A_403] {strides = array<i32>} : memref<8x128xf32, #tpu.memory_space<vmem>>, vector<1x16xf32>,
    %swap3A_405 = vector.shape_cast %swap3A_404 : vector<1x16xf32> to vector<16xf32>
    %swap3A_406 = vector.shape_cast %broadcast_in_dim3A_400 : vector<16xf32> to vector<1x16xf32>
    tpu.vector_store %arg9[%swap3A_402, %swap3A_403], %swap3A_406 {strides = array<i32>} : memref<8x128xf32, #tpu.memory_space<vmem>>, vector<1x16xf32>,
    %broadcast_in_dim3A_407 = arith.constant 0.000000e+00 : f32
    %broadcast_in_dim3A_408 = vector.broadcast %broadcast_in_dim3A_407 : f32 to vector<16xf32>
    %swap3A_409 = arith.constant 6 : i32
    %swap3A_410 = arith.index_cast %swap3A_409 : i32 to index
    %swap3A_411 = arith.constant 48 : index
    %swap3A_412 = tpu.vector_load %arg9[%swap3A_410, %swap3A_411] {strides = array<i32>} : memref<8x128xf32, #tpu.memory_space<vmem>>, vector<1x16xf32>,
    %swap3A_413 = vector.shape_cast %swap3A_412 : vector<1x16xf32> to vector<16xf32>
    %swap3A_414 = vector.shape_cast %broadcast_in_dim3A_408 : vector<16xf32> to vector<1x16xf32>
    tpu.vector_store %arg9[%swap3A_410, %swap3A_411], %swap3A_414 {strides = array<i32>} : memref<8x128xf32, #tpu.memory_space<vmem>>, vector<1x16xf32>,
    %broadcast_in_dim3A_415 = arith.constant 0.000000e+00 : f32
    %broadcast_in_dim3A_416 = vector.broadcast %broadcast_in_dim3A_415 : f32 to vector<16xf32>
    %swap3A_417 = arith.constant 6 : i32
    %swap3A_418 = arith.index_cast %swap3A_417 : i32 to index
    %swap3A_419 = arith.constant 64 : index
    %swap3A_420 = tpu.vector_load %arg9[%swap3A_418, %swap3A_419] {strides = array<i32>} : memref<8x128xf32, #tpu.memory_space<vmem>>, vector<1x16xf32>,
    %swap3A_421 = vector.shape_cast %swap3A_420 : vector<1x16xf32> to vector<16xf32>
    %swap3A_422 = vector.shape_cast %broadcast_in_dim3A_416 : vector<16xf32> to vector<1x16xf32>
    tpu.vector_store %arg9[%swap3A_418, %swap3A_419], %swap3A_422 {strides = array<i32>} : memref<8x128xf32, #tpu.memory_space<vmem>>, vector<1x16xf32>,
    %broadcast_in_dim3A_423 = arith.constant 0.000000e+00 : f32
    %broadcast_in_dim3A_424 = vector.broadcast %broadcast_in_dim3A_423 : f32 to vector<16xf32>
    %swap3A_425 = arith.constant 6 : i32
    %swap3A_426 = arith.index_cast %swap3A_425 : i32 to index
    %swap3A_427 = arith.constant 80 : index
    %swap3A_428 = tpu.vector_load %arg9[%swap3A_426, %swap3A_427] {strides = array<i32>} : memref<8x128xf32, #tpu.memory_space<vmem>>, vector<1x16xf32>,
    %swap3A_429 = vector.shape_cast %swap3A_428 : vector<1x16xf32> to vector<16xf32>
    %swap3A_430 = vector.shape_cast %broadcast_in_dim3A_424 : vector<16xf32> to vector<1x16xf32>
    tpu.vector_store %arg9[%swap3A_426, %swap3A_427], %swap3A_430 {strides = array<i32>} : memref<8x128xf32, #tpu.memory_space<vmem>>, vector<1x16xf32>,
    %broadcast_in_dim3A_431 = arith.constant 0.000000e+00 : f32
    %broadcast_in_dim3A_432 = vector.broadcast %broadcast_in_dim3A_431 : f32 to vector<16xf32>
    %swap3A_433 = arith.constant 6 : i32
    %swap3A_434 = arith.index_cast %swap3A_433 : i32 to index
    %swap3A_435 = arith.constant 96 : index
    %swap3A_436 = tpu.vector_load %arg9[%swap3A_434, %swap3A_435] {strides = array<i32>} : memref<8x128xf32, #tpu.memory_space<vmem>>, vector<1x16xf32>,
    %swap3A_437 = vector.shape_cast %swap3A_436 : vector<1x16xf32> to vector<16xf32>
    %swap3A_438 = vector.shape_cast %broadcast_in_dim3A_432 : vector<16xf32> to vector<1x16xf32>
    tpu.vector_store %arg9[%swap3A_434, %swap3A_435], %swap3A_438 {strides = array<i32>} : memref<8x128xf32, #tpu.memory_space<vmem>>, vector<1x16xf32>,
    %broadcast_in_dim3A_439 = arith.constant 0.000000e+00 : f32
    %broadcast_in_dim3A_440 = vector.broadcast %broadcast_in_dim3A_439 : f32 to vector<16xf32>
    %swap3A_441 = arith.constant 6 : i32
    %swap3A_442 = arith.index_cast %swap3A_441 : i32 to index
    %swap3A_443 = arith.constant 112 : index
    %swap3A_444 = tpu.vector_load %arg9[%swap3A_442, %swap3A_443] {strides = array<i32>} : memref<8x128xf32, #tpu.memory_space<vmem>>, vector<1x16xf32>,
    %swap3A_445 = vector.shape_cast %swap3A_444 : vector<1x16xf32> to vector<16xf32>
    %swap3A_446 = vector.shape_cast %broadcast_in_dim3A_440 : vector<16xf32> to vector<1x16xf32>
    tpu.vector_store %arg9[%swap3A_442, %swap3A_443], %swap3A_446 {strides = array<i32>} : memref<8x128xf32, #tpu.memory_space<vmem>>, vector<1x16xf32>,
    %broadcast_in_dim3A_447 = arith.constant 0.000000e+00 : f32
    %broadcast_in_dim3A_448 = vector.broadcast %broadcast_in_dim3A_447 : f32 to vector<16xf32>
    %swap3A_449 = arith.constant 7 : i32
    %swap3A_450 = arith.index_cast %swap3A_449 : i32 to index
    %swap3A_451 = arith.constant 0 : index
    %swap3A_452 = tpu.vector_load %arg9[%swap3A_450, %swap3A_451] {strides = array<i32>} : memref<8x128xf32, #tpu.memory_space<vmem>>, vector<1x16xf32>,
    %swap3A_453 = vector.shape_cast %swap3A_452 : vector<1x16xf32> to vector<16xf32>
    %swap3A_454 = vector.shape_cast %broadcast_in_dim3A_448 : vector<16xf32> to vector<1x16xf32>
    tpu.vector_store %arg9[%swap3A_450, %swap3A_451], %swap3A_454 {strides = array<i32>} : memref<8x128xf32, #tpu.memory_space<vmem>>, vector<1x16xf32>,
    %broadcast_in_dim3A_455 = arith.constant 0.000000e+00 : f32
    %broadcast_in_dim3A_456 = vector.broadcast %broadcast_in_dim3A_455 : f32 to vector<16xf32>
    %swap3A_457 = arith.constant 7 : i32
    %swap3A_458 = arith.index_cast %swap3A_457 : i32 to index
    %swap3A_459 = arith.constant 16 : index
    %swap3A_460 = tpu.vector_load %arg9[%swap3A_458, %swap3A_459] {strides = array<i32>} : memref<8x128xf32, #tpu.memory_space<vmem>>, vector<1x16xf32>,
    %swap3A_461 = vector.shape_cast %swap3A_460 : vector<1x16xf32> to vector<16xf32>
    %swap3A_462 = vector.shape_cast %broadcast_in_dim3A_456 : vector<16xf32> to vector<1x16xf32>
    tpu.vector_store %arg9[%swap3A_458, %swap3A_459], %swap3A_462 {strides = array<i32>} : memref<8x128xf32, #tpu.memory_space<vmem>>, vector<1x16xf32>,
    %broadcast_in_dim3A_463 = arith.constant 0.000000e+00 : f32
    %broadcast_in_dim3A_464 = vector.broadcast %broadcast_in_dim3A_463 : f32 to vector<16xf32>
    %swap3A_465 = arith.constant 7 : i32
    %swap3A_466 = arith.index_cast %swap3A_465 : i32 to index
    %swap3A_467 = arith.constant 32 : index
    %swap3A_468 = tpu.vector_load %arg9[%swap3A_466, %swap3A_467] {strides = array<i32>} : memref<8x128xf32, #tpu.memory_space<vmem>>, vector<1x16xf32>,
    %swap3A_469 = vector.shape_cast %swap3A_468 : vector<1x16xf32> to vector<16xf32>
    %swap3A_470 = vector.shape_cast %broadcast_in_dim3A_464 : vector<16xf32> to vector<1x16xf32>
    tpu.vector_store %arg9[%swap3A_466, %swap3A_467], %swap3A_470 {strides = array<i32>} : memref<8x128xf32, #tpu.memory_space<vmem>>, vector<1x16xf32>,
    %broadcast_in_dim3A_471 = arith.constant 0.000000e+00 : f32
    %broadcast_in_dim3A_472 = vector.broadcast %broadcast_in_dim3A_471 : f32 to vector<16xf32>
    %swap3A_473 = arith.constant 7 : i32
    %swap3A_474 = arith.index_cast %swap3A_473 : i32 to index
    %swap3A_475 = arith.constant 48 : index
    %swap3A_476 = tpu.vector_load %arg9[%swap3A_474, %swap3A_475] {strides = array<i32>} : memref<8x128xf32, #tpu.memory_space<vmem>>, vector<1x16xf32>,
    %swap3A_477 = vector.shape_cast %swap3A_476 : vector<1x16xf32> to vector<16xf32>
    %swap3A_478 = vector.shape_cast %broadcast_in_dim3A_472 : vector<16xf32> to vector<1x16xf32>
    tpu.vector_store %arg9[%swap3A_474, %swap3A_475], %swap3A_478 {strides = array<i32>} : memref<8x128xf32, #tpu.memory_space<vmem>>, vector<1x16xf32>,
    %broadcast_in_dim3A_479 = arith.constant 0.000000e+00 : f32
    %broadcast_in_dim3A_480 = vector.broadcast %broadcast_in_dim3A_479 : f32 to vector<16xf32>
    %swap3A_481 = arith.constant 7 : i32
    %swap3A_482 = arith.index_cast %swap3A_481 : i32 to index
    %swap3A_483 = arith.constant 64 : index
    %swap3A_484 = tpu.vector_load %arg9[%swap3A_482, %swap3A_483] {strides = array<i32>} : memref<8x128xf32, #tpu.memory_space<vmem>>, vector<1x16xf32>,
    %swap3A_485 = vector.shape_cast %swap3A_484 : vector<1x16xf32> to vector<16xf32>
    %swap3A_486 = vector.shape_cast %broadcast_in_dim3A_480 : vector<16xf32> to vector<1x16xf32>
    tpu.vector_store %arg9[%swap3A_482, %swap3A_483], %swap3A_486 {strides = array<i32>} : memref<8x128xf32, #tpu.memory_space<vmem>>, vector<1x16xf32>,
    %broadcast_in_dim3A_487 = arith.constant 0.000000e+00 : f32
    %broadcast_in_dim3A_488 = vector.broadcast %broadcast_in_dim3A_487 : f32 to vector<16xf32>
    %swap3A_489 = arith.constant 7 : i32
    %swap3A_490 = arith.index_cast %swap3A_489 : i32 to index
    %swap3A_491 = arith.constant 80 : index
    %swap3A_492 = tpu.vector_load %arg9[%swap3A_490, %swap3A_491] {strides = array<i32>} : memref<8x128xf32, #tpu.memory_space<vmem>>, vector<1x16xf32>,
    %swap3A_493 = vector.shape_cast %swap3A_492 : vector<1x16xf32> to vector<16xf32>
    %swap3A_494 = vector.shape_cast %broadcast_in_dim3A_488 : vector<16xf32> to vector<1x16xf32>
    tpu.vector_store %arg9[%swap3A_490, %swap3A_491], %swap3A_494 {strides = array<i32>} : memref<8x128xf32, #tpu.memory_space<vmem>>, vector<1x16xf32>,
    %broadcast_in_dim3A_495 = arith.constant 0.000000e+00 : f32
    %broadcast_in_dim3A_496 = vector.broadcast %broadcast_in_dim3A_495 : f32 to vector<16xf32>
    %swap3A_497 = arith.constant 7 : i32
    %swap3A_498 = arith.index_cast %swap3A_497 : i32 to index
    %swap3A_499 = arith.constant 96 : index
    %swap3A_500 = tpu.vector_load %arg9[%swap3A_498, %swap3A_499] {strides = array<i32>} : memref<8x128xf32, #tpu.memory_space<vmem>>, vector<1x16xf32>,
    %swap3A_501 = vector.shape_cast %swap3A_500 : vector<1x16xf32> to vector<16xf32>
    %swap3A_502 = vector.shape_cast %broadcast_in_dim3A_496 : vector<16xf32> to vector<1x16xf32>
    tpu.vector_store %arg9[%swap3A_498, %swap3A_499], %swap3A_502 {strides = array<i32>} : memref<8x128xf32, #tpu.memory_space<vmem>>, vector<1x16xf32>,
    %broadcast_in_dim3A_503 = arith.constant 0.000000e+00 : f32
    %broadcast_in_dim3A_504 = vector.broadcast %broadcast_in_dim3A_503 : f32 to vector<16xf32>
    %swap3A_505 = arith.constant 7 : i32
    %swap3A_506 = arith.index_cast %swap3A_505 : i32 to index
    %swap3A_507 = arith.constant 112 : index
    %swap3A_508 = tpu.vector_load %arg9[%swap3A_506, %swap3A_507] {strides = array<i32>} : memref<8x128xf32, #tpu.memory_space<vmem>>, vector<1x16xf32>,
    %swap3A_509 = vector.shape_cast %swap3A_508 : vector<1x16xf32> to vector<16xf32>
    %swap3A_510 = vector.shape_cast %broadcast_in_dim3A_504 : vector<16xf32> to vector<1x16xf32>
    tpu.vector_store %arg9[%swap3A_506, %swap3A_507], %swap3A_510 {strides = array<i32>} : memref<8x128xf32, #tpu.memory_space<vmem>>, vector<1x16xf32>,
    %scan3A = arith.constant 0 : i32
    %scan3A_511 = arith.constant 0 : i32
    %scan3A_512 = arith.constant 79 : i32
    %scan3A_513 = arith.addi %scan3A_511, %scan3A_512 : i32
    %scan3A_514 = arith.constant 1 : i32
    scf.for %scan3A_530 = %scan3A_511 to %scan3A_513 step %scan3A_514  : i32 {
      %mul3A_531 = arith.constant 632 : i32
      %mul3A_532 = arith.muli %arg1, %mul3A_531 : i32
      %mul3A_533 = arith.constant 8 : i32
      %mul3A_534 = arith.muli %scan3A_530, %mul3A_533 : i32
      %add3A_535 = arith.addi %mul3A_532, %mul3A_534 : i32
      "tpu.region"() ({
        %run_scoped3A = tpu.sem_alloc : memref<!tpu.dma_semaphore, #tpu.memory_space<semaphore_mem>>
        %dma_start3A = arith.constant 0 : i32
        %dma_start3A_536 = tpu.memref_slice %arg10[%add3A_535, %dma_start3A] : memref<10112x128xf32, #tpu.memory_space<vmem_shared>> -> memref<8x128xf32, #tpu.memory_space<vmem_shared>>
        %dma_start3A_537 = arith.constant 0 : i32
        %dma_start3A_538 = tpu.memref_slice %arg10[%add3A_535, %dma_start3A_537] : memref<10112x128xf32, #tpu.memory_space<vmem_shared>> -> memref<8x128xf32, #tpu.memory_space<vmem_shared>>
        tpu.enqueue_dma source(%arg9 : memref<8x128xf32, #tpu.memory_space<vmem>>) target(%dma_start3A_538 : memref<8x128xf32, #tpu.memory_space<vmem_shared>>) target_semaphore(%run_scoped3A : memref<!tpu.dma_semaphore, #tpu.memory_space<semaphore_mem>>)
        %dma_wait3A = arith.constant 0 : i32
        %dma_wait3A_539 = tpu.memref_slice %arg10[%add3A_535, %dma_wait3A] : memref<10112x128xf32, #tpu.memory_space<vmem_shared>> -> memref<8x128xf32, #tpu.memory_space<vmem_shared>>
        %dma_wait3A_540 = arith.constant 0 : i32
        %dma_wait3A_541 = tpu.memref_slice %arg10[%add3A_535, %dma_wait3A_540] : memref<10112x128xf32, #tpu.memory_space<vmem_shared>> -> memref<8x128xf32, #tpu.memory_space<vmem_shared>>
        tpu.wait_dma2 semaphore(%run_scoped3A : memref<!tpu.dma_semaphore, #tpu.memory_space<semaphore_mem>>) src(%arg9 : memref<8x128xf32, #tpu.memory_space<vmem>>) dst(%dma_wait3A_541 : memref<8x128xf32, #tpu.memory_space<vmem_shared>>)
        tpu.yield
      }) : () -> ()
    }
    %scan3A_515 = arith.constant 79 : i32
    %barrier3A = arith.constant 0 : index
    tpu.barrier barrier_id(%barrier3A)
    %scan3A_516 = arith.constant 0 : i32
    %scan3A_517 = arith.constant 0 : i32
    %scan3A_518 = arith.constant 79 : i32
    %scan3A_519 = arith.addi %scan3A_517, %scan3A_518 : i32
    %scan3A_520 = arith.constant 1 : i32
    scf.for %scan3A_530 = %scan3A_517 to %scan3A_519 step %scan3A_520  : i32 {
      %mul3A_531 = arith.constant 10112 : i32
      %mul3A_532 = arith.muli %add3A, %mul3A_531 : i32
      %mul3A_533 = arith.constant 128 : i32
      %mul3A_534 = arith.muli %scan3A_530, %mul3A_533 : i32
      %add3A_535 = arith.addi %mul3A_532, %mul3A_534 : i32
      "tpu.region"() ({
        %run_scoped3A = tpu.sem_alloc : memref<!tpu.dma_semaphore, #tpu.memory_space<semaphore_mem>>
        %dma_start3A_540 = tpu.memref_slice %arg3[%add3A_535] : memref<323584xi32, #tpu.memory_space<hbm>> -> memref<128xi32, #tpu.memory_space<hbm>>
        %dma_start3A_541 = tpu.memref_slice %arg3[%add3A_535] : memref<323584xi32, #tpu.memory_space<hbm>> -> memref<128xi32, #tpu.memory_space<hbm>>
        tpu.enqueue_dma source(%dma_start3A_541 : memref<128xi32, #tpu.memory_space<hbm>>) target(%arg6 : memref<128xi32, #tpu.memory_space<vmem>>) target_semaphore(%run_scoped3A : memref<!tpu.dma_semaphore, #tpu.memory_space<semaphore_mem>>)
        %dma_wait3A_542 = tpu.memref_slice %arg3[%add3A_535] : memref<323584xi32, #tpu.memory_space<hbm>> -> memref<128xi32, #tpu.memory_space<hbm>>
        %dma_wait3A_543 = tpu.memref_slice %arg3[%add3A_535] : memref<323584xi32, #tpu.memory_space<hbm>> -> memref<128xi32, #tpu.memory_space<hbm>>
        tpu.wait_dma2 semaphore(%run_scoped3A : memref<!tpu.dma_semaphore, #tpu.memory_space<semaphore_mem>>) src(%dma_wait3A_543 : memref<128xi32, #tpu.memory_space<hbm>>) dst(%arg6 : memref<128xi32, #tpu.memory_space<vmem>>)
        tpu.yield
      }) : () -> ()
      "tpu.region"() ({
        %run_scoped3A = tpu.sem_alloc : memref<!tpu.dma_semaphore, #tpu.memory_space<semaphore_mem>>
        %dma_start3A_540 = tpu.memref_slice %arg4[%add3A_535] : memref<323584xi32, #tpu.memory_space<hbm>> -> memref<128xi32, #tpu.memory_space<hbm>>
        %dma_start3A_541 = tpu.memref_slice %arg4[%add3A_535] : memref<323584xi32, #tpu.memory_space<hbm>> -> memref<128xi32, #tpu.memory_space<hbm>>
        tpu.enqueue_dma source(%dma_start3A_541 : memref<128xi32, #tpu.memory_space<hbm>>) target(%arg7 : memref<128xi32, #tpu.memory_space<vmem>>) target_semaphore(%run_scoped3A : memref<!tpu.dma_semaphore, #tpu.memory_space<semaphore_mem>>)
        %dma_wait3A_542 = tpu.memref_slice %arg4[%add3A_535] : memref<323584xi32, #tpu.memory_space<hbm>> -> memref<128xi32, #tpu.memory_space<hbm>>
        %dma_wait3A_543 = tpu.memref_slice %arg4[%add3A_535] : memref<323584xi32, #tpu.memory_space<hbm>> -> memref<128xi32, #tpu.memory_space<hbm>>
        tpu.wait_dma2 semaphore(%run_scoped3A : memref<!tpu.dma_semaphore, #tpu.memory_space<semaphore_mem>>) src(%dma_wait3A_543 : memref<128xi32, #tpu.memory_space<hbm>>) dst(%arg7 : memref<128xi32, #tpu.memory_space<vmem>>)
        tpu.yield
      }) : () -> ()
      %dma_start3A = arith.constant 0 : i32
      %dma_start3A_536 = arith.constant 0 : i32
      %dma_start3A_537 = tpu.memref_slice %arg2[%dma_start3A, %dma_start3A_536] : memref<10000x128xf32, #tpu.memory_space<hbm>> -> memref<10000x128xf32, #tpu.memory_space<hbm>>
      tpu.enqueue_indirect_dma source(%dma_start3A_537 : memref<10000x128xf32, #tpu.memory_space<hbm>>) target(%arg8 : memref<128x128xf32, #tpu.memory_space<vmem>>) offsets(%arg6 : memref<128xi32, #tpu.memory_space<vmem>>) semaphore(%arg11 : memref<!tpu.dma_semaphore, #tpu.memory_space<semaphore_mem>>)
      %dma_wait3A = arith.constant 0 : i32
      %dma_wait3A_538 = arith.constant 0 : i32
      %dma_wait3A_539 = tpu.memref_slice %arg2[%dma_wait3A, %dma_wait3A_538] : memref<10000x128xf32, #tpu.memory_space<hbm>> -> memref<10000x128xf32, #tpu.memory_space<hbm>>
      tpu.wait_indirect_dma semaphore(%arg11 : memref<!tpu.dma_semaphore, #tpu.memory_space<semaphore_mem>>) src(%dma_wait3A_539 : memref<10000x128xf32, #tpu.memory_space<hbm>>) dst(%arg8 : memref<128x128xf32, #tpu.memory_space<vmem>>)
      "tpu.region"() ({
        %run_scoped3A = tpu.sem_alloc : memref<!tpu.dma_semaphore, #tpu.memory_space<semaphore_mem>>
        %dma_start3A_540 = arith.constant 0 : i32
        %dma_start3A_541 = arith.constant 0 : i32
        %dma_start3A_542 = tpu.memref_slice %arg10[%dma_start3A_540, %dma_start3A_541] : memref<10112x128xf32, #tpu.memory_space<vmem_shared>> -> memref<10112x128xf32, #tpu.memory_space<vmem_shared>>
        tpu.enqueue_indirect_dma source(%arg8 : memref<128x128xf32, #tpu.memory_space<vmem>>) target(%dma_start3A_542 : memref<10112x128xf32, #tpu.memory_space<vmem_shared>>) offsets(%arg7 : memref<128xi32, #tpu.memory_space<vmem>>) semaphore(%run_scoped3A : memref<!tpu.dma_semaphore, #tpu.memory_space<semaphore_mem>>) {add = true}
        %dma_wait3A_543 = arith.constant 0 : i32
        %dma_wait3A_544 = arith.constant 0 : i32
        %dma_wait3A_545 = tpu.memref_slice %arg10[%dma_wait3A_543, %dma_wait3A_544] : memref<10112x128xf32, #tpu.memory_space<vmem_shared>> -> memref<10112x128xf32, #tpu.memory_space<vmem_shared>>
        tpu.wait_indirect_dma semaphore(%run_scoped3A : memref<!tpu.dma_semaphore, #tpu.memory_space<semaphore_mem>>) src(%arg8 : memref<128x128xf32, #tpu.memory_space<vmem>>) dst(%dma_wait3A_545 : memref<10112x128xf32, #tpu.memory_space<vmem_shared>>)
        tpu.yield
      }) : () -> ()
    }
    %scan3A_521 = arith.constant 79 : i32
    %barrier3A_522 = arith.constant 0 : index
    tpu.barrier barrier_id(%barrier3A_522)
    %mul3A_523 = arith.constant 632 : i32
    %mul3A_524 = arith.muli %arg1, %mul3A_523 : i32
    %mul3A_525 = arith.constant 10112 : i32
    %mul3A_526 = arith.muli %arg0, %mul3A_525 : i32
    %mul3A_527 = arith.constant 632 : i32
    %mul3A_528 = arith.muli %arg1, %mul3A_527 : i32
    %add3A_529 = arith.addi %mul3A_526, %mul3A_528 : i32
    "tpu.region"() ({
      %run_scoped3A = tpu.sem_alloc : memref<!tpu.dma_semaphore, #tpu.memory_space<semaphore_mem>>
      %dma_start3A = arith.constant 0 : i32
      %dma_start3A_530 = tpu.memref_slice %arg5[%add3A_529, %dma_start3A] : memref<20224x128xf32, #tpu.memory_space<hbm>> -> memref<632x128xf32, #tpu.memory_space<hbm>>
      %dma_start3A_531 = arith.constant 0 : i32
      %dma_start3A_532 = tpu.memref_slice %arg10[%mul3A_524, %dma_start3A_531] : memref<10112x128xf32, #tpu.memory_space<vmem_shared>> -> memref<632x128xf32, #tpu.memory_space<vmem_shared>>
      tpu.enqueue_dma source(%dma_start3A_532 : memref<632x128xf32, #tpu.memory_space<vmem_shared>>) target(%dma_start3A_530 : memref<632x128xf32, #tpu.memory_space<hbm>>) target_semaphore(%run_scoped3A : memref<!tpu.dma_semaphore, #tpu.memory_space<semaphore_mem>>)
      %dma_wait3A = arith.constant 0 : i32
      %dma_wait3A_533 = tpu.memref_slice %arg5[%add3A_529, %dma_wait3A] : memref<20224x128xf32, #tpu.memory_space<hbm>> -> memref<632x128xf32, #tpu.memory_space<hbm>>
      %dma_wait3A_534 = arith.constant 0 : i32
      %dma_wait3A_535 = tpu.memref_slice %arg10[%mul3A_524, %dma_wait3A_534] : memref<10112x128xf32, #tpu.memory_space<vmem_shared>> -> memref<632x128xf32, #tpu.memory_space<vmem_shared>>
      tpu.wait_dma2 semaphore(%run_scoped3A : memref<!tpu.dma_semaphore, #tpu.memory_space<semaphore_mem>>) src(%dma_wait3A_535 : memref<632x128xf32, #tpu.memory_space<vmem_shared>>) dst(%dma_wait3A_533 : memref<632x128xf32, #tpu.memory_space<hbm>>)
      tpu.yield
    }) : () -> ()
    return
  }
}

#map = affine_map<(d0, d1) -> (0)>
#map1 = affine_map<(d0, d1) -> (0, 0)>
module attributes {stable_mosaic.version = 14 : i64} {
  func.func @deg_hist(%arg0: i32, %arg1: i32, %arg2: memref<323584xi32, #tpu.memory_space<hbm>>, %arg3: memref<128x128xf32, #tpu.memory_space<hbm>>, %arg4: memref<20224x128xf32, #tpu.memory_space<hbm>>, %arg5: memref<128xi32, #tpu.memory_space<vmem>>, %arg6: memref<128x128xf32, #tpu.memory_space<vmem>>, %arg7: memref<8x128xf32, #tpu.memory_space<vmem>>, %arg8: memref<10112x128xf32, #tpu.memory_space<vmem_shared>>) attributes {dimension_semantics = [#tpu.dimension_semantics<core_parallel>, #tpu.dimension_semantics<subcore_parallel>], iteration_bounds = array<i64: 2, 16>, scalar_prefetch = 0 : i64, scratch_operands = 4 : i64, tpu.core_type = #tpu.core_type<sc_vector_subcore>, window_params = [{transform_indices = #map}, {transform_indices = #map1}, {transform_indices = #map1}]} {
    %mul3A = arith.constant 2 : i32
    %mul3A_0 = arith.muli %arg1, %mul3A : i32
    %add3A = arith.addi %mul3A_0, %arg0 : i32
    %broadcast_in_dim3A = arith.constant 0.000000e+00 : f32
    %broadcast_in_dim3A_1 = vector.broadcast %broadcast_in_dim3A : f32 to vector<16xf32>
    %swap3A = arith.constant 0 : i32
    %swap3A_2 = arith.index_cast %swap3A : i32 to index
    %swap3A_3 = arith.constant 0 : index
    %swap3A_4 = tpu.vector_load %arg7[%swap3A_2, %swap3A_3] {strides = array<i32>} : memref<8x128xf32, #tpu.memory_space<vmem>>, vector<1x16xf32>,
    %swap3A_5 = vector.shape_cast %swap3A_4 : vector<1x16xf32> to vector<16xf32>
    %swap3A_6 = vector.shape_cast %broadcast_in_dim3A_1 : vector<16xf32> to vector<1x16xf32>
    tpu.vector_store %arg7[%swap3A_2, %swap3A_3], %swap3A_6 {strides = array<i32>} : memref<8x128xf32, #tpu.memory_space<vmem>>, vector<1x16xf32>,
    %broadcast_in_dim3A_7 = arith.constant 0.000000e+00 : f32
    %broadcast_in_dim3A_8 = vector.broadcast %broadcast_in_dim3A_7 : f32 to vector<16xf32>
    %swap3A_9 = arith.constant 0 : i32
    %swap3A_10 = arith.index_cast %swap3A_9 : i32 to index
    %swap3A_11 = arith.constant 16 : index
    %swap3A_12 = tpu.vector_load %arg7[%swap3A_10, %swap3A_11] {strides = array<i32>} : memref<8x128xf32, #tpu.memory_space<vmem>>, vector<1x16xf32>,
    %swap3A_13 = vector.shape_cast %swap3A_12 : vector<1x16xf32> to vector<16xf32>
    %swap3A_14 = vector.shape_cast %broadcast_in_dim3A_8 : vector<16xf32> to vector<1x16xf32>
    tpu.vector_store %arg7[%swap3A_10, %swap3A_11], %swap3A_14 {strides = array<i32>} : memref<8x128xf32, #tpu.memory_space<vmem>>, vector<1x16xf32>,
    %broadcast_in_dim3A_15 = arith.constant 0.000000e+00 : f32
    %broadcast_in_dim3A_16 = vector.broadcast %broadcast_in_dim3A_15 : f32 to vector<16xf32>
    %swap3A_17 = arith.constant 0 : i32
    %swap3A_18 = arith.index_cast %swap3A_17 : i32 to index
    %swap3A_19 = arith.constant 32 : index
    %swap3A_20 = tpu.vector_load %arg7[%swap3A_18, %swap3A_19] {strides = array<i32>} : memref<8x128xf32, #tpu.memory_space<vmem>>, vector<1x16xf32>,
    %swap3A_21 = vector.shape_cast %swap3A_20 : vector<1x16xf32> to vector<16xf32>
    %swap3A_22 = vector.shape_cast %broadcast_in_dim3A_16 : vector<16xf32> to vector<1x16xf32>
    tpu.vector_store %arg7[%swap3A_18, %swap3A_19], %swap3A_22 {strides = array<i32>} : memref<8x128xf32, #tpu.memory_space<vmem>>, vector<1x16xf32>,
    %broadcast_in_dim3A_23 = arith.constant 0.000000e+00 : f32
    %broadcast_in_dim3A_24 = vector.broadcast %broadcast_in_dim3A_23 : f32 to vector<16xf32>
    %swap3A_25 = arith.constant 0 : i32
    %swap3A_26 = arith.index_cast %swap3A_25 : i32 to index
    %swap3A_27 = arith.constant 48 : index
    %swap3A_28 = tpu.vector_load %arg7[%swap3A_26, %swap3A_27] {strides = array<i32>} : memref<8x128xf32, #tpu.memory_space<vmem>>, vector<1x16xf32>,
    %swap3A_29 = vector.shape_cast %swap3A_28 : vector<1x16xf32> to vector<16xf32>
    %swap3A_30 = vector.shape_cast %broadcast_in_dim3A_24 : vector<16xf32> to vector<1x16xf32>
    tpu.vector_store %arg7[%swap3A_26, %swap3A_27], %swap3A_30 {strides = array<i32>} : memref<8x128xf32, #tpu.memory_space<vmem>>, vector<1x16xf32>,
    %broadcast_in_dim3A_31 = arith.constant 0.000000e+00 : f32
    %broadcast_in_dim3A_32 = vector.broadcast %broadcast_in_dim3A_31 : f32 to vector<16xf32>
    %swap3A_33 = arith.constant 0 : i32
    %swap3A_34 = arith.index_cast %swap3A_33 : i32 to index
    %swap3A_35 = arith.constant 64 : index
    %swap3A_36 = tpu.vector_load %arg7[%swap3A_34, %swap3A_35] {strides = array<i32>} : memref<8x128xf32, #tpu.memory_space<vmem>>, vector<1x16xf32>,
    %swap3A_37 = vector.shape_cast %swap3A_36 : vector<1x16xf32> to vector<16xf32>
    %swap3A_38 = vector.shape_cast %broadcast_in_dim3A_32 : vector<16xf32> to vector<1x16xf32>
    tpu.vector_store %arg7[%swap3A_34, %swap3A_35], %swap3A_38 {strides = array<i32>} : memref<8x128xf32, #tpu.memory_space<vmem>>, vector<1x16xf32>,
    %broadcast_in_dim3A_39 = arith.constant 0.000000e+00 : f32
    %broadcast_in_dim3A_40 = vector.broadcast %broadcast_in_dim3A_39 : f32 to vector<16xf32>
    %swap3A_41 = arith.constant 0 : i32
    %swap3A_42 = arith.index_cast %swap3A_41 : i32 to index
    %swap3A_43 = arith.constant 80 : index
    %swap3A_44 = tpu.vector_load %arg7[%swap3A_42, %swap3A_43] {strides = array<i32>} : memref<8x128xf32, #tpu.memory_space<vmem>>, vector<1x16xf32>,
    %swap3A_45 = vector.shape_cast %swap3A_44 : vector<1x16xf32> to vector<16xf32>
    %swap3A_46 = vector.shape_cast %broadcast_in_dim3A_40 : vector<16xf32> to vector<1x16xf32>
    tpu.vector_store %arg7[%swap3A_42, %swap3A_43], %swap3A_46 {strides = array<i32>} : memref<8x128xf32, #tpu.memory_space<vmem>>, vector<1x16xf32>,
    %broadcast_in_dim3A_47 = arith.constant 0.000000e+00 : f32
    %broadcast_in_dim3A_48 = vector.broadcast %broadcast_in_dim3A_47 : f32 to vector<16xf32>
    %swap3A_49 = arith.constant 0 : i32
    %swap3A_50 = arith.index_cast %swap3A_49 : i32 to index
    %swap3A_51 = arith.constant 96 : index
    %swap3A_52 = tpu.vector_load %arg7[%swap3A_50, %swap3A_51] {strides = array<i32>} : memref<8x128xf32, #tpu.memory_space<vmem>>, vector<1x16xf32>,
    %swap3A_53 = vector.shape_cast %swap3A_52 : vector<1x16xf32> to vector<16xf32>
    %swap3A_54 = vector.shape_cast %broadcast_in_dim3A_48 : vector<16xf32> to vector<1x16xf32>
    tpu.vector_store %arg7[%swap3A_50, %swap3A_51], %swap3A_54 {strides = array<i32>} : memref<8x128xf32, #tpu.memory_space<vmem>>, vector<1x16xf32>,
    %broadcast_in_dim3A_55 = arith.constant 0.000000e+00 : f32
    %broadcast_in_dim3A_56 = vector.broadcast %broadcast_in_dim3A_55 : f32 to vector<16xf32>
    %swap3A_57 = arith.constant 0 : i32
    %swap3A_58 = arith.index_cast %swap3A_57 : i32 to index
    %swap3A_59 = arith.constant 112 : index
    %swap3A_60 = tpu.vector_load %arg7[%swap3A_58, %swap3A_59] {strides = array<i32>} : memref<8x128xf32, #tpu.memory_space<vmem>>, vector<1x16xf32>,
    %swap3A_61 = vector.shape_cast %swap3A_60 : vector<1x16xf32> to vector<16xf32>
    %swap3A_62 = vector.shape_cast %broadcast_in_dim3A_56 : vector<16xf32> to vector<1x16xf32>
    tpu.vector_store %arg7[%swap3A_58, %swap3A_59], %swap3A_62 {strides = array<i32>} : memref<8x128xf32, #tpu.memory_space<vmem>>, vector<1x16xf32>,
    %broadcast_in_dim3A_63 = arith.constant 0.000000e+00 : f32
    %broadcast_in_dim3A_64 = vector.broadcast %broadcast_in_dim3A_63 : f32 to vector<16xf32>
    %swap3A_65 = arith.constant 1 : i32
    %swap3A_66 = arith.index_cast %swap3A_65 : i32 to index
    %swap3A_67 = arith.constant 0 : index
    %swap3A_68 = tpu.vector_load %arg7[%swap3A_66, %swap3A_67] {strides = array<i32>} : memref<8x128xf32, #tpu.memory_space<vmem>>, vector<1x16xf32>,
    %swap3A_69 = vector.shape_cast %swap3A_68 : vector<1x16xf32> to vector<16xf32>
    %swap3A_70 = vector.shape_cast %broadcast_in_dim3A_64 : vector<16xf32> to vector<1x16xf32>
    tpu.vector_store %arg7[%swap3A_66, %swap3A_67], %swap3A_70 {strides = array<i32>} : memref<8x128xf32, #tpu.memory_space<vmem>>, vector<1x16xf32>,
    %broadcast_in_dim3A_71 = arith.constant 0.000000e+00 : f32
    %broadcast_in_dim3A_72 = vector.broadcast %broadcast_in_dim3A_71 : f32 to vector<16xf32>
    %swap3A_73 = arith.constant 1 : i32
    %swap3A_74 = arith.index_cast %swap3A_73 : i32 to index
    %swap3A_75 = arith.constant 16 : index
    %swap3A_76 = tpu.vector_load %arg7[%swap3A_74, %swap3A_75] {strides = array<i32>} : memref<8x128xf32, #tpu.memory_space<vmem>>, vector<1x16xf32>,
    %swap3A_77 = vector.shape_cast %swap3A_76 : vector<1x16xf32> to vector<16xf32>
    %swap3A_78 = vector.shape_cast %broadcast_in_dim3A_72 : vector<16xf32> to vector<1x16xf32>
    tpu.vector_store %arg7[%swap3A_74, %swap3A_75], %swap3A_78 {strides = array<i32>} : memref<8x128xf32, #tpu.memory_space<vmem>>, vector<1x16xf32>,
    %broadcast_in_dim3A_79 = arith.constant 0.000000e+00 : f32
    %broadcast_in_dim3A_80 = vector.broadcast %broadcast_in_dim3A_79 : f32 to vector<16xf32>
    %swap3A_81 = arith.constant 1 : i32
    %swap3A_82 = arith.index_cast %swap3A_81 : i32 to index
    %swap3A_83 = arith.constant 32 : index
    %swap3A_84 = tpu.vector_load %arg7[%swap3A_82, %swap3A_83] {strides = array<i32>} : memref<8x128xf32, #tpu.memory_space<vmem>>, vector<1x16xf32>,
    %swap3A_85 = vector.shape_cast %swap3A_84 : vector<1x16xf32> to vector<16xf32>
    %swap3A_86 = vector.shape_cast %broadcast_in_dim3A_80 : vector<16xf32> to vector<1x16xf32>
    tpu.vector_store %arg7[%swap3A_82, %swap3A_83], %swap3A_86 {strides = array<i32>} : memref<8x128xf32, #tpu.memory_space<vmem>>, vector<1x16xf32>,
    %broadcast_in_dim3A_87 = arith.constant 0.000000e+00 : f32
    %broadcast_in_dim3A_88 = vector.broadcast %broadcast_in_dim3A_87 : f32 to vector<16xf32>
    %swap3A_89 = arith.constant 1 : i32
    %swap3A_90 = arith.index_cast %swap3A_89 : i32 to index
    %swap3A_91 = arith.constant 48 : index
    %swap3A_92 = tpu.vector_load %arg7[%swap3A_90, %swap3A_91] {strides = array<i32>} : memref<8x128xf32, #tpu.memory_space<vmem>>, vector<1x16xf32>,
    %swap3A_93 = vector.shape_cast %swap3A_92 : vector<1x16xf32> to vector<16xf32>
    %swap3A_94 = vector.shape_cast %broadcast_in_dim3A_88 : vector<16xf32> to vector<1x16xf32>
    tpu.vector_store %arg7[%swap3A_90, %swap3A_91], %swap3A_94 {strides = array<i32>} : memref<8x128xf32, #tpu.memory_space<vmem>>, vector<1x16xf32>,
    %broadcast_in_dim3A_95 = arith.constant 0.000000e+00 : f32
    %broadcast_in_dim3A_96 = vector.broadcast %broadcast_in_dim3A_95 : f32 to vector<16xf32>
    %swap3A_97 = arith.constant 1 : i32
    %swap3A_98 = arith.index_cast %swap3A_97 : i32 to index
    %swap3A_99 = arith.constant 64 : index
    %swap3A_100 = tpu.vector_load %arg7[%swap3A_98, %swap3A_99] {strides = array<i32>} : memref<8x128xf32, #tpu.memory_space<vmem>>, vector<1x16xf32>,
    %swap3A_101 = vector.shape_cast %swap3A_100 : vector<1x16xf32> to vector<16xf32>
    %swap3A_102 = vector.shape_cast %broadcast_in_dim3A_96 : vector<16xf32> to vector<1x16xf32>
    tpu.vector_store %arg7[%swap3A_98, %swap3A_99], %swap3A_102 {strides = array<i32>} : memref<8x128xf32, #tpu.memory_space<vmem>>, vector<1x16xf32>,
    %broadcast_in_dim3A_103 = arith.constant 0.000000e+00 : f32
    %broadcast_in_dim3A_104 = vector.broadcast %broadcast_in_dim3A_103 : f32 to vector<16xf32>
    %swap3A_105 = arith.constant 1 : i32
    %swap3A_106 = arith.index_cast %swap3A_105 : i32 to index
    %swap3A_107 = arith.constant 80 : index
    %swap3A_108 = tpu.vector_load %arg7[%swap3A_106, %swap3A_107] {strides = array<i32>} : memref<8x128xf32, #tpu.memory_space<vmem>>, vector<1x16xf32>,
    %swap3A_109 = vector.shape_cast %swap3A_108 : vector<1x16xf32> to vector<16xf32>
    %swap3A_110 = vector.shape_cast %broadcast_in_dim3A_104 : vector<16xf32> to vector<1x16xf32>
    tpu.vector_store %arg7[%swap3A_106, %swap3A_107], %swap3A_110 {strides = array<i32>} : memref<8x128xf32, #tpu.memory_space<vmem>>, vector<1x16xf32>,
    %broadcast_in_dim3A_111 = arith.constant 0.000000e+00 : f32
    %broadcast_in_dim3A_112 = vector.broadcast %broadcast_in_dim3A_111 : f32 to vector<16xf32>
    %swap3A_113 = arith.constant 1 : i32
    %swap3A_114 = arith.index_cast %swap3A_113 : i32 to index
    %swap3A_115 = arith.constant 96 : index
    %swap3A_116 = tpu.vector_load %arg7[%swap3A_114, %swap3A_115] {strides = array<i32>} : memref<8x128xf32, #tpu.memory_space<vmem>>, vector<1x16xf32>,
    %swap3A_117 = vector.shape_cast %swap3A_116 : vector<1x16xf32> to vector<16xf32>
    %swap3A_118 = vector.shape_cast %broadcast_in_dim3A_112 : vector<16xf32> to vector<1x16xf32>
    tpu.vector_store %arg7[%swap3A_114, %swap3A_115], %swap3A_118 {strides = array<i32>} : memref<8x128xf32, #tpu.memory_space<vmem>>, vector<1x16xf32>,
    %broadcast_in_dim3A_119 = arith.constant 0.000000e+00 : f32
    %broadcast_in_dim3A_120 = vector.broadcast %broadcast_in_dim3A_119 : f32 to vector<16xf32>
    %swap3A_121 = arith.constant 1 : i32
    %swap3A_122 = arith.index_cast %swap3A_121 : i32 to index
    %swap3A_123 = arith.constant 112 : index
    %swap3A_124 = tpu.vector_load %arg7[%swap3A_122, %swap3A_123] {strides = array<i32>} : memref<8x128xf32, #tpu.memory_space<vmem>>, vector<1x16xf32>,
    %swap3A_125 = vector.shape_cast %swap3A_124 : vector<1x16xf32> to vector<16xf32>
    %swap3A_126 = vector.shape_cast %broadcast_in_dim3A_120 : vector<16xf32> to vector<1x16xf32>
    tpu.vector_store %arg7[%swap3A_122, %swap3A_123], %swap3A_126 {strides = array<i32>} : memref<8x128xf32, #tpu.memory_space<vmem>>, vector<1x16xf32>,
    %broadcast_in_dim3A_127 = arith.constant 0.000000e+00 : f32
    %broadcast_in_dim3A_128 = vector.broadcast %broadcast_in_dim3A_127 : f32 to vector<16xf32>
    %swap3A_129 = arith.constant 2 : i32
    %swap3A_130 = arith.index_cast %swap3A_129 : i32 to index
    %swap3A_131 = arith.constant 0 : index
    %swap3A_132 = tpu.vector_load %arg7[%swap3A_130, %swap3A_131] {strides = array<i32>} : memref<8x128xf32, #tpu.memory_space<vmem>>, vector<1x16xf32>,
    %swap3A_133 = vector.shape_cast %swap3A_132 : vector<1x16xf32> to vector<16xf32>
    %swap3A_134 = vector.shape_cast %broadcast_in_dim3A_128 : vector<16xf32> to vector<1x16xf32>
    tpu.vector_store %arg7[%swap3A_130, %swap3A_131], %swap3A_134 {strides = array<i32>} : memref<8x128xf32, #tpu.memory_space<vmem>>, vector<1x16xf32>,
    %broadcast_in_dim3A_135 = arith.constant 0.000000e+00 : f32
    %broadcast_in_dim3A_136 = vector.broadcast %broadcast_in_dim3A_135 : f32 to vector<16xf32>
    %swap3A_137 = arith.constant 2 : i32
    %swap3A_138 = arith.index_cast %swap3A_137 : i32 to index
    %swap3A_139 = arith.constant 16 : index
    %swap3A_140 = tpu.vector_load %arg7[%swap3A_138, %swap3A_139] {strides = array<i32>} : memref<8x128xf32, #tpu.memory_space<vmem>>, vector<1x16xf32>,
    %swap3A_141 = vector.shape_cast %swap3A_140 : vector<1x16xf32> to vector<16xf32>
    %swap3A_142 = vector.shape_cast %broadcast_in_dim3A_136 : vector<16xf32> to vector<1x16xf32>
    tpu.vector_store %arg7[%swap3A_138, %swap3A_139], %swap3A_142 {strides = array<i32>} : memref<8x128xf32, #tpu.memory_space<vmem>>, vector<1x16xf32>,
    %broadcast_in_dim3A_143 = arith.constant 0.000000e+00 : f32
    %broadcast_in_dim3A_144 = vector.broadcast %broadcast_in_dim3A_143 : f32 to vector<16xf32>
    %swap3A_145 = arith.constant 2 : i32
    %swap3A_146 = arith.index_cast %swap3A_145 : i32 to index
    %swap3A_147 = arith.constant 32 : index
    %swap3A_148 = tpu.vector_load %arg7[%swap3A_146, %swap3A_147] {strides = array<i32>} : memref<8x128xf32, #tpu.memory_space<vmem>>, vector<1x16xf32>,
    %swap3A_149 = vector.shape_cast %swap3A_148 : vector<1x16xf32> to vector<16xf32>
    %swap3A_150 = vector.shape_cast %broadcast_in_dim3A_144 : vector<16xf32> to vector<1x16xf32>
    tpu.vector_store %arg7[%swap3A_146, %swap3A_147], %swap3A_150 {strides = array<i32>} : memref<8x128xf32, #tpu.memory_space<vmem>>, vector<1x16xf32>,
    %broadcast_in_dim3A_151 = arith.constant 0.000000e+00 : f32
    %broadcast_in_dim3A_152 = vector.broadcast %broadcast_in_dim3A_151 : f32 to vector<16xf32>
    %swap3A_153 = arith.constant 2 : i32
    %swap3A_154 = arith.index_cast %swap3A_153 : i32 to index
    %swap3A_155 = arith.constant 48 : index
    %swap3A_156 = tpu.vector_load %arg7[%swap3A_154, %swap3A_155] {strides = array<i32>} : memref<8x128xf32, #tpu.memory_space<vmem>>, vector<1x16xf32>,
    %swap3A_157 = vector.shape_cast %swap3A_156 : vector<1x16xf32> to vector<16xf32>
    %swap3A_158 = vector.shape_cast %broadcast_in_dim3A_152 : vector<16xf32> to vector<1x16xf32>
    tpu.vector_store %arg7[%swap3A_154, %swap3A_155], %swap3A_158 {strides = array<i32>} : memref<8x128xf32, #tpu.memory_space<vmem>>, vector<1x16xf32>,
    %broadcast_in_dim3A_159 = arith.constant 0.000000e+00 : f32
    %broadcast_in_dim3A_160 = vector.broadcast %broadcast_in_dim3A_159 : f32 to vector<16xf32>
    %swap3A_161 = arith.constant 2 : i32
    %swap3A_162 = arith.index_cast %swap3A_161 : i32 to index
    %swap3A_163 = arith.constant 64 : index
    %swap3A_164 = tpu.vector_load %arg7[%swap3A_162, %swap3A_163] {strides = array<i32>} : memref<8x128xf32, #tpu.memory_space<vmem>>, vector<1x16xf32>,
    %swap3A_165 = vector.shape_cast %swap3A_164 : vector<1x16xf32> to vector<16xf32>
    %swap3A_166 = vector.shape_cast %broadcast_in_dim3A_160 : vector<16xf32> to vector<1x16xf32>
    tpu.vector_store %arg7[%swap3A_162, %swap3A_163], %swap3A_166 {strides = array<i32>} : memref<8x128xf32, #tpu.memory_space<vmem>>, vector<1x16xf32>,
    %broadcast_in_dim3A_167 = arith.constant 0.000000e+00 : f32
    %broadcast_in_dim3A_168 = vector.broadcast %broadcast_in_dim3A_167 : f32 to vector<16xf32>
    %swap3A_169 = arith.constant 2 : i32
    %swap3A_170 = arith.index_cast %swap3A_169 : i32 to index
    %swap3A_171 = arith.constant 80 : index
    %swap3A_172 = tpu.vector_load %arg7[%swap3A_170, %swap3A_171] {strides = array<i32>} : memref<8x128xf32, #tpu.memory_space<vmem>>, vector<1x16xf32>,
    %swap3A_173 = vector.shape_cast %swap3A_172 : vector<1x16xf32> to vector<16xf32>
    %swap3A_174 = vector.shape_cast %broadcast_in_dim3A_168 : vector<16xf32> to vector<1x16xf32>
    tpu.vector_store %arg7[%swap3A_170, %swap3A_171], %swap3A_174 {strides = array<i32>} : memref<8x128xf32, #tpu.memory_space<vmem>>, vector<1x16xf32>,
    %broadcast_in_dim3A_175 = arith.constant 0.000000e+00 : f32
    %broadcast_in_dim3A_176 = vector.broadcast %broadcast_in_dim3A_175 : f32 to vector<16xf32>
    %swap3A_177 = arith.constant 2 : i32
    %swap3A_178 = arith.index_cast %swap3A_177 : i32 to index
    %swap3A_179 = arith.constant 96 : index
    %swap3A_180 = tpu.vector_load %arg7[%swap3A_178, %swap3A_179] {strides = array<i32>} : memref<8x128xf32, #tpu.memory_space<vmem>>, vector<1x16xf32>,
    %swap3A_181 = vector.shape_cast %swap3A_180 : vector<1x16xf32> to vector<16xf32>
    %swap3A_182 = vector.shape_cast %broadcast_in_dim3A_176 : vector<16xf32> to vector<1x16xf32>
    tpu.vector_store %arg7[%swap3A_178, %swap3A_179], %swap3A_182 {strides = array<i32>} : memref<8x128xf32, #tpu.memory_space<vmem>>, vector<1x16xf32>,
    %broadcast_in_dim3A_183 = arith.constant 0.000000e+00 : f32
    %broadcast_in_dim3A_184 = vector.broadcast %broadcast_in_dim3A_183 : f32 to vector<16xf32>
    %swap3A_185 = arith.constant 2 : i32
    %swap3A_186 = arith.index_cast %swap3A_185 : i32 to index
    %swap3A_187 = arith.constant 112 : index
    %swap3A_188 = tpu.vector_load %arg7[%swap3A_186, %swap3A_187] {strides = array<i32>} : memref<8x128xf32, #tpu.memory_space<vmem>>, vector<1x16xf32>,
    %swap3A_189 = vector.shape_cast %swap3A_188 : vector<1x16xf32> to vector<16xf32>
    %swap3A_190 = vector.shape_cast %broadcast_in_dim3A_184 : vector<16xf32> to vector<1x16xf32>
    tpu.vector_store %arg7[%swap3A_186, %swap3A_187], %swap3A_190 {strides = array<i32>} : memref<8x128xf32, #tpu.memory_space<vmem>>, vector<1x16xf32>,
    %broadcast_in_dim3A_191 = arith.constant 0.000000e+00 : f32
    %broadcast_in_dim3A_192 = vector.broadcast %broadcast_in_dim3A_191 : f32 to vector<16xf32>
    %swap3A_193 = arith.constant 3 : i32
    %swap3A_194 = arith.index_cast %swap3A_193 : i32 to index
    %swap3A_195 = arith.constant 0 : index
    %swap3A_196 = tpu.vector_load %arg7[%swap3A_194, %swap3A_195] {strides = array<i32>} : memref<8x128xf32, #tpu.memory_space<vmem>>, vector<1x16xf32>,
    %swap3A_197 = vector.shape_cast %swap3A_196 : vector<1x16xf32> to vector<16xf32>
    %swap3A_198 = vector.shape_cast %broadcast_in_dim3A_192 : vector<16xf32> to vector<1x16xf32>
    tpu.vector_store %arg7[%swap3A_194, %swap3A_195], %swap3A_198 {strides = array<i32>} : memref<8x128xf32, #tpu.memory_space<vmem>>, vector<1x16xf32>,
    %broadcast_in_dim3A_199 = arith.constant 0.000000e+00 : f32
    %broadcast_in_dim3A_200 = vector.broadcast %broadcast_in_dim3A_199 : f32 to vector<16xf32>
    %swap3A_201 = arith.constant 3 : i32
    %swap3A_202 = arith.index_cast %swap3A_201 : i32 to index
    %swap3A_203 = arith.constant 16 : index
    %swap3A_204 = tpu.vector_load %arg7[%swap3A_202, %swap3A_203] {strides = array<i32>} : memref<8x128xf32, #tpu.memory_space<vmem>>, vector<1x16xf32>,
    %swap3A_205 = vector.shape_cast %swap3A_204 : vector<1x16xf32> to vector<16xf32>
    %swap3A_206 = vector.shape_cast %broadcast_in_dim3A_200 : vector<16xf32> to vector<1x16xf32>
    tpu.vector_store %arg7[%swap3A_202, %swap3A_203], %swap3A_206 {strides = array<i32>} : memref<8x128xf32, #tpu.memory_space<vmem>>, vector<1x16xf32>,
    %broadcast_in_dim3A_207 = arith.constant 0.000000e+00 : f32
    %broadcast_in_dim3A_208 = vector.broadcast %broadcast_in_dim3A_207 : f32 to vector<16xf32>
    %swap3A_209 = arith.constant 3 : i32
    %swap3A_210 = arith.index_cast %swap3A_209 : i32 to index
    %swap3A_211 = arith.constant 32 : index
    %swap3A_212 = tpu.vector_load %arg7[%swap3A_210, %swap3A_211] {strides = array<i32>} : memref<8x128xf32, #tpu.memory_space<vmem>>, vector<1x16xf32>,
    %swap3A_213 = vector.shape_cast %swap3A_212 : vector<1x16xf32> to vector<16xf32>
    %swap3A_214 = vector.shape_cast %broadcast_in_dim3A_208 : vector<16xf32> to vector<1x16xf32>
    tpu.vector_store %arg7[%swap3A_210, %swap3A_211], %swap3A_214 {strides = array<i32>} : memref<8x128xf32, #tpu.memory_space<vmem>>, vector<1x16xf32>,
    %broadcast_in_dim3A_215 = arith.constant 0.000000e+00 : f32
    %broadcast_in_dim3A_216 = vector.broadcast %broadcast_in_dim3A_215 : f32 to vector<16xf32>
    %swap3A_217 = arith.constant 3 : i32
    %swap3A_218 = arith.index_cast %swap3A_217 : i32 to index
    %swap3A_219 = arith.constant 48 : index
    %swap3A_220 = tpu.vector_load %arg7[%swap3A_218, %swap3A_219] {strides = array<i32>} : memref<8x128xf32, #tpu.memory_space<vmem>>, vector<1x16xf32>,
    %swap3A_221 = vector.shape_cast %swap3A_220 : vector<1x16xf32> to vector<16xf32>
    %swap3A_222 = vector.shape_cast %broadcast_in_dim3A_216 : vector<16xf32> to vector<1x16xf32>
    tpu.vector_store %arg7[%swap3A_218, %swap3A_219], %swap3A_222 {strides = array<i32>} : memref<8x128xf32, #tpu.memory_space<vmem>>, vector<1x16xf32>,
    %broadcast_in_dim3A_223 = arith.constant 0.000000e+00 : f32
    %broadcast_in_dim3A_224 = vector.broadcast %broadcast_in_dim3A_223 : f32 to vector<16xf32>
    %swap3A_225 = arith.constant 3 : i32
    %swap3A_226 = arith.index_cast %swap3A_225 : i32 to index
    %swap3A_227 = arith.constant 64 : index
    %swap3A_228 = tpu.vector_load %arg7[%swap3A_226, %swap3A_227] {strides = array<i32>} : memref<8x128xf32, #tpu.memory_space<vmem>>, vector<1x16xf32>,
    %swap3A_229 = vector.shape_cast %swap3A_228 : vector<1x16xf32> to vector<16xf32>
    %swap3A_230 = vector.shape_cast %broadcast_in_dim3A_224 : vector<16xf32> to vector<1x16xf32>
    tpu.vector_store %arg7[%swap3A_226, %swap3A_227], %swap3A_230 {strides = array<i32>} : memref<8x128xf32, #tpu.memory_space<vmem>>, vector<1x16xf32>,
    %broadcast_in_dim3A_231 = arith.constant 0.000000e+00 : f32
    %broadcast_in_dim3A_232 = vector.broadcast %broadcast_in_dim3A_231 : f32 to vector<16xf32>
    %swap3A_233 = arith.constant 3 : i32
    %swap3A_234 = arith.index_cast %swap3A_233 : i32 to index
    %swap3A_235 = arith.constant 80 : index
    %swap3A_236 = tpu.vector_load %arg7[%swap3A_234, %swap3A_235] {strides = array<i32>} : memref<8x128xf32, #tpu.memory_space<vmem>>, vector<1x16xf32>,
    %swap3A_237 = vector.shape_cast %swap3A_236 : vector<1x16xf32> to vector<16xf32>
    %swap3A_238 = vector.shape_cast %broadcast_in_dim3A_232 : vector<16xf32> to vector<1x16xf32>
    tpu.vector_store %arg7[%swap3A_234, %swap3A_235], %swap3A_238 {strides = array<i32>} : memref<8x128xf32, #tpu.memory_space<vmem>>, vector<1x16xf32>,
    %broadcast_in_dim3A_239 = arith.constant 0.000000e+00 : f32
    %broadcast_in_dim3A_240 = vector.broadcast %broadcast_in_dim3A_239 : f32 to vector<16xf32>
    %swap3A_241 = arith.constant 3 : i32
    %swap3A_242 = arith.index_cast %swap3A_241 : i32 to index
    %swap3A_243 = arith.constant 96 : index
    %swap3A_244 = tpu.vector_load %arg7[%swap3A_242, %swap3A_243] {strides = array<i32>} : memref<8x128xf32, #tpu.memory_space<vmem>>, vector<1x16xf32>,
    %swap3A_245 = vector.shape_cast %swap3A_244 : vector<1x16xf32> to vector<16xf32>
    %swap3A_246 = vector.shape_cast %broadcast_in_dim3A_240 : vector<16xf32> to vector<1x16xf32>
    tpu.vector_store %arg7[%swap3A_242, %swap3A_243], %swap3A_246 {strides = array<i32>} : memref<8x128xf32, #tpu.memory_space<vmem>>, vector<1x16xf32>,
    %broadcast_in_dim3A_247 = arith.constant 0.000000e+00 : f32
    %broadcast_in_dim3A_248 = vector.broadcast %broadcast_in_dim3A_247 : f32 to vector<16xf32>
    %swap3A_249 = arith.constant 3 : i32
    %swap3A_250 = arith.index_cast %swap3A_249 : i32 to index
    %swap3A_251 = arith.constant 112 : index
    %swap3A_252 = tpu.vector_load %arg7[%swap3A_250, %swap3A_251] {strides = array<i32>} : memref<8x128xf32, #tpu.memory_space<vmem>>, vector<1x16xf32>,
    %swap3A_253 = vector.shape_cast %swap3A_252 : vector<1x16xf32> to vector<16xf32>
    %swap3A_254 = vector.shape_cast %broadcast_in_dim3A_248 : vector<16xf32> to vector<1x16xf32>
    tpu.vector_store %arg7[%swap3A_250, %swap3A_251], %swap3A_254 {strides = array<i32>} : memref<8x128xf32, #tpu.memory_space<vmem>>, vector<1x16xf32>,
    %broadcast_in_dim3A_255 = arith.constant 0.000000e+00 : f32
    %broadcast_in_dim3A_256 = vector.broadcast %broadcast_in_dim3A_255 : f32 to vector<16xf32>
    %swap3A_257 = arith.constant 4 : i32
    %swap3A_258 = arith.index_cast %swap3A_257 : i32 to index
    %swap3A_259 = arith.constant 0 : index
    %swap3A_260 = tpu.vector_load %arg7[%swap3A_258, %swap3A_259] {strides = array<i32>} : memref<8x128xf32, #tpu.memory_space<vmem>>, vector<1x16xf32>,
    %swap3A_261 = vector.shape_cast %swap3A_260 : vector<1x16xf32> to vector<16xf32>
    %swap3A_262 = vector.shape_cast %broadcast_in_dim3A_256 : vector<16xf32> to vector<1x16xf32>
    tpu.vector_store %arg7[%swap3A_258, %swap3A_259], %swap3A_262 {strides = array<i32>} : memref<8x128xf32, #tpu.memory_space<vmem>>, vector<1x16xf32>,
    %broadcast_in_dim3A_263 = arith.constant 0.000000e+00 : f32
    %broadcast_in_dim3A_264 = vector.broadcast %broadcast_in_dim3A_263 : f32 to vector<16xf32>
    %swap3A_265 = arith.constant 4 : i32
    %swap3A_266 = arith.index_cast %swap3A_265 : i32 to index
    %swap3A_267 = arith.constant 16 : index
    %swap3A_268 = tpu.vector_load %arg7[%swap3A_266, %swap3A_267] {strides = array<i32>} : memref<8x128xf32, #tpu.memory_space<vmem>>, vector<1x16xf32>,
    %swap3A_269 = vector.shape_cast %swap3A_268 : vector<1x16xf32> to vector<16xf32>
    %swap3A_270 = vector.shape_cast %broadcast_in_dim3A_264 : vector<16xf32> to vector<1x16xf32>
    tpu.vector_store %arg7[%swap3A_266, %swap3A_267], %swap3A_270 {strides = array<i32>} : memref<8x128xf32, #tpu.memory_space<vmem>>, vector<1x16xf32>,
    %broadcast_in_dim3A_271 = arith.constant 0.000000e+00 : f32
    %broadcast_in_dim3A_272 = vector.broadcast %broadcast_in_dim3A_271 : f32 to vector<16xf32>
    %swap3A_273 = arith.constant 4 : i32
    %swap3A_274 = arith.index_cast %swap3A_273 : i32 to index
    %swap3A_275 = arith.constant 32 : index
    %swap3A_276 = tpu.vector_load %arg7[%swap3A_274, %swap3A_275] {strides = array<i32>} : memref<8x128xf32, #tpu.memory_space<vmem>>, vector<1x16xf32>,
    %swap3A_277 = vector.shape_cast %swap3A_276 : vector<1x16xf32> to vector<16xf32>
    %swap3A_278 = vector.shape_cast %broadcast_in_dim3A_272 : vector<16xf32> to vector<1x16xf32>
    tpu.vector_store %arg7[%swap3A_274, %swap3A_275], %swap3A_278 {strides = array<i32>} : memref<8x128xf32, #tpu.memory_space<vmem>>, vector<1x16xf32>,
    %broadcast_in_dim3A_279 = arith.constant 0.000000e+00 : f32
    %broadcast_in_dim3A_280 = vector.broadcast %broadcast_in_dim3A_279 : f32 to vector<16xf32>
    %swap3A_281 = arith.constant 4 : i32
    %swap3A_282 = arith.index_cast %swap3A_281 : i32 to index
    %swap3A_283 = arith.constant 48 : index
    %swap3A_284 = tpu.vector_load %arg7[%swap3A_282, %swap3A_283] {strides = array<i32>} : memref<8x128xf32, #tpu.memory_space<vmem>>, vector<1x16xf32>,
    %swap3A_285 = vector.shape_cast %swap3A_284 : vector<1x16xf32> to vector<16xf32>
    %swap3A_286 = vector.shape_cast %broadcast_in_dim3A_280 : vector<16xf32> to vector<1x16xf32>
    tpu.vector_store %arg7[%swap3A_282, %swap3A_283], %swap3A_286 {strides = array<i32>} : memref<8x128xf32, #tpu.memory_space<vmem>>, vector<1x16xf32>,
    %broadcast_in_dim3A_287 = arith.constant 0.000000e+00 : f32
    %broadcast_in_dim3A_288 = vector.broadcast %broadcast_in_dim3A_287 : f32 to vector<16xf32>
    %swap3A_289 = arith.constant 4 : i32
    %swap3A_290 = arith.index_cast %swap3A_289 : i32 to index
    %swap3A_291 = arith.constant 64 : index
    %swap3A_292 = tpu.vector_load %arg7[%swap3A_290, %swap3A_291] {strides = array<i32>} : memref<8x128xf32, #tpu.memory_space<vmem>>, vector<1x16xf32>,
    %swap3A_293 = vector.shape_cast %swap3A_292 : vector<1x16xf32> to vector<16xf32>
    %swap3A_294 = vector.shape_cast %broadcast_in_dim3A_288 : vector<16xf32> to vector<1x16xf32>
    tpu.vector_store %arg7[%swap3A_290, %swap3A_291], %swap3A_294 {strides = array<i32>} : memref<8x128xf32, #tpu.memory_space<vmem>>, vector<1x16xf32>,
    %broadcast_in_dim3A_295 = arith.constant 0.000000e+00 : f32
    %broadcast_in_dim3A_296 = vector.broadcast %broadcast_in_dim3A_295 : f32 to vector<16xf32>
    %swap3A_297 = arith.constant 4 : i32
    %swap3A_298 = arith.index_cast %swap3A_297 : i32 to index
    %swap3A_299 = arith.constant 80 : index
    %swap3A_300 = tpu.vector_load %arg7[%swap3A_298, %swap3A_299] {strides = array<i32>} : memref<8x128xf32, #tpu.memory_space<vmem>>, vector<1x16xf32>,
    %swap3A_301 = vector.shape_cast %swap3A_300 : vector<1x16xf32> to vector<16xf32>
    %swap3A_302 = vector.shape_cast %broadcast_in_dim3A_296 : vector<16xf32> to vector<1x16xf32>
    tpu.vector_store %arg7[%swap3A_298, %swap3A_299], %swap3A_302 {strides = array<i32>} : memref<8x128xf32, #tpu.memory_space<vmem>>, vector<1x16xf32>,
    %broadcast_in_dim3A_303 = arith.constant 0.000000e+00 : f32
    %broadcast_in_dim3A_304 = vector.broadcast %broadcast_in_dim3A_303 : f32 to vector<16xf32>
    %swap3A_305 = arith.constant 4 : i32
    %swap3A_306 = arith.index_cast %swap3A_305 : i32 to index
    %swap3A_307 = arith.constant 96 : index
    %swap3A_308 = tpu.vector_load %arg7[%swap3A_306, %swap3A_307] {strides = array<i32>} : memref<8x128xf32, #tpu.memory_space<vmem>>, vector<1x16xf32>,
    %swap3A_309 = vector.shape_cast %swap3A_308 : vector<1x16xf32> to vector<16xf32>
    %swap3A_310 = vector.shape_cast %broadcast_in_dim3A_304 : vector<16xf32> to vector<1x16xf32>
    tpu.vector_store %arg7[%swap3A_306, %swap3A_307], %swap3A_310 {strides = array<i32>} : memref<8x128xf32, #tpu.memory_space<vmem>>, vector<1x16xf32>,
    %broadcast_in_dim3A_311 = arith.constant 0.000000e+00 : f32
    %broadcast_in_dim3A_312 = vector.broadcast %broadcast_in_dim3A_311 : f32 to vector<16xf32>
    %swap3A_313 = arith.constant 4 : i32
    %swap3A_314 = arith.index_cast %swap3A_313 : i32 to index
    %swap3A_315 = arith.constant 112 : index
    %swap3A_316 = tpu.vector_load %arg7[%swap3A_314, %swap3A_315] {strides = array<i32>} : memref<8x128xf32, #tpu.memory_space<vmem>>, vector<1x16xf32>,
    %swap3A_317 = vector.shape_cast %swap3A_316 : vector<1x16xf32> to vector<16xf32>
    %swap3A_318 = vector.shape_cast %broadcast_in_dim3A_312 : vector<16xf32> to vector<1x16xf32>
    tpu.vector_store %arg7[%swap3A_314, %swap3A_315], %swap3A_318 {strides = array<i32>} : memref<8x128xf32, #tpu.memory_space<vmem>>, vector<1x16xf32>,
    %broadcast_in_dim3A_319 = arith.constant 0.000000e+00 : f32
    %broadcast_in_dim3A_320 = vector.broadcast %broadcast_in_dim3A_319 : f32 to vector<16xf32>
    %swap3A_321 = arith.constant 5 : i32
    %swap3A_322 = arith.index_cast %swap3A_321 : i32 to index
    %swap3A_323 = arith.constant 0 : index
    %swap3A_324 = tpu.vector_load %arg7[%swap3A_322, %swap3A_323] {strides = array<i32>} : memref<8x128xf32, #tpu.memory_space<vmem>>, vector<1x16xf32>,
    %swap3A_325 = vector.shape_cast %swap3A_324 : vector<1x16xf32> to vector<16xf32>
    %swap3A_326 = vector.shape_cast %broadcast_in_dim3A_320 : vector<16xf32> to vector<1x16xf32>
    tpu.vector_store %arg7[%swap3A_322, %swap3A_323], %swap3A_326 {strides = array<i32>} : memref<8x128xf32, #tpu.memory_space<vmem>>, vector<1x16xf32>,
    %broadcast_in_dim3A_327 = arith.constant 0.000000e+00 : f32
    %broadcast_in_dim3A_328 = vector.broadcast %broadcast_in_dim3A_327 : f32 to vector<16xf32>
    %swap3A_329 = arith.constant 5 : i32
    %swap3A_330 = arith.index_cast %swap3A_329 : i32 to index
    %swap3A_331 = arith.constant 16 : index
    %swap3A_332 = tpu.vector_load %arg7[%swap3A_330, %swap3A_331] {strides = array<i32>} : memref<8x128xf32, #tpu.memory_space<vmem>>, vector<1x16xf32>,
    %swap3A_333 = vector.shape_cast %swap3A_332 : vector<1x16xf32> to vector<16xf32>
    %swap3A_334 = vector.shape_cast %broadcast_in_dim3A_328 : vector<16xf32> to vector<1x16xf32>
    tpu.vector_store %arg7[%swap3A_330, %swap3A_331], %swap3A_334 {strides = array<i32>} : memref<8x128xf32, #tpu.memory_space<vmem>>, vector<1x16xf32>,
    %broadcast_in_dim3A_335 = arith.constant 0.000000e+00 : f32
    %broadcast_in_dim3A_336 = vector.broadcast %broadcast_in_dim3A_335 : f32 to vector<16xf32>
    %swap3A_337 = arith.constant 5 : i32
    %swap3A_338 = arith.index_cast %swap3A_337 : i32 to index
    %swap3A_339 = arith.constant 32 : index
    %swap3A_340 = tpu.vector_load %arg7[%swap3A_338, %swap3A_339] {strides = array<i32>} : memref<8x128xf32, #tpu.memory_space<vmem>>, vector<1x16xf32>,
    %swap3A_341 = vector.shape_cast %swap3A_340 : vector<1x16xf32> to vector<16xf32>
    %swap3A_342 = vector.shape_cast %broadcast_in_dim3A_336 : vector<16xf32> to vector<1x16xf32>
    tpu.vector_store %arg7[%swap3A_338, %swap3A_339], %swap3A_342 {strides = array<i32>} : memref<8x128xf32, #tpu.memory_space<vmem>>, vector<1x16xf32>,
    %broadcast_in_dim3A_343 = arith.constant 0.000000e+00 : f32
    %broadcast_in_dim3A_344 = vector.broadcast %broadcast_in_dim3A_343 : f32 to vector<16xf32>
    %swap3A_345 = arith.constant 5 : i32
    %swap3A_346 = arith.index_cast %swap3A_345 : i32 to index
    %swap3A_347 = arith.constant 48 : index
    %swap3A_348 = tpu.vector_load %arg7[%swap3A_346, %swap3A_347] {strides = array<i32>} : memref<8x128xf32, #tpu.memory_space<vmem>>, vector<1x16xf32>,
    %swap3A_349 = vector.shape_cast %swap3A_348 : vector<1x16xf32> to vector<16xf32>
    %swap3A_350 = vector.shape_cast %broadcast_in_dim3A_344 : vector<16xf32> to vector<1x16xf32>
    tpu.vector_store %arg7[%swap3A_346, %swap3A_347], %swap3A_350 {strides = array<i32>} : memref<8x128xf32, #tpu.memory_space<vmem>>, vector<1x16xf32>,
    %broadcast_in_dim3A_351 = arith.constant 0.000000e+00 : f32
    %broadcast_in_dim3A_352 = vector.broadcast %broadcast_in_dim3A_351 : f32 to vector<16xf32>
    %swap3A_353 = arith.constant 5 : i32
    %swap3A_354 = arith.index_cast %swap3A_353 : i32 to index
    %swap3A_355 = arith.constant 64 : index
    %swap3A_356 = tpu.vector_load %arg7[%swap3A_354, %swap3A_355] {strides = array<i32>} : memref<8x128xf32, #tpu.memory_space<vmem>>, vector<1x16xf32>,
    %swap3A_357 = vector.shape_cast %swap3A_356 : vector<1x16xf32> to vector<16xf32>
    %swap3A_358 = vector.shape_cast %broadcast_in_dim3A_352 : vector<16xf32> to vector<1x16xf32>
    tpu.vector_store %arg7[%swap3A_354, %swap3A_355], %swap3A_358 {strides = array<i32>} : memref<8x128xf32, #tpu.memory_space<vmem>>, vector<1x16xf32>,
    %broadcast_in_dim3A_359 = arith.constant 0.000000e+00 : f32
    %broadcast_in_dim3A_360 = vector.broadcast %broadcast_in_dim3A_359 : f32 to vector<16xf32>
    %swap3A_361 = arith.constant 5 : i32
    %swap3A_362 = arith.index_cast %swap3A_361 : i32 to index
    %swap3A_363 = arith.constant 80 : index
    %swap3A_364 = tpu.vector_load %arg7[%swap3A_362, %swap3A_363] {strides = array<i32>} : memref<8x128xf32, #tpu.memory_space<vmem>>, vector<1x16xf32>,
    %swap3A_365 = vector.shape_cast %swap3A_364 : vector<1x16xf32> to vector<16xf32>
    %swap3A_366 = vector.shape_cast %broadcast_in_dim3A_360 : vector<16xf32> to vector<1x16xf32>
    tpu.vector_store %arg7[%swap3A_362, %swap3A_363], %swap3A_366 {strides = array<i32>} : memref<8x128xf32, #tpu.memory_space<vmem>>, vector<1x16xf32>,
    %broadcast_in_dim3A_367 = arith.constant 0.000000e+00 : f32
    %broadcast_in_dim3A_368 = vector.broadcast %broadcast_in_dim3A_367 : f32 to vector<16xf32>
    %swap3A_369 = arith.constant 5 : i32
    %swap3A_370 = arith.index_cast %swap3A_369 : i32 to index
    %swap3A_371 = arith.constant 96 : index
    %swap3A_372 = tpu.vector_load %arg7[%swap3A_370, %swap3A_371] {strides = array<i32>} : memref<8x128xf32, #tpu.memory_space<vmem>>, vector<1x16xf32>,
    %swap3A_373 = vector.shape_cast %swap3A_372 : vector<1x16xf32> to vector<16xf32>
    %swap3A_374 = vector.shape_cast %broadcast_in_dim3A_368 : vector<16xf32> to vector<1x16xf32>
    tpu.vector_store %arg7[%swap3A_370, %swap3A_371], %swap3A_374 {strides = array<i32>} : memref<8x128xf32, #tpu.memory_space<vmem>>, vector<1x16xf32>,
    %broadcast_in_dim3A_375 = arith.constant 0.000000e+00 : f32
    %broadcast_in_dim3A_376 = vector.broadcast %broadcast_in_dim3A_375 : f32 to vector<16xf32>
    %swap3A_377 = arith.constant 5 : i32
    %swap3A_378 = arith.index_cast %swap3A_377 : i32 to index
    %swap3A_379 = arith.constant 112 : index
    %swap3A_380 = tpu.vector_load %arg7[%swap3A_378, %swap3A_379] {strides = array<i32>} : memref<8x128xf32, #tpu.memory_space<vmem>>, vector<1x16xf32>,
    %swap3A_381 = vector.shape_cast %swap3A_380 : vector<1x16xf32> to vector<16xf32>
    %swap3A_382 = vector.shape_cast %broadcast_in_dim3A_376 : vector<16xf32> to vector<1x16xf32>
    tpu.vector_store %arg7[%swap3A_378, %swap3A_379], %swap3A_382 {strides = array<i32>} : memref<8x128xf32, #tpu.memory_space<vmem>>, vector<1x16xf32>,
    %broadcast_in_dim3A_383 = arith.constant 0.000000e+00 : f32
    %broadcast_in_dim3A_384 = vector.broadcast %broadcast_in_dim3A_383 : f32 to vector<16xf32>
    %swap3A_385 = arith.constant 6 : i32
    %swap3A_386 = arith.index_cast %swap3A_385 : i32 to index
    %swap3A_387 = arith.constant 0 : index
    %swap3A_388 = tpu.vector_load %arg7[%swap3A_386, %swap3A_387] {strides = array<i32>} : memref<8x128xf32, #tpu.memory_space<vmem>>, vector<1x16xf32>,
    %swap3A_389 = vector.shape_cast %swap3A_388 : vector<1x16xf32> to vector<16xf32>
    %swap3A_390 = vector.shape_cast %broadcast_in_dim3A_384 : vector<16xf32> to vector<1x16xf32>
    tpu.vector_store %arg7[%swap3A_386, %swap3A_387], %swap3A_390 {strides = array<i32>} : memref<8x128xf32, #tpu.memory_space<vmem>>, vector<1x16xf32>,
    %broadcast_in_dim3A_391 = arith.constant 0.000000e+00 : f32
    %broadcast_in_dim3A_392 = vector.broadcast %broadcast_in_dim3A_391 : f32 to vector<16xf32>
    %swap3A_393 = arith.constant 6 : i32
    %swap3A_394 = arith.index_cast %swap3A_393 : i32 to index
    %swap3A_395 = arith.constant 16 : index
    %swap3A_396 = tpu.vector_load %arg7[%swap3A_394, %swap3A_395] {strides = array<i32>} : memref<8x128xf32, #tpu.memory_space<vmem>>, vector<1x16xf32>,
    %swap3A_397 = vector.shape_cast %swap3A_396 : vector<1x16xf32> to vector<16xf32>
    %swap3A_398 = vector.shape_cast %broadcast_in_dim3A_392 : vector<16xf32> to vector<1x16xf32>
    tpu.vector_store %arg7[%swap3A_394, %swap3A_395], %swap3A_398 {strides = array<i32>} : memref<8x128xf32, #tpu.memory_space<vmem>>, vector<1x16xf32>,
    %broadcast_in_dim3A_399 = arith.constant 0.000000e+00 : f32
    %broadcast_in_dim3A_400 = vector.broadcast %broadcast_in_dim3A_399 : f32 to vector<16xf32>
    %swap3A_401 = arith.constant 6 : i32
    %swap3A_402 = arith.index_cast %swap3A_401 : i32 to index
    %swap3A_403 = arith.constant 32 : index
    %swap3A_404 = tpu.vector_load %arg7[%swap3A_402, %swap3A_403] {strides = array<i32>} : memref<8x128xf32, #tpu.memory_space<vmem>>, vector<1x16xf32>,
    %swap3A_405 = vector.shape_cast %swap3A_404 : vector<1x16xf32> to vector<16xf32>
    %swap3A_406 = vector.shape_cast %broadcast_in_dim3A_400 : vector<16xf32> to vector<1x16xf32>
    tpu.vector_store %arg7[%swap3A_402, %swap3A_403], %swap3A_406 {strides = array<i32>} : memref<8x128xf32, #tpu.memory_space<vmem>>, vector<1x16xf32>,
    %broadcast_in_dim3A_407 = arith.constant 0.000000e+00 : f32
    %broadcast_in_dim3A_408 = vector.broadcast %broadcast_in_dim3A_407 : f32 to vector<16xf32>
    %swap3A_409 = arith.constant 6 : i32
    %swap3A_410 = arith.index_cast %swap3A_409 : i32 to index
    %swap3A_411 = arith.constant 48 : index
    %swap3A_412 = tpu.vector_load %arg7[%swap3A_410, %swap3A_411] {strides = array<i32>} : memref<8x128xf32, #tpu.memory_space<vmem>>, vector<1x16xf32>,
    %swap3A_413 = vector.shape_cast %swap3A_412 : vector<1x16xf32> to vector<16xf32>
    %swap3A_414 = vector.shape_cast %broadcast_in_dim3A_408 : vector<16xf32> to vector<1x16xf32>
    tpu.vector_store %arg7[%swap3A_410, %swap3A_411], %swap3A_414 {strides = array<i32>} : memref<8x128xf32, #tpu.memory_space<vmem>>, vector<1x16xf32>,
    %broadcast_in_dim3A_415 = arith.constant 0.000000e+00 : f32
    %broadcast_in_dim3A_416 = vector.broadcast %broadcast_in_dim3A_415 : f32 to vector<16xf32>
    %swap3A_417 = arith.constant 6 : i32
    %swap3A_418 = arith.index_cast %swap3A_417 : i32 to index
    %swap3A_419 = arith.constant 64 : index
    %swap3A_420 = tpu.vector_load %arg7[%swap3A_418, %swap3A_419] {strides = array<i32>} : memref<8x128xf32, #tpu.memory_space<vmem>>, vector<1x16xf32>,
    %swap3A_421 = vector.shape_cast %swap3A_420 : vector<1x16xf32> to vector<16xf32>
    %swap3A_422 = vector.shape_cast %broadcast_in_dim3A_416 : vector<16xf32> to vector<1x16xf32>
    tpu.vector_store %arg7[%swap3A_418, %swap3A_419], %swap3A_422 {strides = array<i32>} : memref<8x128xf32, #tpu.memory_space<vmem>>, vector<1x16xf32>,
    %broadcast_in_dim3A_423 = arith.constant 0.000000e+00 : f32
    %broadcast_in_dim3A_424 = vector.broadcast %broadcast_in_dim3A_423 : f32 to vector<16xf32>
    %swap3A_425 = arith.constant 6 : i32
    %swap3A_426 = arith.index_cast %swap3A_425 : i32 to index
    %swap3A_427 = arith.constant 80 : index
    %swap3A_428 = tpu.vector_load %arg7[%swap3A_426, %swap3A_427] {strides = array<i32>} : memref<8x128xf32, #tpu.memory_space<vmem>>, vector<1x16xf32>,
    %swap3A_429 = vector.shape_cast %swap3A_428 : vector<1x16xf32> to vector<16xf32>
    %swap3A_430 = vector.shape_cast %broadcast_in_dim3A_424 : vector<16xf32> to vector<1x16xf32>
    tpu.vector_store %arg7[%swap3A_426, %swap3A_427], %swap3A_430 {strides = array<i32>} : memref<8x128xf32, #tpu.memory_space<vmem>>, vector<1x16xf32>,
    %broadcast_in_dim3A_431 = arith.constant 0.000000e+00 : f32
    %broadcast_in_dim3A_432 = vector.broadcast %broadcast_in_dim3A_431 : f32 to vector<16xf32>
    %swap3A_433 = arith.constant 6 : i32
    %swap3A_434 = arith.index_cast %swap3A_433 : i32 to index
    %swap3A_435 = arith.constant 96 : index
    %swap3A_436 = tpu.vector_load %arg7[%swap3A_434, %swap3A_435] {strides = array<i32>} : memref<8x128xf32, #tpu.memory_space<vmem>>, vector<1x16xf32>,
    %swap3A_437 = vector.shape_cast %swap3A_436 : vector<1x16xf32> to vector<16xf32>
    %swap3A_438 = vector.shape_cast %broadcast_in_dim3A_432 : vector<16xf32> to vector<1x16xf32>
    tpu.vector_store %arg7[%swap3A_434, %swap3A_435], %swap3A_438 {strides = array<i32>} : memref<8x128xf32, #tpu.memory_space<vmem>>, vector<1x16xf32>,
    %broadcast_in_dim3A_439 = arith.constant 0.000000e+00 : f32
    %broadcast_in_dim3A_440 = vector.broadcast %broadcast_in_dim3A_439 : f32 to vector<16xf32>
    %swap3A_441 = arith.constant 6 : i32
    %swap3A_442 = arith.index_cast %swap3A_441 : i32 to index
    %swap3A_443 = arith.constant 112 : index
    %swap3A_444 = tpu.vector_load %arg7[%swap3A_442, %swap3A_443] {strides = array<i32>} : memref<8x128xf32, #tpu.memory_space<vmem>>, vector<1x16xf32>,
    %swap3A_445 = vector.shape_cast %swap3A_444 : vector<1x16xf32> to vector<16xf32>
    %swap3A_446 = vector.shape_cast %broadcast_in_dim3A_440 : vector<16xf32> to vector<1x16xf32>
    tpu.vector_store %arg7[%swap3A_442, %swap3A_443], %swap3A_446 {strides = array<i32>} : memref<8x128xf32, #tpu.memory_space<vmem>>, vector<1x16xf32>,
    %broadcast_in_dim3A_447 = arith.constant 0.000000e+00 : f32
    %broadcast_in_dim3A_448 = vector.broadcast %broadcast_in_dim3A_447 : f32 to vector<16xf32>
    %swap3A_449 = arith.constant 7 : i32
    %swap3A_450 = arith.index_cast %swap3A_449 : i32 to index
    %swap3A_451 = arith.constant 0 : index
    %swap3A_452 = tpu.vector_load %arg7[%swap3A_450, %swap3A_451] {strides = array<i32>} : memref<8x128xf32, #tpu.memory_space<vmem>>, vector<1x16xf32>,
    %swap3A_453 = vector.shape_cast %swap3A_452 : vector<1x16xf32> to vector<16xf32>
    %swap3A_454 = vector.shape_cast %broadcast_in_dim3A_448 : vector<16xf32> to vector<1x16xf32>
    tpu.vector_store %arg7[%swap3A_450, %swap3A_451], %swap3A_454 {strides = array<i32>} : memref<8x128xf32, #tpu.memory_space<vmem>>, vector<1x16xf32>,
    %broadcast_in_dim3A_455 = arith.constant 0.000000e+00 : f32
    %broadcast_in_dim3A_456 = vector.broadcast %broadcast_in_dim3A_455 : f32 to vector<16xf32>
    %swap3A_457 = arith.constant 7 : i32
    %swap3A_458 = arith.index_cast %swap3A_457 : i32 to index
    %swap3A_459 = arith.constant 16 : index
    %swap3A_460 = tpu.vector_load %arg7[%swap3A_458, %swap3A_459] {strides = array<i32>} : memref<8x128xf32, #tpu.memory_space<vmem>>, vector<1x16xf32>,
    %swap3A_461 = vector.shape_cast %swap3A_460 : vector<1x16xf32> to vector<16xf32>
    %swap3A_462 = vector.shape_cast %broadcast_in_dim3A_456 : vector<16xf32> to vector<1x16xf32>
    tpu.vector_store %arg7[%swap3A_458, %swap3A_459], %swap3A_462 {strides = array<i32>} : memref<8x128xf32, #tpu.memory_space<vmem>>, vector<1x16xf32>,
    %broadcast_in_dim3A_463 = arith.constant 0.000000e+00 : f32
    %broadcast_in_dim3A_464 = vector.broadcast %broadcast_in_dim3A_463 : f32 to vector<16xf32>
    %swap3A_465 = arith.constant 7 : i32
    %swap3A_466 = arith.index_cast %swap3A_465 : i32 to index
    %swap3A_467 = arith.constant 32 : index
    %swap3A_468 = tpu.vector_load %arg7[%swap3A_466, %swap3A_467] {strides = array<i32>} : memref<8x128xf32, #tpu.memory_space<vmem>>, vector<1x16xf32>,
    %swap3A_469 = vector.shape_cast %swap3A_468 : vector<1x16xf32> to vector<16xf32>
    %swap3A_470 = vector.shape_cast %broadcast_in_dim3A_464 : vector<16xf32> to vector<1x16xf32>
    tpu.vector_store %arg7[%swap3A_466, %swap3A_467], %swap3A_470 {strides = array<i32>} : memref<8x128xf32, #tpu.memory_space<vmem>>, vector<1x16xf32>,
    %broadcast_in_dim3A_471 = arith.constant 0.000000e+00 : f32
    %broadcast_in_dim3A_472 = vector.broadcast %broadcast_in_dim3A_471 : f32 to vector<16xf32>
    %swap3A_473 = arith.constant 7 : i32
    %swap3A_474 = arith.index_cast %swap3A_473 : i32 to index
    %swap3A_475 = arith.constant 48 : index
    %swap3A_476 = tpu.vector_load %arg7[%swap3A_474, %swap3A_475] {strides = array<i32>} : memref<8x128xf32, #tpu.memory_space<vmem>>, vector<1x16xf32>,
    %swap3A_477 = vector.shape_cast %swap3A_476 : vector<1x16xf32> to vector<16xf32>
    %swap3A_478 = vector.shape_cast %broadcast_in_dim3A_472 : vector<16xf32> to vector<1x16xf32>
    tpu.vector_store %arg7[%swap3A_474, %swap3A_475], %swap3A_478 {strides = array<i32>} : memref<8x128xf32, #tpu.memory_space<vmem>>, vector<1x16xf32>,
    %broadcast_in_dim3A_479 = arith.constant 0.000000e+00 : f32
    %broadcast_in_dim3A_480 = vector.broadcast %broadcast_in_dim3A_479 : f32 to vector<16xf32>
    %swap3A_481 = arith.constant 7 : i32
    %swap3A_482 = arith.index_cast %swap3A_481 : i32 to index
    %swap3A_483 = arith.constant 64 : index
    %swap3A_484 = tpu.vector_load %arg7[%swap3A_482, %swap3A_483] {strides = array<i32>} : memref<8x128xf32, #tpu.memory_space<vmem>>, vector<1x16xf32>,
    %swap3A_485 = vector.shape_cast %swap3A_484 : vector<1x16xf32> to vector<16xf32>
    %swap3A_486 = vector.shape_cast %broadcast_in_dim3A_480 : vector<16xf32> to vector<1x16xf32>
    tpu.vector_store %arg7[%swap3A_482, %swap3A_483], %swap3A_486 {strides = array<i32>} : memref<8x128xf32, #tpu.memory_space<vmem>>, vector<1x16xf32>,
    %broadcast_in_dim3A_487 = arith.constant 0.000000e+00 : f32
    %broadcast_in_dim3A_488 = vector.broadcast %broadcast_in_dim3A_487 : f32 to vector<16xf32>
    %swap3A_489 = arith.constant 7 : i32
    %swap3A_490 = arith.index_cast %swap3A_489 : i32 to index
    %swap3A_491 = arith.constant 80 : index
    %swap3A_492 = tpu.vector_load %arg7[%swap3A_490, %swap3A_491] {strides = array<i32>} : memref<8x128xf32, #tpu.memory_space<vmem>>, vector<1x16xf32>,
    %swap3A_493 = vector.shape_cast %swap3A_492 : vector<1x16xf32> to vector<16xf32>
    %swap3A_494 = vector.shape_cast %broadcast_in_dim3A_488 : vector<16xf32> to vector<1x16xf32>
    tpu.vector_store %arg7[%swap3A_490, %swap3A_491], %swap3A_494 {strides = array<i32>} : memref<8x128xf32, #tpu.memory_space<vmem>>, vector<1x16xf32>,
    %broadcast_in_dim3A_495 = arith.constant 0.000000e+00 : f32
    %broadcast_in_dim3A_496 = vector.broadcast %broadcast_in_dim3A_495 : f32 to vector<16xf32>
    %swap3A_497 = arith.constant 7 : i32
    %swap3A_498 = arith.index_cast %swap3A_497 : i32 to index
    %swap3A_499 = arith.constant 96 : index
    %swap3A_500 = tpu.vector_load %arg7[%swap3A_498, %swap3A_499] {strides = array<i32>} : memref<8x128xf32, #tpu.memory_space<vmem>>, vector<1x16xf32>,
    %swap3A_501 = vector.shape_cast %swap3A_500 : vector<1x16xf32> to vector<16xf32>
    %swap3A_502 = vector.shape_cast %broadcast_in_dim3A_496 : vector<16xf32> to vector<1x16xf32>
    tpu.vector_store %arg7[%swap3A_498, %swap3A_499], %swap3A_502 {strides = array<i32>} : memref<8x128xf32, #tpu.memory_space<vmem>>, vector<1x16xf32>,
    %broadcast_in_dim3A_503 = arith.constant 0.000000e+00 : f32
    %broadcast_in_dim3A_504 = vector.broadcast %broadcast_in_dim3A_503 : f32 to vector<16xf32>
    %swap3A_505 = arith.constant 7 : i32
    %swap3A_506 = arith.index_cast %swap3A_505 : i32 to index
    %swap3A_507 = arith.constant 112 : index
    %swap3A_508 = tpu.vector_load %arg7[%swap3A_506, %swap3A_507] {strides = array<i32>} : memref<8x128xf32, #tpu.memory_space<vmem>>, vector<1x16xf32>,
    %swap3A_509 = vector.shape_cast %swap3A_508 : vector<1x16xf32> to vector<16xf32>
    %swap3A_510 = vector.shape_cast %broadcast_in_dim3A_504 : vector<16xf32> to vector<1x16xf32>
    tpu.vector_store %arg7[%swap3A_506, %swap3A_507], %swap3A_510 {strides = array<i32>} : memref<8x128xf32, #tpu.memory_space<vmem>>, vector<1x16xf32>,
    "tpu.region"() ({
      %run_scoped3A = tpu.sem_alloc : memref<!tpu.dma_semaphore, #tpu.memory_space<semaphore_mem>>
      tpu.enqueue_dma source(%arg3 : memref<128x128xf32, #tpu.memory_space<hbm>>) target(%arg6 : memref<128x128xf32, #tpu.memory_space<vmem>>) target_semaphore(%run_scoped3A : memref<!tpu.dma_semaphore, #tpu.memory_space<semaphore_mem>>)
      tpu.wait_dma2 semaphore(%run_scoped3A : memref<!tpu.dma_semaphore, #tpu.memory_space<semaphore_mem>>) src(%arg3 : memref<128x128xf32, #tpu.memory_space<hbm>>) dst(%arg6 : memref<128x128xf32, #tpu.memory_space<vmem>>)
      tpu.yield
    }) : () -> ()
    %scan3A = arith.constant 0 : i32
    %scan3A_511 = arith.constant 0 : i32
    %scan3A_512 = arith.constant 79 : i32
    %scan3A_513 = arith.addi %scan3A_511, %scan3A_512 : i32
    %scan3A_514 = arith.constant 1 : i32
    scf.for %scan3A_530 = %scan3A_511 to %scan3A_513 step %scan3A_514  : i32 {
      %mul3A_531 = arith.constant 632 : i32
      %mul3A_532 = arith.muli %arg1, %mul3A_531 : i32
      %mul3A_533 = arith.constant 8 : i32
      %mul3A_534 = arith.muli %scan3A_530, %mul3A_533 : i32
      %add3A_535 = arith.addi %mul3A_532, %mul3A_534 : i32
      "tpu.region"() ({
        %run_scoped3A = tpu.sem_alloc : memref<!tpu.dma_semaphore, #tpu.memory_space<semaphore_mem>>
        %dma_start3A = arith.constant 0 : i32
        %dma_start3A_536 = tpu.memref_slice %arg8[%add3A_535, %dma_start3A] : memref<10112x128xf32, #tpu.memory_space<vmem_shared>> -> memref<8x128xf32, #tpu.memory_space<vmem_shared>>
        %dma_start3A_537 = arith.constant 0 : i32
        %dma_start3A_538 = tpu.memref_slice %arg8[%add3A_535, %dma_start3A_537] : memref<10112x128xf32, #tpu.memory_space<vmem_shared>> -> memref<8x128xf32, #tpu.memory_space<vmem_shared>>
        tpu.enqueue_dma source(%arg7 : memref<8x128xf32, #tpu.memory_space<vmem>>) target(%dma_start3A_538 : memref<8x128xf32, #tpu.memory_space<vmem_shared>>) target_semaphore(%run_scoped3A : memref<!tpu.dma_semaphore, #tpu.memory_space<semaphore_mem>>)
        %dma_wait3A = arith.constant 0 : i32
        %dma_wait3A_539 = tpu.memref_slice %arg8[%add3A_535, %dma_wait3A] : memref<10112x128xf32, #tpu.memory_space<vmem_shared>> -> memref<8x128xf32, #tpu.memory_space<vmem_shared>>
        %dma_wait3A_540 = arith.constant 0 : i32
        %dma_wait3A_541 = tpu.memref_slice %arg8[%add3A_535, %dma_wait3A_540] : memref<10112x128xf32, #tpu.memory_space<vmem_shared>> -> memref<8x128xf32, #tpu.memory_space<vmem_shared>>
        tpu.wait_dma2 semaphore(%run_scoped3A : memref<!tpu.dma_semaphore, #tpu.memory_space<semaphore_mem>>) src(%arg7 : memref<8x128xf32, #tpu.memory_space<vmem>>) dst(%dma_wait3A_541 : memref<8x128xf32, #tpu.memory_space<vmem_shared>>)
        tpu.yield
      }) : () -> ()
    }
    %scan3A_515 = arith.constant 79 : i32
    %barrier3A = arith.constant 0 : index
    tpu.barrier barrier_id(%barrier3A)
    %scan3A_516 = arith.constant 0 : i32
    %scan3A_517 = arith.constant 0 : i32
    %scan3A_518 = arith.constant 79 : i32
    %scan3A_519 = arith.addi %scan3A_517, %scan3A_518 : i32
    %scan3A_520 = arith.constant 1 : i32
    scf.for %scan3A_530 = %scan3A_517 to %scan3A_519 step %scan3A_520  : i32 {
      %mul3A_531 = arith.constant 10112 : i32
      %mul3A_532 = arith.muli %add3A, %mul3A_531 : i32
      %mul3A_533 = arith.constant 128 : i32
      %mul3A_534 = arith.muli %scan3A_530, %mul3A_533 : i32
      %add3A_535 = arith.addi %mul3A_532, %mul3A_534 : i32
      "tpu.region"() ({
        %run_scoped3A = tpu.sem_alloc : memref<!tpu.dma_semaphore, #tpu.memory_space<semaphore_mem>>
        %dma_start3A = tpu.memref_slice %arg2[%add3A_535] : memref<323584xi32, #tpu.memory_space<hbm>> -> memref<128xi32, #tpu.memory_space<hbm>>
        %dma_start3A_536 = tpu.memref_slice %arg2[%add3A_535] : memref<323584xi32, #tpu.memory_space<hbm>> -> memref<128xi32, #tpu.memory_space<hbm>>
        tpu.enqueue_dma source(%dma_start3A_536 : memref<128xi32, #tpu.memory_space<hbm>>) target(%arg5 : memref<128xi32, #tpu.memory_space<vmem>>) target_semaphore(%run_scoped3A : memref<!tpu.dma_semaphore, #tpu.memory_space<semaphore_mem>>)
        %dma_wait3A = tpu.memref_slice %arg2[%add3A_535] : memref<323584xi32, #tpu.memory_space<hbm>> -> memref<128xi32, #tpu.memory_space<hbm>>
        %dma_wait3A_537 = tpu.memref_slice %arg2[%add3A_535] : memref<323584xi32, #tpu.memory_space<hbm>> -> memref<128xi32, #tpu.memory_space<hbm>>
        tpu.wait_dma2 semaphore(%run_scoped3A : memref<!tpu.dma_semaphore, #tpu.memory_space<semaphore_mem>>) src(%dma_wait3A_537 : memref<128xi32, #tpu.memory_space<hbm>>) dst(%arg5 : memref<128xi32, #tpu.memory_space<vmem>>)
        tpu.yield
      }) : () -> ()
      "tpu.region"() ({
        %run_scoped3A = tpu.sem_alloc : memref<!tpu.dma_semaphore, #tpu.memory_space<semaphore_mem>>
        %dma_start3A = arith.constant 0 : i32
        %dma_start3A_536 = arith.constant 0 : i32
        %dma_start3A_537 = tpu.memref_slice %arg8[%dma_start3A, %dma_start3A_536] : memref<10112x128xf32, #tpu.memory_space<vmem_shared>> -> memref<10112x128xf32, #tpu.memory_space<vmem_shared>>
        tpu.enqueue_indirect_dma source(%arg6 : memref<128x128xf32, #tpu.memory_space<vmem>>) target(%dma_start3A_537 : memref<10112x128xf32, #tpu.memory_space<vmem_shared>>) offsets(%arg5 : memref<128xi32, #tpu.memory_space<vmem>>) semaphore(%run_scoped3A : memref<!tpu.dma_semaphore, #tpu.memory_space<semaphore_mem>>) {add = true}
        %dma_wait3A = arith.constant 0 : i32
        %dma_wait3A_538 = arith.constant 0 : i32
        %dma_wait3A_539 = tpu.memref_slice %arg8[%dma_wait3A, %dma_wait3A_538] : memref<10112x128xf32, #tpu.memory_space<vmem_shared>> -> memref<10112x128xf32, #tpu.memory_space<vmem_shared>>
        tpu.wait_indirect_dma semaphore(%run_scoped3A : memref<!tpu.dma_semaphore, #tpu.memory_space<semaphore_mem>>) src(%arg6 : memref<128x128xf32, #tpu.memory_space<vmem>>) dst(%dma_wait3A_539 : memref<10112x128xf32, #tpu.memory_space<vmem_shared>>)
        tpu.yield
      }) : () -> ()
    }
    %scan3A_521 = arith.constant 79 : i32
    %barrier3A_522 = arith.constant 0 : index
    tpu.barrier barrier_id(%barrier3A_522)
    %mul3A_523 = arith.constant 632 : i32
    %mul3A_524 = arith.muli %arg1, %mul3A_523 : i32
    %mul3A_525 = arith.constant 10112 : i32
    %mul3A_526 = arith.muli %arg0, %mul3A_525 : i32
    %mul3A_527 = arith.constant 632 : i32
    %mul3A_528 = arith.muli %arg1, %mul3A_527 : i32
    %add3A_529 = arith.addi %mul3A_526, %mul3A_528 : i32
    "tpu.region"() ({
      %run_scoped3A = tpu.sem_alloc : memref<!tpu.dma_semaphore, #tpu.memory_space<semaphore_mem>>
      %dma_start3A = arith.constant 0 : i32
      %dma_start3A_530 = tpu.memref_slice %arg4[%add3A_529, %dma_start3A] : memref<20224x128xf32, #tpu.memory_space<hbm>> -> memref<632x128xf32, #tpu.memory_space<hbm>>
      %dma_start3A_531 = arith.constant 0 : i32
      %dma_start3A_532 = tpu.memref_slice %arg8[%mul3A_524, %dma_start3A_531] : memref<10112x128xf32, #tpu.memory_space<vmem_shared>> -> memref<632x128xf32, #tpu.memory_space<vmem_shared>>
      tpu.enqueue_dma source(%dma_start3A_532 : memref<632x128xf32, #tpu.memory_space<vmem_shared>>) target(%dma_start3A_530 : memref<632x128xf32, #tpu.memory_space<hbm>>) target_semaphore(%run_scoped3A : memref<!tpu.dma_semaphore, #tpu.memory_space<semaphore_mem>>)
      %dma_wait3A = arith.constant 0 : i32
      %dma_wait3A_533 = tpu.memref_slice %arg4[%add3A_529, %dma_wait3A] : memref<20224x128xf32, #tpu.memory_space<hbm>> -> memref<632x128xf32, #tpu.memory_space<hbm>>
      %dma_wait3A_534 = arith.constant 0 : i32
      %dma_wait3A_535 = tpu.memref_slice %arg8[%mul3A_524, %dma_wait3A_534] : memref<10112x128xf32, #tpu.memory_space<vmem_shared>> -> memref<632x128xf32, #tpu.memory_space<vmem_shared>>
      tpu.wait_dma2 semaphore(%run_scoped3A : memref<!tpu.dma_semaphore, #tpu.memory_space<semaphore_mem>>) src(%dma_wait3A_535 : memref<632x128xf32, #tpu.memory_space<vmem_shared>>) dst(%dma_wait3A_533 : memref<632x128xf32, #tpu.memory_space<hbm>>)
      tpu.yield
    }) : () -> ()
    return
  }
}

module attributes {stable_mosaic.version = 14 : i64} {
  func.func @_bn_msg_body(%arg0: memref<10000x128xf32, #tpu.memory_space<vmem>>, %arg1: memref<1x128xf32, #tpu.memory_space<vmem>>, %arg2: memref<1x128xf32, #tpu.memory_space<vmem>>, %arg3: memref<128x128xf32, #tpu.memory_space<vmem>>, %arg4: memref<1x128xf32, #tpu.memory_space<vmem>>, %arg5: memref<10000x128xf32, #tpu.memory_space<vmem>>, %arg6: memref<10000x128xf32, #tpu.memory_space<vmem>>) attributes {dimension_semantics = [], scalar_prefetch = 0 : i64, scratch_operands = 0 : i64, tpu.core_type = #tpu.core_type<tc>} {
    %get3A = arith.constant 0 : index
    %get3A_0 = arith.constant 0 : index
    %get3A_1 = vector.load %arg0[%get3A, %get3A_0] : memref<10000x128xf32, #tpu.memory_space<vmem>>, vector<10000x128xf32>
    %reduce_sum3A = arith.constant dense<0.000000e+00> : vector<128xf32>
    %reduce_sum3A_2 = vector.multi_reduction <add>, %get3A_1, %reduce_sum3A [0] : vector<10000x128xf32> to vector<128xf32>
    %broadcast_in_dim3A = vector.shape_cast %reduce_sum3A_2 : vector<128xf32> to vector<1x128xf32>
    %div3A = arith.constant 1.000000e+04 : f32
    %div3A_3 = vector.broadcast %div3A : f32 to vector<1x128xf32>
    %div3A_4 = arith.divf %broadcast_in_dim3A, %div3A_3 : vector<1x128xf32>
    %sub3A = vector.broadcast %div3A_4 : vector<1x128xf32> to vector<10000x128xf32>
    %sub3A_5 = arith.subf %get3A_1, %sub3A : vector<10000x128xf32>
    %mul3A = arith.mulf %sub3A_5, %sub3A_5 : vector<10000x128xf32>
    %reduce_sum3A_6 = arith.constant dense<0.000000e+00> : vector<128xf32>
    %reduce_sum3A_7 = vector.multi_reduction <add>, %mul3A, %reduce_sum3A_6 [0] : vector<10000x128xf32> to vector<128xf32>
    %broadcast_in_dim3A_8 = vector.shape_cast %reduce_sum3A_7 : vector<128xf32> to vector<1x128xf32>
    %div3A_9 = arith.constant 1.000000e+04 : f32
    %div3A_10 = vector.broadcast %div3A_9 : f32 to vector<1x128xf32>
    %div3A_11 = arith.divf %broadcast_in_dim3A_8, %div3A_10 : vector<1x128xf32>
    %get3A_12 = arith.constant 0 : index
    %get3A_13 = arith.constant 0 : index
    %get3A_14 = vector.load %arg1[%get3A_12, %get3A_13] : memref<1x128xf32, #tpu.memory_space<vmem>>, vector<1x128xf32>
    %mul3A_15 = vector.broadcast %get3A_14 : vector<1x128xf32> to vector<10000x128xf32>
    %mul3A_16 = arith.mulf %mul3A_15, %sub3A_5 : vector<10000x128xf32>
    %add3A = arith.constant 9.99999974E-6 : f32
    %add3A_17 = vector.broadcast %add3A : f32 to vector<1x128xf32>
    %add3A_18 = arith.addf %div3A_11, %add3A_17 : vector<1x128xf32>
    %rsqrt3A = math.rsqrt %add3A_18 : vector<1x128xf32>
    %mul3A_19 = vector.broadcast %rsqrt3A : vector<1x128xf32> to vector<10000x128xf32>
    %mul3A_20 = arith.mulf %mul3A_16, %mul3A_19 : vector<10000x128xf32>
    %get3A_21 = arith.constant 0 : index
    %get3A_22 = arith.constant 0 : index
    %get3A_23 = vector.load %arg2[%get3A_21, %get3A_22] : memref<1x128xf32, #tpu.memory_space<vmem>>, vector<1x128xf32>
    %add3A_24 = vector.broadcast %get3A_23 : vector<1x128xf32> to vector<10000x128xf32>
    %add3A_25 = arith.addf %mul3A_20, %add3A_24 : vector<10000x128xf32>
    %swap3A = arith.constant 0 : index
    %swap3A_26 = arith.constant 0 : index
    %swap3A_27 = vector.load %arg5[%swap3A, %swap3A_26] : memref<10000x128xf32, #tpu.memory_space<vmem>>, vector<10000x128xf32>
    tpu.vector_store %arg5[%swap3A, %swap3A_26], %add3A_25 {strides = array<i32>} : memref<10000x128xf32, #tpu.memory_space<vmem>>, vector<10000x128xf32>,
    %get3A_28 = arith.constant 0 : index
    %get3A_29 = arith.constant 0 : index
    %get3A_30 = vector.load %arg3[%get3A_28, %get3A_29] : memref<128x128xf32, #tpu.memory_space<vmem>>, vector<128x128xf32>
    %dot_general3A = arith.constant dense<0.000000e+00> : vector<10000x128xf32>
    %dot_general3A_31 = tpu.matmul %add3A_25, %get3A_30, %dot_general3A {dimension_numbers = #tpu.dot_dimension_numbers<[1], [0], [0], [1], [0, 0, 1, 1], [], []>, transpose_lhs_hint = false} : vector<10000x128xf32>, vector<128x128xf32>, vector<10000x128xf32> -> vector<10000x128xf32>
    %get3A_32 = arith.constant 0 : index
    %get3A_33 = arith.constant 0 : index
    %get3A_34 = vector.load %arg4[%get3A_32, %get3A_33] : memref<1x128xf32, #tpu.memory_space<vmem>>, vector<1x128xf32>
    %add3A_35 = vector.broadcast %get3A_34 : vector<1x128xf32> to vector<10000x128xf32>
    %add3A_36 = arith.addf %dot_general3A_31, %add3A_35 : vector<10000x128xf32>
    %max3A = arith.constant 0.000000e+00 : f32
    %max3A_37 = vector.broadcast %max3A : f32 to vector<10000x128xf32>
    %max3A_38 = arith.maximumf %add3A_36, %max3A_37 : vector<10000x128xf32>
    %swap3A_39 = arith.constant 0 : index
    %swap3A_40 = arith.constant 0 : index
    %swap3A_41 = vector.load %arg6[%swap3A_39, %swap3A_40] : memref<10000x128xf32, #tpu.memory_space<vmem>>, vector<10000x128xf32>
    tpu.vector_store %arg6[%swap3A_39, %swap3A_40], %max3A_38 {strides = array<i32>} : memref<10000x128xf32, #tpu.memory_space<vmem>>, vector<10000x128xf32>,
    return
  }
}

module attributes {stable_mosaic.version = 14 : i64} {
  func.func @_combine_msg_body(%arg0: memref<10000x128xf32, #tpu.memory_space<vmem>>, %arg1: memref<2x10112x128xf32, #tpu.memory_space<vmem>>, %arg2: memref<2x10112x128xf32, #tpu.memory_space<vmem>>, %arg3: memref<256x128xf32, #tpu.memory_space<vmem>>, %arg4: memref<1x128xf32, #tpu.memory_space<vmem>>, %arg5: memref<128x128xf32, #tpu.memory_space<vmem>>, %arg6: memref<1x128xf32, #tpu.memory_space<vmem>>, %arg7: memref<10000x128xf32, #tpu.memory_space<vmem>>, %arg8: memref<10000x128xf32, #tpu.memory_space<vmem>>) attributes {dimension_semantics = [], scalar_prefetch = 0 : i64, scratch_operands = 0 : i64, tpu.core_type = #tpu.core_type<tc>} {
    %get3A = arith.constant 0 : index
    %get3A_0 = arith.constant 0 : index
    %get3A_1 = arith.constant 0 : index
    %get3A_2 = vector.load %arg1[%get3A, %get3A_0, %get3A_1] : memref<2x10112x128xf32, #tpu.memory_space<vmem>>, vector<1x10000x128xf32>
    %get3A_3 = vector.shape_cast %get3A_2 : vector<1x10000x128xf32> to vector<10000x128xf32>
    %get3A_4 = arith.constant 1 : index
    %get3A_5 = arith.constant 0 : index
    %get3A_6 = arith.constant 0 : index
    %get3A_7 = vector.load %arg1[%get3A_4, %get3A_5, %get3A_6] : memref<2x10112x128xf32, #tpu.memory_space<vmem>>, vector<1x10000x128xf32>
    %get3A_8 = vector.shape_cast %get3A_7 : vector<1x10000x128xf32> to vector<10000x128xf32>
    %add3A = arith.addf %get3A_3, %get3A_8 : vector<10000x128xf32>
    %get3A_9 = arith.constant 0 : index
    %get3A_10 = arith.constant 0 : index
    %get3A_11 = arith.constant 0 : index
    %get3A_12 = vector.load %arg2[%get3A_9, %get3A_10, %get3A_11] : memref<2x10112x128xf32, #tpu.memory_space<vmem>>, vector<1x10000x1xf32>
    %get3A_13 = vector.shape_cast %get3A_12 : vector<1x10000x1xf32> to vector<10000x1xf32>
    %get3A_14 = arith.constant 1 : index
    %get3A_15 = arith.constant 0 : index
    %get3A_16 = arith.constant 0 : index
    %get3A_17 = vector.load %arg2[%get3A_14, %get3A_15, %get3A_16] : memref<2x10112x128xf32, #tpu.memory_space<vmem>>, vector<1x10000x1xf32>
    %get3A_18 = vector.shape_cast %get3A_17 : vector<1x10000x1xf32> to vector<10000x1xf32>
    %add3A_19 = arith.addf %get3A_13, %get3A_18 : vector<10000x1xf32>
    %max3A = arith.constant 1.000000e+00 : f32
    %max3A_20 = vector.broadcast %max3A : f32 to vector<10000x1xf32>
    %max3A_21 = arith.maximumf %add3A_19, %max3A_20 : vector<10000x1xf32>
    %div3A = vector.broadcast %max3A_21 : vector<10000x1xf32> to vector<10000x128xf32>
    %div3A_22 = arith.divf %add3A, %div3A : vector<10000x128xf32>
    %get3A_23 = arith.constant 0 : index
    %get3A_24 = arith.constant 0 : index
    %get3A_25 = vector.load %arg0[%get3A_23, %get3A_24] : memref<10000x128xf32, #tpu.memory_space<vmem>>, vector<10000x128xf32>
    %get3A_26 = arith.constant 0 : index
    %get3A_27 = arith.constant 0 : index
    %get3A_28 = vector.load %arg3[%get3A_26, %get3A_27] : memref<256x128xf32, #tpu.memory_space<vmem>>, vector<128x128xf32>
    %dot_general3A = arith.constant dense<0.000000e+00> : vector<10000x128xf32>
    %dot_general3A_29 = tpu.matmul %get3A_25, %get3A_28, %dot_general3A {dimension_numbers = #tpu.dot_dimension_numbers<[1], [0], [0], [1], [0, 0, 1, 1], [], []>, transpose_lhs_hint = false} : vector<10000x128xf32>, vector<128x128xf32>, vector<10000x128xf32> -> vector<10000x128xf32>
    %get3A_30 = arith.constant 128 : index
    %get3A_31 = arith.constant 0 : index
    %get3A_32 = vector.load %arg3[%get3A_30, %get3A_31] : memref<256x128xf32, #tpu.memory_space<vmem>>, vector<128x128xf32>
    %dot_general3A_33 = arith.constant dense<0.000000e+00> : vector<10000x128xf32>
    %dot_general3A_34 = tpu.matmul %div3A_22, %get3A_32, %dot_general3A_33 {dimension_numbers = #tpu.dot_dimension_numbers<[1], [0], [0], [1], [0, 0, 1, 1], [], []>, transpose_lhs_hint = false} : vector<10000x128xf32>, vector<128x128xf32>, vector<10000x128xf32> -> vector<10000x128xf32>
    %add3A_35 = arith.addf %dot_general3A_29, %dot_general3A_34 : vector<10000x128xf32>
    %get3A_36 = arith.constant 0 : index
    %get3A_37 = arith.constant 0 : index
    %get3A_38 = vector.load %arg4[%get3A_36, %get3A_37] : memref<1x128xf32, #tpu.memory_space<vmem>>, vector<1x128xf32>
    %add3A_39 = vector.broadcast %get3A_38 : vector<1x128xf32> to vector<10000x128xf32>
    %add3A_40 = arith.addf %add3A_35, %add3A_39 : vector<10000x128xf32>
    %max3A_41 = arith.constant 0.000000e+00 : f32
    %max3A_42 = vector.broadcast %max3A_41 : f32 to vector<10000x128xf32>
    %max3A_43 = arith.maximumf %add3A_40, %max3A_42 : vector<10000x128xf32>
    %mul3A = arith.mulf %max3A_43, %max3A_43 : vector<10000x128xf32>
    %reduce_sum3A = arith.constant dense<0.000000e+00> : vector<10000xf32>
    %reduce_sum3A_44 = vector.multi_reduction <add>, %mul3A, %reduce_sum3A [1] : vector<10000x128xf32> to vector<10000xf32>
    %broadcast_in_dim3A = vector.shape_cast %reduce_sum3A_44 : vector<10000xf32> to vector<10000x1xf32>
    %sqrt3A = math.sqrt %broadcast_in_dim3A : vector<10000x1xf32>
    %add3A_45 = arith.constant 9.99999996E-13 : f32
    %add3A_46 = vector.broadcast %add3A_45 : f32 to vector<10000x1xf32>
    %add3A_47 = arith.addf %sqrt3A, %add3A_46 : vector<10000x1xf32>
    %div3A_48 = vector.broadcast %add3A_47 : vector<10000x1xf32> to vector<10000x128xf32>
    %div3A_49 = arith.divf %max3A_43, %div3A_48 : vector<10000x128xf32>
    %swap3A = arith.constant 0 : index
    %swap3A_50 = arith.constant 0 : index
    %swap3A_51 = vector.load %arg7[%swap3A, %swap3A_50] : memref<10000x128xf32, #tpu.memory_space<vmem>>, vector<10000x128xf32>
    tpu.vector_store %arg7[%swap3A, %swap3A_50], %div3A_49 {strides = array<i32>} : memref<10000x128xf32, #tpu.memory_space<vmem>>, vector<10000x128xf32>,
    %get3A_52 = arith.constant 0 : index
    %get3A_53 = arith.constant 0 : index
    %get3A_54 = vector.load %arg5[%get3A_52, %get3A_53] : memref<128x128xf32, #tpu.memory_space<vmem>>, vector<128x128xf32>
    %dot_general3A_55 = arith.constant dense<0.000000e+00> : vector<10000x128xf32>
    %dot_general3A_56 = tpu.matmul %div3A_49, %get3A_54, %dot_general3A_55 {dimension_numbers = #tpu.dot_dimension_numbers<[1], [0], [0], [1], [0, 0, 1, 1], [], []>, transpose_lhs_hint = false} : vector<10000x128xf32>, vector<128x128xf32>, vector<10000x128xf32> -> vector<10000x128xf32>
    %get3A_57 = arith.constant 0 : index
    %get3A_58 = arith.constant 0 : index
    %get3A_59 = vector.load %arg6[%get3A_57, %get3A_58] : memref<1x128xf32, #tpu.memory_space<vmem>>, vector<1x128xf32>
    %add3A_60 = vector.broadcast %get3A_59 : vector<1x128xf32> to vector<10000x128xf32>
    %add3A_61 = arith.addf %dot_general3A_56, %add3A_60 : vector<10000x128xf32>
    %max3A_62 = arith.constant 0.000000e+00 : f32
    %max3A_63 = vector.broadcast %max3A_62 : f32 to vector<10000x128xf32>
    %max3A_64 = arith.maximumf %add3A_61, %max3A_63 : vector<10000x128xf32>
    %swap3A_65 = arith.constant 0 : index
    %swap3A_66 = arith.constant 0 : index
    %swap3A_67 = vector.load %arg8[%swap3A_65, %swap3A_66] : memref<10000x128xf32, #tpu.memory_space<vmem>>, vector<10000x128xf32>
    tpu.vector_store %arg8[%swap3A_65, %swap3A_66], %max3A_64 {strides = array<i32>} : memref<10000x128xf32, #tpu.memory_space<vmem>>, vector<10000x128xf32>,
    return
  }
}

module attributes {stable_mosaic.version = 14 : i64} {
  func.func @_final_body(%arg0: memref<10000x128xf32, #tpu.memory_space<vmem>>, %arg1: memref<2x10112x128xf32, #tpu.memory_space<vmem>>, %arg2: memref<2x10112x128xf32, #tpu.memory_space<vmem>>, %arg3: memref<256x128xf32, #tpu.memory_space<vmem>>, %arg4: memref<1x128xf32, #tpu.memory_space<vmem>>, %arg5: memref<128x128xf32, #tpu.memory_space<vmem>>, %arg6: memref<1x128xf32, #tpu.memory_space<vmem>>, %arg7: memref<1x1xf32, #tpu.memory_space<vmem>>, %arg8: memref<1x128xf32, #tpu.memory_space<vmem>>, %arg9: memref<1x128xf32, #tpu.memory_space<vmem>>, %arg10: memref<10000x128xf32, #tpu.memory_space<vmem>>) attributes {dimension_semantics = [], scalar_prefetch = 0 : i64, scratch_operands = 0 : i64, tpu.core_type = #tpu.core_type<tc>} {
    %get3A = arith.constant 0 : index
    %get3A_0 = arith.constant 0 : index
    %get3A_1 = arith.constant 0 : index
    %get3A_2 = vector.load %arg1[%get3A, %get3A_0, %get3A_1] : memref<2x10112x128xf32, #tpu.memory_space<vmem>>, vector<1x10000x128xf32>
    %get3A_3 = vector.shape_cast %get3A_2 : vector<1x10000x128xf32> to vector<10000x128xf32>
    %get3A_4 = arith.constant 1 : index
    %get3A_5 = arith.constant 0 : index
    %get3A_6 = arith.constant 0 : index
    %get3A_7 = vector.load %arg1[%get3A_4, %get3A_5, %get3A_6] : memref<2x10112x128xf32, #tpu.memory_space<vmem>>, vector<1x10000x128xf32>
    %get3A_8 = vector.shape_cast %get3A_7 : vector<1x10000x128xf32> to vector<10000x128xf32>
    %add3A = arith.addf %get3A_3, %get3A_8 : vector<10000x128xf32>
    %get3A_9 = arith.constant 0 : index
    %get3A_10 = arith.constant 0 : index
    %get3A_11 = arith.constant 0 : index
    %get3A_12 = vector.load %arg2[%get3A_9, %get3A_10, %get3A_11] : memref<2x10112x128xf32, #tpu.memory_space<vmem>>, vector<1x10000x1xf32>
    %get3A_13 = vector.shape_cast %get3A_12 : vector<1x10000x1xf32> to vector<10000x1xf32>
    %get3A_14 = arith.constant 1 : index
    %get3A_15 = arith.constant 0 : index
    %get3A_16 = arith.constant 0 : index
    %get3A_17 = vector.load %arg2[%get3A_14, %get3A_15, %get3A_16] : memref<2x10112x128xf32, #tpu.memory_space<vmem>>, vector<1x10000x1xf32>
    %get3A_18 = vector.shape_cast %get3A_17 : vector<1x10000x1xf32> to vector<10000x1xf32>
    %add3A_19 = arith.addf %get3A_13, %get3A_18 : vector<10000x1xf32>
    %max3A = arith.constant 1.000000e+00 : f32
    %max3A_20 = vector.broadcast %max3A : f32 to vector<10000x1xf32>
    %max3A_21 = arith.maximumf %add3A_19, %max3A_20 : vector<10000x1xf32>
    %div3A = vector.broadcast %max3A_21 : vector<10000x1xf32> to vector<10000x128xf32>
    %div3A_22 = arith.divf %add3A, %div3A : vector<10000x128xf32>
    %get3A_23 = arith.constant 0 : index
    %get3A_24 = arith.constant 0 : index
    %get3A_25 = vector.load %arg0[%get3A_23, %get3A_24] : memref<10000x128xf32, #tpu.memory_space<vmem>>, vector<10000x128xf32>
    %get3A_26 = arith.constant 0 : index
    %get3A_27 = arith.constant 0 : index
    %get3A_28 = vector.load %arg3[%get3A_26, %get3A_27] : memref<256x128xf32, #tpu.memory_space<vmem>>, vector<128x128xf32>
    %dot_general3A = arith.constant dense<0.000000e+00> : vector<10000x128xf32>
    %dot_general3A_29 = tpu.matmul %get3A_25, %get3A_28, %dot_general3A {dimension_numbers = #tpu.dot_dimension_numbers<[1], [0], [0], [1], [0, 0, 1, 1], [], []>, transpose_lhs_hint = false} : vector<10000x128xf32>, vector<128x128xf32>, vector<10000x128xf32> -> vector<10000x128xf32>
    %get3A_30 = arith.constant 128 : index
    %get3A_31 = arith.constant 0 : index
    %get3A_32 = vector.load %arg3[%get3A_30, %get3A_31] : memref<256x128xf32, #tpu.memory_space<vmem>>, vector<128x128xf32>
    %dot_general3A_33 = arith.constant dense<0.000000e+00> : vector<10000x128xf32>
    %dot_general3A_34 = tpu.matmul %div3A_22, %get3A_32, %dot_general3A_33 {dimension_numbers = #tpu.dot_dimension_numbers<[1], [0], [0], [1], [0, 0, 1, 1], [], []>, transpose_lhs_hint = false} : vector<10000x128xf32>, vector<128x128xf32>, vector<10000x128xf32> -> vector<10000x128xf32>
    %add3A_35 = arith.addf %dot_general3A_29, %dot_general3A_34 : vector<10000x128xf32>
    %get3A_36 = arith.constant 0 : index
    %get3A_37 = arith.constant 0 : index
    %get3A_38 = vector.load %arg4[%get3A_36, %get3A_37] : memref<1x128xf32, #tpu.memory_space<vmem>>, vector<1x128xf32>
    %add3A_39 = vector.broadcast %get3A_38 : vector<1x128xf32> to vector<10000x128xf32>
    %add3A_40 = arith.addf %add3A_35, %add3A_39 : vector<10000x128xf32>
    %max3A_41 = arith.constant 0.000000e+00 : f32
    %max3A_42 = vector.broadcast %max3A_41 : f32 to vector<10000x128xf32>
    %max3A_43 = arith.maximumf %add3A_40, %max3A_42 : vector<10000x128xf32>
    %mul3A = arith.mulf %max3A_43, %max3A_43 : vector<10000x128xf32>
    %reduce_sum3A = arith.constant dense<0.000000e+00> : vector<10000xf32>
    %reduce_sum3A_44 = vector.multi_reduction <add>, %mul3A, %reduce_sum3A [1] : vector<10000x128xf32> to vector<10000xf32>
    %broadcast_in_dim3A = vector.shape_cast %reduce_sum3A_44 : vector<10000xf32> to vector<10000x1xf32>
    %sqrt3A = math.sqrt %broadcast_in_dim3A : vector<10000x1xf32>
    %add3A_45 = arith.constant 9.99999996E-13 : f32
    %add3A_46 = vector.broadcast %add3A_45 : f32 to vector<10000x1xf32>
    %add3A_47 = arith.addf %sqrt3A, %add3A_46 : vector<10000x1xf32>
    %div3A_48 = vector.broadcast %add3A_47 : vector<10000x1xf32> to vector<10000x128xf32>
    %div3A_49 = arith.divf %max3A_43, %div3A_48 : vector<10000x128xf32>
    %get3A_50 = arith.constant 0 : index
    %get3A_51 = arith.constant 0 : index
    %get3A_52 = vector.load %arg7[%get3A_50, %get3A_51] : memref<1x1xf32, #tpu.memory_space<vmem>>, vector<1x1xf32>
    %get3A_53 = vector.extract %get3A_52[0, 0] : f32 from vector<1x1xf32>
    %get3A_54 = arith.constant 0 : index
    %get3A_55 = arith.constant 0 : index
    %get3A_56 = vector.load %arg5[%get3A_54, %get3A_55] : memref<128x128xf32, #tpu.memory_space<vmem>>, vector<128x128xf32>
    %dot_general3A_57 = arith.constant dense<0.000000e+00> : vector<10000x128xf32>
    %dot_general3A_58 = tpu.matmul %div3A_49, %get3A_56, %dot_general3A_57 {dimension_numbers = #tpu.dot_dimension_numbers<[1], [0], [0], [1], [0, 0, 1, 1], [], []>, transpose_lhs_hint = false} : vector<10000x128xf32>, vector<128x128xf32>, vector<10000x128xf32> -> vector<10000x128xf32>
    %get3A_59 = arith.constant 0 : index
    %get3A_60 = arith.constant 0 : index
    %get3A_61 = vector.load %arg6[%get3A_59, %get3A_60] : memref<1x128xf32, #tpu.memory_space<vmem>>, vector<1x128xf32>
    %add3A_62 = vector.broadcast %get3A_61 : vector<1x128xf32> to vector<10000x128xf32>
    %add3A_63 = arith.addf %dot_general3A_58, %add3A_62 : vector<10000x128xf32>
    %max3A_64 = arith.constant 0.000000e+00 : f32
    %max3A_65 = vector.broadcast %max3A_64 : f32 to vector<10000x128xf32>
    %max3A_66 = arith.maximumf %add3A_63, %max3A_65 : vector<10000x128xf32>
    %mul3A_67 = vector.broadcast %get3A_53 : f32 to vector<10000x128xf32>
    %mul3A_68 = arith.mulf %mul3A_67, %max3A_66 : vector<10000x128xf32>
    %reduce_sum3A_69 = arith.constant dense<0.000000e+00> : vector<128xf32>
    %reduce_sum3A_70 = vector.multi_reduction <add>, %mul3A_68, %reduce_sum3A_69 [0] : vector<10000x128xf32> to vector<128xf32>
    %broadcast_in_dim3A_71 = vector.shape_cast %reduce_sum3A_70 : vector<128xf32> to vector<1x128xf32>
    %div3A_72 = arith.constant 1.000000e+04 : f32
    %div3A_73 = vector.broadcast %div3A_72 : f32 to vector<1x128xf32>
    %div3A_74 = arith.divf %broadcast_in_dim3A_71, %div3A_73 : vector<1x128xf32>
    %sub3A = vector.broadcast %div3A_74 : vector<1x128xf32> to vector<10000x128xf32>
    %sub3A_75 = arith.subf %mul3A_68, %sub3A : vector<10000x128xf32>
    %mul3A_76 = arith.mulf %sub3A_75, %sub3A_75 : vector<10000x128xf32>
    %reduce_sum3A_77 = arith.constant dense<0.000000e+00> : vector<128xf32>
    %reduce_sum3A_78 = vector.multi_reduction <add>, %mul3A_76, %reduce_sum3A_77 [0] : vector<10000x128xf32> to vector<128xf32>
    %broadcast_in_dim3A_79 = vector.shape_cast %reduce_sum3A_78 : vector<128xf32> to vector<1x128xf32>
    %div3A_80 = arith.constant 1.000000e+04 : f32
    %div3A_81 = vector.broadcast %div3A_80 : f32 to vector<1x128xf32>
    %div3A_82 = arith.divf %broadcast_in_dim3A_79, %div3A_81 : vector<1x128xf32>
    %get3A_83 = arith.constant 0 : index
    %get3A_84 = arith.constant 0 : index
    %get3A_85 = vector.load %arg8[%get3A_83, %get3A_84] : memref<1x128xf32, #tpu.memory_space<vmem>>, vector<1x128xf32>
    %mul3A_86 = vector.broadcast %get3A_85 : vector<1x128xf32> to vector<10000x128xf32>
    %mul3A_87 = arith.mulf %mul3A_86, %sub3A_75 : vector<10000x128xf32>
    %add3A_88 = arith.constant 9.99999974E-6 : f32
    %add3A_89 = vector.broadcast %add3A_88 : f32 to vector<1x128xf32>
    %add3A_90 = arith.addf %div3A_82, %add3A_89 : vector<1x128xf32>
    %rsqrt3A = math.rsqrt %add3A_90 : vector<1x128xf32>
    %mul3A_91 = vector.broadcast %rsqrt3A : vector<1x128xf32> to vector<10000x128xf32>
    %mul3A_92 = arith.mulf %mul3A_87, %mul3A_91 : vector<10000x128xf32>
    %get3A_93 = arith.constant 0 : index
    %get3A_94 = arith.constant 0 : index
    %get3A_95 = vector.load %arg9[%get3A_93, %get3A_94] : memref<1x128xf32, #tpu.memory_space<vmem>>, vector<1x128xf32>
    %add3A_96 = vector.broadcast %get3A_95 : vector<1x128xf32> to vector<10000x128xf32>
    %add3A_97 = arith.addf %mul3A_92, %add3A_96 : vector<10000x128xf32>
    %swap3A = arith.constant 0 : index
    %swap3A_98 = arith.constant 0 : index
    %swap3A_99 = vector.load %arg10[%swap3A, %swap3A_98] : memref<10000x128xf32, #tpu.memory_space<vmem>>, vector<10000x128xf32>
    tpu.vector_store %arg10[%swap3A, %swap3A_98], %add3A_97 {strides = array<i32>} : memref<10000x128xf32, #tpu.memory_space<vmem>>, vector<10000x128xf32>,
    return
  }
}

</mosaic_0001>

<sc_bundles>
// kernel: kernel.11.cloned.1.call-start
scs
__scs_entry_jumppad:
0x0: {  	(pc) =	sbr.rel $0x88, $3  }
0x1: {  	(tag) =	ssettag $0x0;
	lr =	simm.s32 $0x1  }
0x2: {  	[smem:$0x3F90] =	sst lr;
	_ =	strace $0xD0000000  }
0x3: {  	_ = 	snop  }
0x4: {  	_ = 	snop  }
0x5: {  	_ = 	snop  }
0x6: {  	_ = 	snop  }
0x7: {  	_ = 	snop  }
__scs_overlays_trampoline_lowered:
0x8: {  	[smem:$0x3F9F] =	sst s0  }
0x9: {  	[smem:$0x3FA0] =	sst s1  }
0xa: {  	[smem:$0x3FA1] =	sst s2  }
0xb: {  	[smem:$0x3FA2] =	sst s3  }
0xc: {  	[smem:$0x3FA3] =	sst s4  }
0xd: {  	[smem:$0x3FA4] =	sst s5  }
0xe: {  	[smem:$0x3FA5] =	sst s6  }
0xf: {  	[smem:$0x3FA6] =	sst s7  }
0x10: {  	[smem:$0x3FA7] =	sst s8  }
0x11: {  	[smem:$0x3FA8] =	sst s9;
	s0 =	simm.s32 @!p0 $0x0  }
0x12: {  	s1 =	sld [smem:$0x3F8E];
	s0 =	simm.s32 @p0 $0x1  }
0x13: {  	[smem:$0x3FA9] =	sst s0;
	s0 =	simm.s32 @!p1 $0x0  }
0x14: {  	s2 =	sld [smem:$0x3F8D];
	s0 =	simm.s32 @p1 $0x1  }
0x15: {  	[smem:$0x3FAA] =	sst s0;
	s0 =	simm.s32 @!p2 $0x0  }
0x16: {  	s3 =	sld [smem:$0x3FDB];
	s0 =	simm.s32 @p2 $0x1  }
0x17: {  	s4 =	simm.s32 $0x1BF5;
	[smem:$0x3FAC] =	sst s0  }
0x18: {  	s0 =	sld [smem:$0x3F8F];
	_ =	swait.ge [sflag:s4], $0x0  }
0x19: {  	s7 =	sld [smem:$0x3F90]  }
0x1a: {  	s8 =	sadd.s32 $0xFFFFE003, lr  }
0x1b: {  	s9 =	sadd.s32 $0xFFFFFEF7, lr;
	s5 =	simm.s32 $0xFFFFFFFF;
	p2 =	slt.u32 s8, $0xFFFFF086  }
0x1c: {  	p1 =	slt.u32 s9, $0xF7A;
	s5 =	simm.s32 @!p2 $0x0  }
0x1d: {  	s5 =	simm.s32 @p1 $0x1;
	p0 =	seq.s32 s7, s2  }
0x1e: {  	s7 =	smul.u32 @!p0 $0xF7A, s2;
	p2 =	seq.s32 @!p0 s5, $0x0  }
0x1f: {  	s9 =	smul.u32 $0xF7A, s1;
	s8 =	simm.s32 @!p0 $0x1BF5;
	p2 =	por !p2, p0  }
0x20: {  	[sflag:s8] =	ssyncset.s32 @!p0 $0xFFFFF086;
	s6 =	sadd.s32 @!p0 s3, s7;
	s7 =	simm.s32 @!p0 $0x108  }
0x21: {  	s3 =	sadd.s32 s3, s9;
	s6 =	sadd.s32 @!p0 $0x88, s6;
	s7 =	simm.s32 @p2 $0x1082  }
0x22: {  	[simem:s7], [sflag:s8] =	dma.local @!p0 [hbm:s6], $0xF7A  }
0x23: {  	s9 =	sor.u32 $0xD0000000, s2;
	s6 =	simm.s32 $0x108;
	_ =	swait.ge @!p0 [sflag:s8], $0x0  }
0x24: {  	s3 =	sadd.s32 $0x88, s3;
	s6 =	simm.s32 @!p1 $0x1082;
	[sflag:s4] =	ssyncset.s32 $0xFFFFF086  }
0x25: {  	[simem:s6], [sflag:s4] =	dma.local [hbm:s3], $0xF7A  }
0x26: {  	[smem:$0x3F90] =	sst s1;
	(tag) =	ssettag s2;
	_ =	strace s9  }
0x27: {  	s1 =	sld [smem:$0x3FA0]  }
0x28: {  	s2 =	sld [smem:$0x3FA1]  }
0x29: {  	s4 =	sld [smem:$0x3FA3]  }
0x2a: {  	p0 =	seq.s32 s5, $0x0;
	s5 =	sld [smem:$0x3FA4]  }
0x2b: {  	s6 =	sld [smem:$0x3FA5]  }
0x2c: {  	s7 =	sld [smem:$0x3FA6]  }
0x2d: {  	s3 =	simm.s32 $0x108;
	s8 =	sld [smem:$0x3FA7]  }
0x2e: {  	s3 =	simm.s32 @!p0 $0x1082;
	s9 =	sld [smem:$0x3FA8]  }
0x2f: {  	lr =	sadd.s32 s0, s3;
	s0 =	sld [smem:$0x3F9F]  }
0x30: {  	s3 =	sld [smem:$0x3FA2]  }
0x31: {  	[smem:$0x3FAB] =	sst s10  }
0x32: {  	s10 =	sld [smem:$0x3FA9];
	_ =	sdelay $0x3  }
0x33: {  	p0 =	seq.s32 s10, $0x1;
	s10 =	sld [smem:$0x3FAB];
	_ =	sdelay $0x3  }
0x34: {  	[smem:$0x3FAB] =	sst s10  }
0x35: {  	s10 =	sld [smem:$0x3FAA];
	_ =	sdelay $0x3  }
0x36: {  	p1 =	seq.s32 s10, $0x1;
	s10 =	sld [smem:$0x3FAB];
	_ =	sdelay $0x3  }
0x37: {  	[smem:$0x3FAB] =	sst s10  }
0x38: {  	s10 =	sld [smem:$0x3FAC]  }
0x39: {  	_ = 	snop;
	(pc) =	sbr.ind lr, $3  }
0x3a: {  	_ = 	snop  }
0x3b: {  	_ = 	snop  }
0x3c: {  	p2 =	seq.s32 s10, $0x1;
	s10 =	sld [smem:$0x3FAB]  }
0x3d: {  	_ =	shalt  }
0x3e: {  	_ =	shalt  }
0x3f: {  	_ =	shalt  }
0x40: {  	_ =	shalt  }
0x41: {  	_ =	shalt  }
0x42: {  	_ =	shalt  }
0x43: {  	_ =	shalt  }
0x44: {  	_ =	shalt  }
0x45: {  	_ =	shalt  }
0x46: {  	_ =	shalt  }
0x47: {  	_ =	shalt  }
0x48: {  	_ =	shalt  }
0x49: {  	_ =	shalt  }
0x4a: {  	_ =	shalt  }
0x4b: {  	_ =	shalt  }
0x4c: {  	_ =	shalt  }
0x4d: {  	_ =	shalt  }
0x4e: {  	_ =	shalt  }
0x4f: {  	_ =	shalt  }
0x50: {  	_ =	shalt  }
0x51: {  	_ =	shalt  }
0x52: {  	_ =	shalt  }
0x53: {  	_ =	shalt  }
0x54: {  	_ =	shalt  }
0x55: {  	_ =	shalt  }
0x56: {  	_ =	shalt  }
0x57: {  	_ =	shalt  }
0x58: {  	_ =	shalt  }
0x59: {  	_ =	shalt  }
0x5a: {  	_ =	shalt  }
0x5b: {  	_ =	shalt  }
0x5c: {  	_ =	shalt  }
0x5d: {  	_ =	shalt  }
0x5e: {  	_ =	shalt  }
0x5f: {  	_ =	shalt  }
0x60: {  	_ =	shalt  }
0x61: {  	_ =	shalt  }
0x62: {  	_ =	shalt  }
0x63: {  	_ =	shalt  }
0x64: {  	_ =	shalt  }
0x65: {  	_ =	shalt  }
0x66: {  	_ =	shalt  }
0x67: {  	_ =	shalt  }
0x68: {  	_ =	shalt  }
0x69: {  	_ =	shalt  }
0x6a: {  	_ =	shalt  }
0x6b: {  	_ =	shalt  }
0x6c: {  	_ =	shalt  }
0x6d: {  	_ =	shalt  }
0x6e: {  	_ =	shalt  }
0x6f: {  	_ =	shalt  }
0x70: {  	_ =	shalt  }
0x71: {  	_ =	shalt  }
0x72: {  	_ =	shalt  }
0x73: {  	_ =	shalt  }
0x74: {  	_ =	shalt  }
0x75: {  	_ =	shalt  }
0x76: {  	_ =	shalt  }
0x77: {  	_ =	shalt  }
0x78: {  	_ =	shalt  }
0x79: {  	_ =	shalt  }
0x7a: {  	_ =	shalt  }
0x7b: {  	_ =	shalt  }
0x7c: {  	_ =	shalt  }
0x7d: {  	_ =	shalt  }
0x7e: {  	_ =	shalt  }
0x7f: {  	_ =	shalt  }
0x80: {  	_ =	shalt  }
0x81: {  	_ =	shalt  }
0x82: {  	_ =	shalt  }
0x83: {  	_ =	shalt  }
0x84: {  	_ =	shalt  }
0x85: {  	_ =	shalt  }
0x86: {  	_ =	shalt  }
0x87: {  	_ =	shalt  }
.Lfunc_end0:
.L_simem_size_0:
called_computation.1_lowered:
.L_overlay_start_0:
0x88: {  	s2 =	sld [smem:$0x3FD9]  }
0x89: {  	s3 =	sld [smem:$0x3FFE];
	_ =	sdelay $0x1  }
0x8a: {  	s1 =	srdreg.scid  }
0x8b: {  	s0 =	sand.u32 $0x1, s1  }
0x8c: {  	s17 =	sshll.u32 s0, $0xA;
	s2 =	sadd.s32 s3, s2  }
0x8d: {  	s2 =	sadd.s32 s2, s17  }
0x8e: {  	[smem:$0x3FB7] =	sst s2  }
0x8f: {  	_ = 	snop  }
0x90: {  	s2 =	sld [smem:$0x3FD0];
	(tm) =	ssettm $0x1  }
0x91: {  	s18 =	sld [smem:$0x3FFB];
	_ =	sdelay $0x3  }
0x92: {  	_ =	strace s18  }
0x93: {  	s3 =	sld [smem:$0x3FFC];
	_ =	sdelay $0x3  }
0x94: {  	_ =	strace s3  }
0x95: {  	s3 =	sld [smem:$0x3FFD];
	_ =	sdelay $0x3  }
0x96: {  	_ =	strace s3  }
0x97: {  	_ =	strace $0x8FFFFFFF  }
0x98: {  	s19 =	sld [smem:$0x3FDB];
	_ =	sdelay $0x1  }
0x99: {  	s4 =	simm.s32 $_scs_section_size  }
0x9a: {  	s5 =	simm.s32 $_size__tile_overlayer_lowered;
	s6 =	simm.s32 $_tile_overlayer_lowered  }
0x9b: {  	s22 =	simm.s32 $0x1BFF;
	s21 =	sshll.u32 s6, $0x1;
	s3 =	sadd.s32 s4, s19  }
0x9c: {  	s7 =	simm.s32 $0x0;
	s20 =	sshll.u32 s5, $0x1;
	s5 =	sadd.s32 s21, s3  }
0x9d: {  	[timem:s7], [sflag:s22] =	dma.local [hbm:s5], s20  }
0x9e: {  	_ =	swait.ge [sflag:s22], s20  }
0x9f: {  	s4 =	ssub.s32 $0x0, s20;
	[sflag:s22] =	ssyncset.done $0x0  }
0xa0: {  	[sflag:s22] =	ssyncadd.s32 s4;
	_ =	sdelay $0x1  }
0xa1: {  	s23 =	simm.s32 $0x1B8B  }
0xa2: {  	_ =	swait.ge [sflag:s23], $0x1  }
0xa3: {  	[sflag:s23] =	ssyncset.done $0x0  }
0xa4: {  	s25 =	simm.s32 $0x1B8E;
	s24 =	sld [smem:$0x3FFE];
	[sflag:s23] =	ssyncadd.s32 $0xFFFFFFFF  }
0xa5: {  	s26 =	simm.s32 $execute0_lowered;
	[smem:$0x3FD2] =	sst s25  }
0xa6: {  	s5 =	sshll.u32 s26, $0x1;
	_ =	strace $0x80000046;
	[dreg:$0x1] =	wrdreg $0xFFFFFFFF  }
0xa7: {  	s28 =	simm.s32 $_size_execute0_lowered;
	s3 =	sadd.s32 s3, s5;
	[dreg:$0x0] =	wrdreg $0x0  }
0xa8: {  	s5 =	sshll.u32 s28, $0x1;
	[dreg:$0x2] =	wrdreg s3  }
0xa9: {  	[dreg:$0x3] =	wrdreg s5  }
0xaa: {  	[dreg:$0x4] =	wrdreg $0xC0  }
0xab: {  	_ =	task [dreg:s7], $0x5FFFF  }
0xac: {  	[dreg:$0x1] =	wrdreg $0xFFFFFFFF  }
0xad: {  	[dreg:$0x0] =	wrdreg $0x60  }
0xae: {  	[dreg:$0x2] =	wrdreg s2  }
0xaf: {  	[dreg:$0x3] =	wrdreg s24  }
0xb0: {  	[dreg:$0x4] =	wrdreg $0x45000  }
0xb1: {  	[dreg:$0x5] =	wrdreg $0xA  }
0xb2: {  	_ =	task.clear_ibuf [dreg:s7], $0x6FFFF;
	_ =	strace $0x90000046  }
0xb3: {  	s29 =	simm.s32 $0xA;
	_ =	strace $0x80000048  }
0xb4: {  	_ =	swait.ge [sflag:s29], $0x1  }
0xb5: {  	[sflag:s29] =	ssyncadd.s32 $0xFFFFFFFF  }
0xb6: {  	_ =	strace $0x90000048  }
0xb7: {  	_ =	sfence  }
0xb8: {  	s30 =	sld [smem:$0x0];
	_ =	sdelay $0x2  }
0xb9: {  	s31 =	sshll.u32 s1, $0xD;
	s1 =	sshrl.u32 s1, $0x2  }
0xba: {  	s3 =	sand.u32 $0x4000, s31;
	s1 =	sadd.s32 s1, s30  }
0xbb: {  	s0 =	sor.u32 s3, s0;
	s1 =	sshll.u32 s1, $0x11  }
0xbc: {  	s0 =	sor.u32 s1, s0  }
0xbd: {  	s0 =	sadd.s32 $0x8F2B, s0  }
0xbe: {  	[sflag:s0] =	ssyncadd.remote.s32 $0x1  }
0xbf: {  	_ =	sfence.sel $0xFFFF  }
0xc0: {  	[dreg:$0x0] =	wrdreg $0xFFFFFFFF;
	(pc) =	sbr.abs _section_cstart, $3  }
0xc1: {  	[dreg:$0x1] =	wrdreg $0xFFFFFFFF  }
0xc2: {  	_ =	task.clear_ibuf [dreg:s7], $0x2FFFF;
	_ =	strace $0x9FFFFFFF  }
0xc3: {  	(tm) =	ssettm $0x7FFFFFFF  }
tec
execute0_lowered:
.L_overlay_start_1:
0x0: {  	(tag) =	ssettag $0x1  }
0x1: {  	s2 =	rddreg [dreg:$0x0]  }
0x2: {  	s5 =	rddreg [dreg:$0x1]  }
0x3: {  	s3 =	rddreg [dreg:$0x2]  }
0x4: {  	s0 =	rddreg [dreg:$0x3]  }
0x5: {  	s1 =	stileid.u32;
	s6 =	srdreg.scid;
	s4 =	simm.s32 $0x0  }
0x6: {  	s13 =	simm.s32 $0x100;
	s14 =	simm.s32 $0x1;
	s7 =	smul.u32 $0x9E0, s1  }
0x7: {  	s17 =	simm.s32 $0x0;
	s6 =	sand.u32 $0x1, s6;
	s9 =	smul.u32 $0x2780, s1  }
0x8: {  	[smem:$0x7FF] =	sst s4;
	s11 =	smul.u32 $0x4F000, s1;
	s15 =	sshll.u32 s1, $0x6  }
0x9: {  	s8 =	smul.u32 $0x27800, s6;
	_ =	strace $0x80000047;
	s10 =	ssub.s32 $0x2, s6  }
0xa: {  	s12 =	smul.u32 $0x4F0, s6;
	s15 =	sor.u32 $0x1C02, s15;
	s7 =	sadd.s32 s7, s5  }
0xb: {  	s26 =	sshrl.u32 s10, $0x1;
	s30 =	sshrl.u32 s11, $0x2;
	s11 =	simm.s32 $0x2  }
0xc: {  	s8 =	sadd.s32 s9, s8;
	s29 =	ssub.s32 s10, s26;
	s31 =	sadd.s32 s12, s7  }
0xd: {  	s10 =	simm.s32 $0x4100;
	s12 =	simm.s32 $0x80;
	s28 =	sadd.s32 s8, s5  }
0xe: {  	s5 =	sadd.s32 s30, s3;
	s7 =	smax.u32 s29, $0x1;
	s8 =	sadd.s32 $0x2C00, s31  }
0xf: {  	v0 =	vimm.f32 $0.0e+00;
	s9 =	sadd.s32 $0xCA00, s31;
	s6 =	sadd.s32 $0x16800, s28;
	s16 =	sshrl.u32 s5, $0x3  }
.LBB2_1:
0x10: {  	[tilespmem:$0x4100] =	vst v0  }
0x11: {  	[tilespmem:$0x4110] =	vst v0  }
0x12: {  	[tilespmem:$0x4120] =	vst v0  }
0x13: {  	[tilespmem:$0x4130] =	vst v0  }
0x14: {  	[tilespmem:$0x4140] =	vst v0  }
0x15: {  	[tilespmem:$0x4150] =	vst v0  }
0x16: {  	[tilespmem:$0x4160] =	vst v0  }
0x17: {  	[tilespmem:$0x4170] =	vst v0  }
0x18: {  	[tilespmem:$0x4180] =	vst v0  }
0x19: {  	[tilespmem:$0x4190] =	vst v0  }
0x1a: {  	[tilespmem:$0x41A0] =	vst v0  }
0x1b: {  	[tilespmem:$0x41B0] =	vst v0  }
0x1c: {  	[tilespmem:$0x41C0] =	vst v0  }
0x1d: {  	[tilespmem:$0x41D0] =	vst v0  }
0x1e: {  	[tilespmem:$0x41E0] =	vst v0  }
0x1f: {  	[tilespmem:$0x41F0] =	vst v0  }
0x20: {  	[tilespmem:$0x4200] =	vst v0  }
0x21: {  	[tilespmem:$0x4210] =	vst v0  }
0x22: {  	[tilespmem:$0x4220] =	vst v0  }
0x23: {  	[tilespmem:$0x4230] =	vst v0  }
0x24: {  	[tilespmem:$0x4240] =	vst v0  }
0x25: {  	[tilespmem:$0x4250] =	vst v0  }
0x26: {  	[tilespmem:$0x4260] =	vst v0  }
0x27: {  	[tilespmem:$0x4270] =	vst v0  }
0x28: {  	[tilespmem:$0x4280] =	vst v0  }
0x29: {  	[tilespmem:$0x4290] =	vst v0  }
0x2a: {  	[tilespmem:$0x42A0] =	vst v0  }
0x2b: {  	[tilespmem:$0x42B0] =	vst v0  }
0x2c: {  	[tilespmem:$0x42C0] =	vst v0  }
0x2d: {  	[tilespmem:$0x42D0] =	vst v0  }
0x2e: {  	[tilespmem:$0x42E0] =	vst v0  }
0x2f: {  	[tilespmem:$0x42F0] =	vst v0  }
0x30: {  	[tilespmem:$0x4300] =	vst v0  }
0x31: {  	[tilespmem:$0x4310] =	vst v0  }
0x32: {  	[tilespmem:$0x4320] =	vst v0  }
0x33: {  	[tilespmem:$0x4330] =	vst v0  }
0x34: {  	[tilespmem:$0x4340] =	vst v0  }
0x35: {  	[tilespmem:$0x4350] =	vst v0  }
0x36: {  	[tilespmem:$0x4360] =	vst v0  }
0x37: {  	[tilespmem:$0x4370] =	vst v0  }
0x38: {  	[tilespmem:$0x4380] =	vst v0  }
0x39: {  	[tilespmem:$0x4390] =	vst v0  }
0x3a: {  	[tilespmem:$0x43A0] =	vst v0  }
0x3b: {  	[tilespmem:$0x43B0] =	vst v0  }
0x3c: {  	[tilespmem:$0x43C0] =	vst v0  }
0x3d: {  	[tilespmem:$0x43D0] =	vst v0  }
0x3e: {  	[tilespmem:$0x43E0] =	vst v0  }
0x3f: {  	[tilespmem:$0x43F0] =	vst v0  }
0x40: {  	[tilespmem:$0x4400] =	vst v0  }
0x41: {  	[tilespmem:$0x4410] =	vst v0  }
0x42: {  	[tilespmem:$0x4420] =	vst v0  }
0x43: {  	[tilespmem:$0x4430] =	vst v0  }
0x44: {  	[tilespmem:$0x4440] =	vst v0  }
0x45: {  	[tilespmem:$0x4450] =	vst v0  }
0x46: {  	[tilespmem:$0x4460] =	vst v0  }
0x47: {  	[tilespmem:$0x4470] =	vst v0  }
0x48: {  	[tilespmem:$0x4480] =	vst v0  }
0x49: {  	[tilespmem:$0x4490] =	vst v0  }
0x4a: {  	[tilespmem:$0x44A0] =	vst v0  }
0x4b: {  	[tilespmem:$0x44B0] =	vst v0  }
0x4c: {  	[tilespmem:$0x44C0] =	vst v0  }
0x4d: {  	[tilespmem:$0x44D0] =	vst v0  }
0x4e: {  	[tilespmem:$0x44E0] =	vst v0  }
0x4f: {  	[tilespmem:$0x44F0] =	vst v0;
	s18 =	sadd.s32 $0x0, s5  }
0x50: {  	[spmem:s18] =	stream.linear.scatter [tilespmem:s10], [sflag:$0x2], $0x400, $0x38;
	[tilespmem:$0x18100] =	vst v63  }
0x51: {  	s18 =	simm.s32 $0x1000;
	_ =	swait.ge [sflag:s11], $0x400  }
.LBB2_2:
0x52: {  	s19 =	sshra.s32 s18, $0x2;
	[sflag:s11] =	ssyncset.done $0x0;
	p0 =	sne.s32 s18, $0x4E000  }
.Ltmp0:
0x53: {  	s19 =	sadd.s32 s19, s5;
	[sflag:s11] =	ssyncadd.s32 $0xFFFFFC00;
	(pc) =	sbr.rel @p0 .LBB2_2-.Ltmp0, $3  }
0x54: {  	[spmem:s19] =	stream.linear.scatter [tilespmem:s10], [sflag:$0x2], $0x400, $0x38;
	[tilespmem:$0x18100] =	vst v63  }
0x55: {  	s18 =	sadd.s32 $0x1000, s18;
	_ =	sdelay $0x1  }
0x56: {  	_ =	swait.ge [sflag:s11], $0x400  }
0x57: {  	[sflag:s11] =	ssyncset.done $0x0  }
0x58: {  	[sflag:s11] =	ssyncadd.s32 $0xFFFFFC00  }
0x59: {  	s18 =	sadd.s32 $0x0, s9;
	[bflag:$0x0] =	sbarrier.arrive $0xFFFF  }
0x5a: {  	[tilespmem:s4], [sflag:$0x2] =	stream.linear.gather [hbm4b:s18+s4], $0x80, $0x38;
	[tilespmem:$0x18100] =	vst v63  }
0x5b: {  	_ =	swait.ge [sflag:s11], $0x80  }
0x5c: {  	[sflag:s11] =	ssyncset.done $0x0  }
0x5d: {  	s31 =	sadd.s32 $0x0, s8;
	[sflag:s11] =	ssyncadd.s32 $0xFFFFFF80  }
0x5e: {  	[tilespmem:s12], [sflag:$0x2] =	stream.linear.gather [hbm4b:s31+s4], $0x80, $0x38;
	[tilespmem:$0x18100] =	vst v63  }
0x5f: {  	_ =	swait.ge [sflag:s11], $0x80  }
0x60: {  	[sflag:s11] =	ssyncset.done $0x0  }
0x61: {  	[sflag:s11] =	ssyncadd.s32 $0xFFFFFF80  }
0x62: {  	[tilespmem:s13], [sflag:$0x1] =	stream.indirect.gather [hbm4b:s2+s12], $0x80, s4, s12, $0xb8;
	[tilespmem:$0x18100] =	vst v63  }
0x63: {  	_ =	swait.ge [sflag:s14], $0x4000  }
0x64: {  	[sflag:s14] =	ssyncset.done $0x0  }
0x65: {  	[sflag:s14] =	ssyncadd.s32 $0xFFFFC000  }
0x66: {  	[spmem:s3] =	stream.indirect.scatter.add.f32 [tilespmem:s13], [sflag:$0x2], $0x80, s12, s12, $0xb8;
	[tilespmem:$0x18100] =	vst v63  }
0x67: {  	_ =	swait.ge [sflag:s11], $0x4000  }
0x68: {  	s19 =	simm.s32 $0x20;
	s18 =	simm.s32 $0x10;
	[sflag:s11] =	ssyncset.done $0x0  }
.LBB2_4:
0x69: {  	s20 =	sadd.s32 s18, s9  }
0x6a: {  	[sflag:s11] =	ssyncadd.s32 $0xFFFFC000;
	s21 =	smov.u32 s19;
	s22 =	sadd.s32 $0x10, s19  }
0x6b: {  	[tilespmem:s4], [sflag:$0x2] =	stream.linear.gather [hbm4b:s20+s4], $0x80, $0x38;
	[tilespmem:$0x18100] =	vst v63  }
0x6c: {  	p0 =	sne.s32 s19, $0x4E0;
	_ =	swait.ge [sflag:s11], $0x80  }
0x6d: {  	[sflag:s11] =	ssyncset.done $0x0  }
0x6e: {  	s19 =	sadd.s32 s18, s8;
	s18 =	smov.u32 s21;
	[sflag:s11] =	ssyncadd.s32 $0xFFFFFF80  }
0x6f: {  	[tilespmem:s12], [sflag:$0x2] =	stream.linear.gather [hbm4b:s19+s4], $0x80, $0x38;
	[tilespmem:$0x18100] =	vst v63  }
0x70: {  	_ =	swait.ge [sflag:s11], $0x80  }
0x71: {  	[sflag:s11] =	ssyncset.done $0x0  }
0x72: {  	[sflag:s11] =	ssyncadd.s32 $0xFFFFFF80  }
0x73: {  	[tilespmem:s13], [sflag:$0x1] =	stream.indirect.gather [hbm4b:s2+s12], $0x80, s4, s12, $0xb8;
	[tilespmem:$0x18100] =	vst v63  }
0x74: {  	_ =	swait.ge [sflag:s14], $0x4000  }
.Ltmp1:
0x75: {  	[sflag:s14] =	ssyncset.done $0x0;
	(pc) =	sbr.rel @p0 .LBB2_4-.Ltmp1, $4  }
0x76: {  	[sflag:s14] =	ssyncadd.s32 $0xFFFFC000  }
0x77: {  	[spmem:s3] =	stream.indirect.scatter.add.f32 [tilespmem:s13], [sflag:$0x2], $0x80, s12, s12, $0xb8;
	[tilespmem:$0x18100] =	vst v63  }
0x78: {  	_ =	swait.ge [sflag:s11], $0x4000  }
0x79: {  	s19 =	smov.u32 s22;
	[sflag:s11] =	ssyncset.done $0x0  }
0x7a: {  	s19 =	sadd.s32 s18, s9;
	[sflag:s11] =	ssyncadd.s32 $0xFFFFC000  }
0x7b: {  	[tilespmem:s4], [sflag:$0x2] =	stream.linear.gather [hbm4b:s19+s4], $0x80, $0x38;
	[tilespmem:$0x18100] =	vst v63  }
0x7c: {  	_ =	swait.ge [sflag:s11], $0x80  }
0x7d: {  	[sflag:s11] =	ssyncset.done $0x0  }
0x7e: {  	s31 =	sadd.s32 s18, s8;
	[sflag:s11] =	ssyncadd.s32 $0xFFFFFF80  }
0x7f: {  	[tilespmem:s12], [sflag:$0x2] =	stream.linear.gather [hbm4b:s31+s4], $0x80, $0x38;
	[tilespmem:$0x18100] =	vst v63  }
0x80: {  	_ =	swait.ge [sflag:s11], $0x80  }
0x81: {  	[sflag:s11] =	ssyncset.done $0x0  }
0x82: {  	[sflag:s11] =	ssyncadd.s32 $0xFFFFFF80  }
0x83: {  	[tilespmem:s13], [sflag:$0x1] =	stream.indirect.gather [hbm4b:s2+s12], $0x80, s4, s12, $0xb8;
	[tilespmem:$0x18100] =	vst v63  }
0x84: {  	_ =	swait.ge [sflag:s14], $0x4000  }
0x85: {  	[sflag:s14] =	ssyncset.done $0x0  }
0x86: {  	[sflag:s14] =	ssyncadd.s32 $0xFFFFC000  }
0x87: {  	[spmem:s3] =	stream.indirect.scatter.add.f32 [tilespmem:s13], [sflag:$0x2], $0x80, s12, s12, $0xb8;
	[tilespmem:$0x18100] =	vst v63  }
0x88: {  	_ =	swait.ge [sflag:s11], $0x4000  }
0x89: {  	s17 =	sadd.s32 $0x1, s17;
	[sflag:s11] =	ssyncset.done $0x0  }
0x8a: {  	p0 =	sne.s32 s17, s7;
	[sflag:s11] =	ssyncadd.s32 $0xFFFFC000  }
.Ltmp2:
0x8b: {  	[bflag:$0x0] =	sbarrier.arrive $0xFFFF;
	(pc) =	sbr.rel @p0 .LBB2_1-.Ltmp2, $4  }
0x8c: {  	[hbm:s6], [sflag:s15] =	dma.local [spmem:s16], $0x2780  }
0x8d: {  	_ =	swait.ge [sflag:s11], $0x2780  }
0x8e: {  	[sflag:s11] =	ssyncset.done $0x0  }
0x8f: {  	[sflag:s11] =	ssyncadd.s32 $0xFFFFD880  }
0x90: {  	_ =	sfence.sel $0x180000  }
0x91: {  	[bflag:$0x0] =	sbarrier.arrive $0xFFFF  }
0x92: {  	p0 =	sne.s32 s1, $0x0;
	_ =	strace $0x90000047  }
0x93: {  	s0 =	sadd.s32 @!p0 $0x100000, s0;
	[bflag:$0x2] =	sbarrier.arrive $0xFFFF  }
0x94: {  	[sflag:s0] =	ssyncadd.tile.s32 @!p0 $0x1;
	_ =	shalt  }
.Lfunc_end2:
_tile_overlayer_lowered:
.L_overlay_start_2:
0x95: {  	(tag) =	ssettag $0x2  }
0x96: {  	s0 =	rddreg [dreg:$0x0];
	s2 =	stileid.u32  }
0x97: {  	s1 =	rddreg [dreg:$0x1];
	p0 =	sne.s32 s2, $0x0  }
0x98: {  	s3 =	rddreg [dreg:$0x2];
	[bflag:$0x3] =	sbarrier.arrive $0xFFFF;
	s2 =	simm.s32 @!p0 $0x1C02  }
0x99: {  	[timem:s3], [sflag:s2] =	dma.local @!p0 [hbm:s0], s1  }
0x9a: {  	s0 =	simm.s32 @!p0 $0x2  }
0x9b: {  	_ =	swait.ge @!p0 [sflag:s0], s1  }
0x9c: {  	s1 =	ssub.s32 @!p0 $0x0, s1;
	[sflag:s0] =	ssyncset.done @!p0 $0x0  }
0x9d: {  	[sflag:s0] =	ssyncadd.s32 @!p0 s1  }
0x9e: {  	[bflag:$0x3] =	sbarrier.arrive $0xFFFF  }
0x9f: {  	_ =	shalt  }

// kernel: kernel.14.cloned.1.call-start
scs
__scs_entry_jumppad:
0x0: {  	(pc) =	sbr.rel $0x88, $3  }
0x1: {  	(tag) =	ssettag $0x0;
	lr =	simm.s32 $0x1  }
0x2: {  	[smem:$0x3F90] =	sst lr;
	_ =	strace $0xD0000000  }
0x3: {  	_ = 	snop  }
0x4: {  	_ = 	snop  }
0x5: {  	_ = 	snop  }
0x6: {  	_ = 	snop  }
0x7: {  	_ = 	snop  }
__scs_overlays_trampoline_lowered:
0x8: {  	[smem:$0x3F9F] =	sst s0  }
0x9: {  	[smem:$0x3FA0] =	sst s1  }
0xa: {  	[smem:$0x3FA1] =	sst s2  }
0xb: {  	[smem:$0x3FA2] =	sst s3  }
0xc: {  	[smem:$0x3FA3] =	sst s4  }
0xd: {  	[smem:$0x3FA4] =	sst s5  }
0xe: {  	[smem:$0x3FA5] =	sst s6  }
0xf: {  	[smem:$0x3FA6] =	sst s7  }
0x10: {  	[smem:$0x3FA7] =	sst s8  }
0x11: {  	[smem:$0x3FA8] =	sst s9;
	s0 =	simm.s32 @!p0 $0x0  }
0x12: {  	s1 =	sld [smem:$0x3F8E];
	s0 =	simm.s32 @p0 $0x1  }
0x13: {  	[smem:$0x3FA9] =	sst s0;
	s0 =	simm.s32 @!p1 $0x0  }
0x14: {  	s2 =	sld [smem:$0x3F8D];
	s0 =	simm.s32 @p1 $0x1  }
0x15: {  	[smem:$0x3FAA] =	sst s0;
	s0 =	simm.s32 @!p2 $0x0  }
0x16: {  	s3 =	sld [smem:$0x3FDB];
	s0 =	simm.s32 @p2 $0x1  }
0x17: {  	s4 =	simm.s32 $0x1BF5;
	[smem:$0x3FAC] =	sst s0  }
0x18: {  	s0 =	sld [smem:$0x3F8F];
	_ =	swait.ge [sflag:s4], $0x0  }
0x19: {  	s7 =	sld [smem:$0x3F90]  }
0x1a: {  	s8 =	sadd.s32 $0xFFFFE003, lr  }
0x1b: {  	s9 =	sadd.s32 $0xFFFFFEF7, lr;
	s5 =	simm.s32 $0xFFFFFFFF;
	p2 =	slt.u32 s8, $0xFFFFF086  }
0x1c: {  	p1 =	slt.u32 s9, $0xF7A;
	s5 =	simm.s32 @!p2 $0x0  }
0x1d: {  	s5 =	simm.s32 @p1 $0x1;
	p0 =	seq.s32 s7, s2  }
0x1e: {  	s7 =	smul.u32 @!p0 $0xF7A, s2;
	p2 =	seq.s32 @!p0 s5, $0x0  }
0x1f: {  	s9 =	smul.u32 $0xF7A, s1;
	s8 =	simm.s32 @!p0 $0x1BF5;
	p2 =	por !p2, p0  }
0x20: {  	[sflag:s8] =	ssyncset.s32 @!p0 $0xFFFFF086;
	s6 =	sadd.s32 @!p0 s3, s7;
	s7 =	simm.s32 @!p0 $0x108  }
0x21: {  	s3 =	sadd.s32 s3, s9;
	s6 =	sadd.s32 @!p0 $0x88, s6;
	s7 =	simm.s32 @p2 $0x1082  }
0x22: {  	[simem:s7], [sflag:s8] =	dma.local @!p0 [hbm:s6], $0xF7A  }
0x23: {  	s9 =	sor.u32 $0xD0000000, s2;
	s6 =	simm.s32 $0x108;
	_ =	swait.ge @!p0 [sflag:s8], $0x0  }
0x24: {  	s3 =	sadd.s32 $0x88, s3;
	s6 =	simm.s32 @!p1 $0x1082;
	[sflag:s4] =	ssyncset.s32 $0xFFFFF086  }
0x25: {  	[simem:s6], [sflag:s4] =	dma.local [hbm:s3], $0xF7A  }
0x26: {  	[smem:$0x3F90] =	sst s1;
	(tag) =	ssettag s2;
	_ =	strace s9  }
0x27: {  	s1 =	sld [smem:$0x3FA0]  }
0x28: {  	s2 =	sld [smem:$0x3FA1]  }
0x29: {  	s4 =	sld [smem:$0x3FA3]  }
0x2a: {  	p0 =	seq.s32 s5, $0x0;
	s5 =	sld [smem:$0x3FA4]  }
0x2b: {  	s6 =	sld [smem:$0x3FA5]  }
0x2c: {  	s7 =	sld [smem:$0x3FA6]  }
0x2d: {  	s3 =	simm.s32 $0x108;
	s8 =	sld [smem:$0x3FA7]  }
0x2e: {  	s3 =	simm.s32 @!p0 $0x1082;
	s9 =	sld [smem:$0x3FA8]  }
0x2f: {  	lr =	sadd.s32 s0, s3;
	s0 =	sld [smem:$0x3F9F]  }
0x30: {  	s3 =	sld [smem:$0x3FA2]  }
0x31: {  	[smem:$0x3FAB] =	sst s10  }
0x32: {  	s10 =	sld [smem:$0x3FA9];
	_ =	sdelay $0x3  }
0x33: {  	p0 =	seq.s32 s10, $0x1;
	s10 =	sld [smem:$0x3FAB];
	_ =	sdelay $0x3  }
0x34: {  	[smem:$0x3FAB] =	sst s10  }
0x35: {  	s10 =	sld [smem:$0x3FAA];
	_ =	sdelay $0x3  }
0x36: {  	p1 =	seq.s32 s10, $0x1;
	s10 =	sld [smem:$0x3FAB];
	_ =	sdelay $0x3  }
0x37: {  	[smem:$0x3FAB] =	sst s10  }
0x38: {  	s10 =	sld [smem:$0x3FAC]  }
0x39: {  	_ = 	snop;
	(pc) =	sbr.ind lr, $3  }
0x3a: {  	_ = 	snop  }
0x3b: {  	_ = 	snop  }
0x3c: {  	p2 =	seq.s32 s10, $0x1;
	s10 =	sld [smem:$0x3FAB]  }
0x3d: {  	_ =	shalt  }
0x3e: {  	_ =	shalt  }
0x3f: {  	_ =	shalt  }
0x40: {  	_ =	shalt  }
0x41: {  	_ =	shalt  }
0x42: {  	_ =	shalt  }
0x43: {  	_ =	shalt  }
0x44: {  	_ =	shalt  }
0x45: {  	_ =	shalt  }
0x46: {  	_ =	shalt  }
0x47: {  	_ =	shalt  }
0x48: {  	_ =	shalt  }
0x49: {  	_ =	shalt  }
0x4a: {  	_ =	shalt  }
0x4b: {  	_ =	shalt  }
0x4c: {  	_ =	shalt  }
0x4d: {  	_ =	shalt  }
0x4e: {  	_ =	shalt  }
0x4f: {  	_ =	shalt  }
0x50: {  	_ =	shalt  }
0x51: {  	_ =	shalt  }
0x52: {  	_ =	shalt  }
0x53: {  	_ =	shalt  }
0x54: {  	_ =	shalt  }
0x55: {  	_ =	shalt  }
0x56: {  	_ =	shalt  }
0x57: {  	_ =	shalt  }
0x58: {  	_ =	shalt  }
0x59: {  	_ =	shalt  }
0x5a: {  	_ =	shalt  }
0x5b: {  	_ =	shalt  }
0x5c: {  	_ =	shalt  }
0x5d: {  	_ =	shalt  }
0x5e: {  	_ =	shalt  }
0x5f: {  	_ =	shalt  }
0x60: {  	_ =	shalt  }
0x61: {  	_ =	shalt  }
0x62: {  	_ =	shalt  }
0x63: {  	_ =	shalt  }
0x64: {  	_ =	shalt  }
0x65: {  	_ =	shalt  }
0x66: {  	_ =	shalt  }
0x67: {  	_ =	shalt  }
0x68: {  	_ =	shalt  }
0x69: {  	_ =	shalt  }
0x6a: {  	_ =	shalt  }
0x6b: {  	_ =	shalt  }
0x6c: {  	_ =	shalt  }
0x6d: {  	_ =	shalt  }
0x6e: {  	_ =	shalt  }
0x6f: {  	_ =	shalt  }
0x70: {  	_ =	shalt  }
0x71: {  	_ =	shalt  }
0x72: {  	_ =	shalt  }
0x73: {  	_ =	shalt  }
0x74: {  	_ =	shalt  }
0x75: {  	_ =	shalt  }
0x76: {  	_ =	shalt  }
0x77: {  	_ =	shalt  }
0x78: {  	_ =	shalt  }
0x79: {  	_ =	shalt  }
0x7a: {  	_ =	shalt  }
0x7b: {  	_ =	shalt  }
0x7c: {  	_ =	shalt  }
0x7d: {  	_ =	shalt  }
0x7e: {  	_ =	shalt  }
0x7f: {  	_ =	shalt  }
0x80: {  	_ =	shalt  }
0x81: {  	_ =	shalt  }
0x82: {  	_ =	shalt  }
0x83: {  	_ =	shalt  }
0x84: {  	_ =	shalt  }
0x85: {  	_ =	shalt  }
0x86: {  	_ =	shalt  }
0x87: {  	_ =	shalt  }
.Lfunc_end0:
.L_simem_size_0:
called_computation.2_lowered:
.L_overlay_start_0:
0x88: {  	s2 =	sld [smem:$0x3FD9]  }
0x89: {  	s3 =	sld [smem:$0x3FFE];
	_ =	sdelay $0x1  }
0x8a: {  	s1 =	srdreg.scid  }
0x8b: {  	s0 =	sand.u32 $0x1, s1  }
0x8c: {  	s17 =	sshll.u32 s0, $0xA;
	s2 =	sadd.s32 s3, s2  }
0x8d: {  	s2 =	sadd.s32 s2, s17  }
0x8e: {  	[smem:$0x3FB7] =	sst s2  }
0x8f: {  	_ = 	snop  }
0x90: {  	s2 =	sld [smem:$0x3FD0];
	(tm) =	ssettm $0x1  }
0x91: {  	s18 =	sld [smem:$0x3FFB];
	_ =	sdelay $0x3  }
0x92: {  	_ =	strace s18  }
0x93: {  	s3 =	sld [smem:$0x3FFC];
	_ =	sdelay $0x3  }
0x94: {  	_ =	strace s3  }
0x95: {  	s3 =	sld [smem:$0x3FFD];
	_ =	sdelay $0x3  }
0x96: {  	_ =	strace s3  }
0x97: {  	_ =	strace $0x8FFFFFFF  }
0x98: {  	s19 =	sld [smem:$0x3FDB];
	_ =	sdelay $0x1  }
0x99: {  	s4 =	simm.s32 $_scs_section_size  }
0x9a: {  	s5 =	simm.s32 $_size__tile_overlayer_lowered;
	s6 =	simm.s32 $_tile_overlayer_lowered  }
0x9b: {  	s22 =	simm.s32 $0x1BFF;
	s21 =	sshll.u32 s6, $0x1;
	s3 =	sadd.s32 s4, s19  }
0x9c: {  	s7 =	simm.s32 $0x0;
	s20 =	sshll.u32 s5, $0x1;
	s5 =	sadd.s32 s21, s3  }
0x9d: {  	[timem:s7], [sflag:s22] =	dma.local [hbm:s5], s20  }
0x9e: {  	_ =	swait.ge [sflag:s22], s20  }
0x9f: {  	s4 =	ssub.s32 $0x0, s20;
	[sflag:s22] =	ssyncset.done $0x0  }
0xa0: {  	[sflag:s22] =	ssyncadd.s32 s4;
	_ =	sdelay $0x1  }
0xa1: {  	s23 =	simm.s32 $0x1B8B  }
0xa2: {  	_ =	swait.ge [sflag:s23], $0x1  }
0xa3: {  	[sflag:s23] =	ssyncset.done $0x0  }
0xa4: {  	s25 =	simm.s32 $0x1B8E;
	s24 =	sld [smem:$0x3FFE];
	[sflag:s23] =	ssyncadd.s32 $0xFFFFFFFF  }
0xa5: {  	s26 =	simm.s32 $execute0_lowered;
	[smem:$0x3FD2] =	sst s25  }
0xa6: {  	s5 =	sshll.u32 s26, $0x1;
	_ =	strace $0x8000004C;
	[dreg:$0x1] =	wrdreg $0xFFFFFFFF  }
0xa7: {  	s28 =	simm.s32 $_size_execute0_lowered;
	s3 =	sadd.s32 s3, s5;
	[dreg:$0x0] =	wrdreg $0x0  }
0xa8: {  	s5 =	sshll.u32 s28, $0x1;
	[dreg:$0x2] =	wrdreg s3  }
0xa9: {  	[dreg:$0x3] =	wrdreg s5  }
0xaa: {  	[dreg:$0x4] =	wrdreg $0xC0  }
0xab: {  	_ =	task [dreg:s7], $0x5FFFF  }
0xac: {  	[dreg:$0x1] =	wrdreg $0xFFFFFFFF  }
0xad: {  	[dreg:$0x0] =	wrdreg $0x60  }
0xae: {  	[dreg:$0x2] =	wrdreg s2  }
0xaf: {  	[dreg:$0x3] =	wrdreg s24  }
0xb0: {  	[dreg:$0x4] =	wrdreg $0x45000  }
0xb1: {  	[dreg:$0x5] =	wrdreg $0x9  }
0xb2: {  	_ =	task.clear_ibuf [dreg:s7], $0x6FFFF;
	_ =	strace $0x9000004C  }
0xb3: {  	s29 =	simm.s32 $0x9;
	_ =	strace $0x8000004E  }
0xb4: {  	_ =	swait.ge [sflag:s29], $0x1  }
0xb5: {  	[sflag:s29] =	ssyncadd.s32 $0xFFFFFFFF  }
0xb6: {  	_ =	strace $0x9000004E  }
0xb7: {  	_ =	sfence  }
0xb8: {  	s30 =	sld [smem:$0x0];
	_ =	sdelay $0x2  }
0xb9: {  	s31 =	sshll.u32 s1, $0xD;
	s1 =	sshrl.u32 s1, $0x2  }
0xba: {  	s3 =	sand.u32 $0x4000, s31;
	s1 =	sadd.s32 s1, s30  }
0xbb: {  	s0 =	sor.u32 s3, s0;
	s1 =	sshll.u32 s1, $0x11  }
0xbc: {  	s0 =	sor.u32 s1, s0  }
0xbd: {  	s0 =	sadd.s32 $0x8F2B, s0  }
0xbe: {  	[sflag:s0] =	ssyncadd.remote.s32 $0x1  }
0xbf: {  	_ =	sfence.sel $0xFFFF  }
0xc0: {  	[dreg:$0x0] =	wrdreg $0xFFFFFFFF;
	(pc) =	sbr.abs _section_cstart, $3  }
0xc1: {  	[dreg:$0x1] =	wrdreg $0xFFFFFFFF  }
0xc2: {  	_ =	task.clear_ibuf [dreg:s7], $0x2FFFF;
	_ =	strace $0x9FFFFFFF  }
0xc3: {  	(tm) =	ssettm $0x7FFFFFFF  }
tec
execute0_lowered:
.L_overlay_start_1:
0x0: {  	(tag) =	ssettag $0x1  }
0x1: {  	s2 =	rddreg [dreg:$0x0]  }
0x2: {  	s5 =	rddreg [dreg:$0x1]  }
0x3: {  	s3 =	rddreg [dreg:$0x2]  }
0x4: {  	s0 =	rddreg [dreg:$0x3]  }
0x5: {  	s1 =	stileid.u32;
	s6 =	srdreg.scid;
	s4 =	simm.s32 $0x0  }
0x6: {  	s13 =	simm.s32 $0x100;
	s14 =	simm.s32 $0x1;
	s7 =	smul.u32 $0x9E0, s1  }
0x7: {  	s17 =	simm.s32 $0x0;
	s6 =	sand.u32 $0x1, s6;
	s9 =	smul.u32 $0x2780, s1  }
0x8: {  	[smem:$0x7FF] =	sst s4;
	s11 =	smul.u32 $0x4F000, s1;
	s15 =	sshll.u32 s1, $0x6  }
0x9: {  	s8 =	smul.u32 $0x27800, s6;
	_ =	strace $0x8000004D;
	s10 =	ssub.s32 $0x2, s6  }
0xa: {  	s12 =	smul.u32 $0x4F0, s6;
	s15 =	sor.u32 $0x1C02, s15;
	s7 =	sadd.s32 s7, s5  }
0xb: {  	s26 =	sshrl.u32 s10, $0x1;
	s30 =	sshrl.u32 s11, $0x2;
	s11 =	simm.s32 $0x2  }
0xc: {  	s8 =	sadd.s32 s9, s8;
	s29 =	ssub.s32 s10, s26;
	s31 =	sadd.s32 s12, s7  }
0xd: {  	s10 =	simm.s32 $0x4100;
	s12 =	simm.s32 $0x80;
	s28 =	sadd.s32 s8, s5  }
0xe: {  	s5 =	sadd.s32 s30, s3;
	s7 =	smax.u32 s29, $0x1;
	s8 =	sadd.s32 $0x2C00, s31  }
0xf: {  	v0 =	vimm.f32 $0.0e+00;
	s9 =	sadd.s32 $0xCA00, s31;
	s6 =	sadd.s32 $0x16800, s28;
	s16 =	sshrl.u32 s5, $0x3  }
.LBB2_1:
0x10: {  	[tilespmem:$0x4100] =	vst v0  }
0x11: {  	[tilespmem:$0x4110] =	vst v0  }
0x12: {  	[tilespmem:$0x4120] =	vst v0  }
0x13: {  	[tilespmem:$0x4130] =	vst v0  }
0x14: {  	[tilespmem:$0x4140] =	vst v0  }
0x15: {  	[tilespmem:$0x4150] =	vst v0  }
0x16: {  	[tilespmem:$0x4160] =	vst v0  }
0x17: {  	[tilespmem:$0x4170] =	vst v0  }
0x18: {  	[tilespmem:$0x4180] =	vst v0  }
0x19: {  	[tilespmem:$0x4190] =	vst v0  }
0x1a: {  	[tilespmem:$0x41A0] =	vst v0  }
0x1b: {  	[tilespmem:$0x41B0] =	vst v0  }
0x1c: {  	[tilespmem:$0x41C0] =	vst v0  }
0x1d: {  	[tilespmem:$0x41D0] =	vst v0  }
0x1e: {  	[tilespmem:$0x41E0] =	vst v0  }
0x1f: {  	[tilespmem:$0x41F0] =	vst v0  }
0x20: {  	[tilespmem:$0x4200] =	vst v0  }
0x21: {  	[tilespmem:$0x4210] =	vst v0  }
0x22: {  	[tilespmem:$0x4220] =	vst v0  }
0x23: {  	[tilespmem:$0x4230] =	vst v0  }
0x24: {  	[tilespmem:$0x4240] =	vst v0  }
0x25: {  	[tilespmem:$0x4250] =	vst v0  }
0x26: {  	[tilespmem:$0x4260] =	vst v0  }
0x27: {  	[tilespmem:$0x4270] =	vst v0  }
0x28: {  	[tilespmem:$0x4280] =	vst v0  }
0x29: {  	[tilespmem:$0x4290] =	vst v0  }
0x2a: {  	[tilespmem:$0x42A0] =	vst v0  }
0x2b: {  	[tilespmem:$0x42B0] =	vst v0  }
0x2c: {  	[tilespmem:$0x42C0] =	vst v0  }
0x2d: {  	[tilespmem:$0x42D0] =	vst v0  }
0x2e: {  	[tilespmem:$0x42E0] =	vst v0  }
0x2f: {  	[tilespmem:$0x42F0] =	vst v0  }
0x30: {  	[tilespmem:$0x4300] =	vst v0  }
0x31: {  	[tilespmem:$0x4310] =	vst v0  }
0x32: {  	[tilespmem:$0x4320] =	vst v0  }
0x33: {  	[tilespmem:$0x4330] =	vst v0  }
0x34: {  	[tilespmem:$0x4340] =	vst v0  }
0x35: {  	[tilespmem:$0x4350] =	vst v0  }
0x36: {  	[tilespmem:$0x4360] =	vst v0  }
0x37: {  	[tilespmem:$0x4370] =	vst v0  }
0x38: {  	[tilespmem:$0x4380] =	vst v0  }
0x39: {  	[tilespmem:$0x4390] =	vst v0  }
0x3a: {  	[tilespmem:$0x43A0] =	vst v0  }
0x3b: {  	[tilespmem:$0x43B0] =	vst v0  }
0x3c: {  	[tilespmem:$0x43C0] =	vst v0  }
0x3d: {  	[tilespmem:$0x43D0] =	vst v0  }
0x3e: {  	[tilespmem:$0x43E0] =	vst v0  }
0x3f: {  	[tilespmem:$0x43F0] =	vst v0  }
0x40: {  	[tilespmem:$0x4400] =	vst v0  }
0x41: {  	[tilespmem:$0x4410] =	vst v0  }
0x42: {  	[tilespmem:$0x4420] =	vst v0  }
0x43: {  	[tilespmem:$0x4430] =	vst v0  }
0x44: {  	[tilespmem:$0x4440] =	vst v0  }
0x45: {  	[tilespmem:$0x4450] =	vst v0  }
0x46: {  	[tilespmem:$0x4460] =	vst v0  }
0x47: {  	[tilespmem:$0x4470] =	vst v0  }
0x48: {  	[tilespmem:$0x4480] =	vst v0  }
0x49: {  	[tilespmem:$0x4490] =	vst v0  }
0x4a: {  	[tilespmem:$0x44A0] =	vst v0  }
0x4b: {  	[tilespmem:$0x44B0] =	vst v0  }
0x4c: {  	[tilespmem:$0x44C0] =	vst v0  }
0x4d: {  	[tilespmem:$0x44D0] =	vst v0  }
0x4e: {  	[tilespmem:$0x44E0] =	vst v0  }
0x4f: {  	[tilespmem:$0x44F0] =	vst v0;
	s18 =	sadd.s32 $0x0, s5  }
0x50: {  	[spmem:s18] =	stream.linear.scatter [tilespmem:s10], [sflag:$0x2], $0x400, $0x38;
	[tilespmem:$0x18100] =	vst v63  }
0x51: {  	s18 =	simm.s32 $0x1000;
	_ =	swait.ge [sflag:s11], $0x400  }
.LBB2_2:
0x52: {  	s19 =	sshra.s32 s18, $0x2;
	[sflag:s11] =	ssyncset.done $0x0;
	p0 =	sne.s32 s18, $0x4E000  }
.Ltmp0:
0x53: {  	s19 =	sadd.s32 s19, s5;
	[sflag:s11] =	ssyncadd.s32 $0xFFFFFC00;
	(pc) =	sbr.rel @p0 .LBB2_2-.Ltmp0, $3  }
0x54: {  	[spmem:s19] =	stream.linear.scatter [tilespmem:s10], [sflag:$0x2], $0x400, $0x38;
	[tilespmem:$0x18100] =	vst v63  }
0x55: {  	s18 =	sadd.s32 $0x1000, s18;
	_ =	sdelay $0x1  }
0x56: {  	_ =	swait.ge [sflag:s11], $0x400  }
0x57: {  	[sflag:s11] =	ssyncset.done $0x0  }
0x58: {  	[sflag:s11] =	ssyncadd.s32 $0xFFFFFC00  }
0x59: {  	s18 =	sadd.s32 $0x0, s9;
	[bflag:$0x0] =	sbarrier.arrive $0xFFFF  }
0x5a: {  	[tilespmem:s4], [sflag:$0x2] =	stream.linear.gather [hbm4b:s18+s4], $0x80, $0x38;
	[tilespmem:$0x18100] =	vst v63  }
0x5b: {  	_ =	swait.ge [sflag:s11], $0x80  }
0x5c: {  	[sflag:s11] =	ssyncset.done $0x0  }
0x5d: {  	s31 =	sadd.s32 $0x0, s8;
	[sflag:s11] =	ssyncadd.s32 $0xFFFFFF80  }
0x5e: {  	[tilespmem:s12], [sflag:$0x2] =	stream.linear.gather [hbm4b:s31+s4], $0x80, $0x38;
	[tilespmem:$0x18100] =	vst v63  }
0x5f: {  	_ =	swait.ge [sflag:s11], $0x80  }
0x60: {  	[sflag:s11] =	ssyncset.done $0x0  }
0x61: {  	[sflag:s11] =	ssyncadd.s32 $0xFFFFFF80  }
0x62: {  	[tilespmem:s13], [sflag:$0x1] =	stream.indirect.gather [hbm4b:s2+s12], $0x80, s4, s12, $0xb8;
	[tilespmem:$0x18100] =	vst v63  }
0x63: {  	_ =	swait.ge [sflag:s14], $0x4000  }
0x64: {  	[sflag:s14] =	ssyncset.done $0x0  }
0x65: {  	[sflag:s14] =	ssyncadd.s32 $0xFFFFC000  }
0x66: {  	[spmem:s3] =	stream.indirect.scatter.add.f32 [tilespmem:s13], [sflag:$0x2], $0x80, s12, s12, $0xb8;
	[tilespmem:$0x18100] =	vst v63  }
0x67: {  	_ =	swait.ge [sflag:s11], $0x4000  }
0x68: {  	s19 =	simm.s32 $0x20;
	s18 =	simm.s32 $0x10;
	[sflag:s11] =	ssyncset.done $0x0  }
.LBB2_4:
0x69: {  	s20 =	sadd.s32 s18, s9  }
0x6a: {  	[sflag:s11] =	ssyncadd.s32 $0xFFFFC000;
	s21 =	smov.u32 s19;
	s22 =	sadd.s32 $0x10, s19  }
0x6b: {  	[tilespmem:s4], [sflag:$0x2] =	stream.linear.gather [hbm4b:s20+s4], $0x80, $0x38;
	[tilespmem:$0x18100] =	vst v63  }
0x6c: {  	p0 =	sne.s32 s19, $0x4E0;
	_ =	swait.ge [sflag:s11], $0x80  }
0x6d: {  	[sflag:s11] =	ssyncset.done $0x0  }
0x6e: {  	s19 =	sadd.s32 s18, s8;
	s18 =	smov.u32 s21;
	[sflag:s11] =	ssyncadd.s32 $0xFFFFFF80  }
0x6f: {  	[tilespmem:s12], [sflag:$0x2] =	stream.linear.gather [hbm4b:s19+s4], $0x80, $0x38;
	[tilespmem:$0x18100] =	vst v63  }
0x70: {  	_ =	swait.ge [sflag:s11], $0x80  }
0x71: {  	[sflag:s11] =	ssyncset.done $0x0  }
0x72: {  	[sflag:s11] =	ssyncadd.s32 $0xFFFFFF80  }
0x73: {  	[tilespmem:s13], [sflag:$0x1] =	stream.indirect.gather [hbm4b:s2+s12], $0x80, s4, s12, $0xb8;
	[tilespmem:$0x18100] =	vst v63  }
0x74: {  	_ =	swait.ge [sflag:s14], $0x4000  }
.Ltmp1:
0x75: {  	[sflag:s14] =	ssyncset.done $0x0;
	(pc) =	sbr.rel @p0 .LBB2_4-.Ltmp1, $4  }
0x76: {  	[sflag:s14] =	ssyncadd.s32 $0xFFFFC000  }
0x77: {  	[spmem:s3] =	stream.indirect.scatter.add.f32 [tilespmem:s13], [sflag:$0x2], $0x80, s12, s12, $0xb8;
	[tilespmem:$0x18100] =	vst v63  }
0x78: {  	_ =	swait.ge [sflag:s11], $0x4000  }
0x79: {  	s19 =	smov.u32 s22;
	[sflag:s11] =	ssyncset.done $0x0  }
0x7a: {  	s19 =	sadd.s32 s18, s9;
	[sflag:s11] =	ssyncadd.s32 $0xFFFFC000  }
0x7b: {  	[tilespmem:s4], [sflag:$0x2] =	stream.linear.gather [hbm4b:s19+s4], $0x80, $0x38;
	[tilespmem:$0x18100] =	vst v63  }
0x7c: {  	_ =	swait.ge [sflag:s11], $0x80  }
0x7d: {  	[sflag:s11] =	ssyncset.done $0x0  }
0x7e: {  	s31 =	sadd.s32 s18, s8;
	[sflag:s11] =	ssyncadd.s32 $0xFFFFFF80  }
0x7f: {  	[tilespmem:s12], [sflag:$0x2] =	stream.linear.gather [hbm4b:s31+s4], $0x80, $0x38;
	[tilespmem:$0x18100] =	vst v63  }
0x80: {  	_ =	swait.ge [sflag:s11], $0x80  }
0x81: {  	[sflag:s11] =	ssyncset.done $0x0  }
0x82: {  	[sflag:s11] =	ssyncadd.s32 $0xFFFFFF80  }
0x83: {  	[tilespmem:s13], [sflag:$0x1] =	stream.indirect.gather [hbm4b:s2+s12], $0x80, s4, s12, $0xb8;
	[tilespmem:$0x18100] =	vst v63  }
0x84: {  	_ =	swait.ge [sflag:s14], $0x4000  }
0x85: {  	[sflag:s14] =	ssyncset.done $0x0  }
0x86: {  	[sflag:s14] =	ssyncadd.s32 $0xFFFFC000  }
0x87: {  	[spmem:s3] =	stream.indirect.scatter.add.f32 [tilespmem:s13], [sflag:$0x2], $0x80, s12, s12, $0xb8;
	[tilespmem:$0x18100] =	vst v63  }
0x88: {  	_ =	swait.ge [sflag:s11], $0x4000  }
0x89: {  	s17 =	sadd.s32 $0x1, s17;
	[sflag:s11] =	ssyncset.done $0x0  }
0x8a: {  	p0 =	sne.s32 s17, s7;
	[sflag:s11] =	ssyncadd.s32 $0xFFFFC000  }
.Ltmp2:
0x8b: {  	[bflag:$0x0] =	sbarrier.arrive $0xFFFF;
	(pc) =	sbr.rel @p0 .LBB2_1-.Ltmp2, $4  }
0x8c: {  	[hbm:s6], [sflag:s15] =	dma.local [spmem:s16], $0x2780  }
0x8d: {  	_ =	swait.ge [sflag:s11], $0x2780  }
0x8e: {  	[sflag:s11] =	ssyncset.done $0x0  }
0x8f: {  	[sflag:s11] =	ssyncadd.s32 $0xFFFFD880  }
0x90: {  	_ =	sfence.sel $0x180000  }
0x91: {  	[bflag:$0x0] =	sbarrier.arrive $0xFFFF  }
0x92: {  	p0 =	sne.s32 s1, $0x0;
	_ =	strace $0x9000004D  }
0x93: {  	s0 =	sadd.s32 @!p0 $0x100000, s0;
	[bflag:$0x2] =	sbarrier.arrive $0xFFFF  }
0x94: {  	[sflag:s0] =	ssyncadd.tile.s32 @!p0 $0x1;
	_ =	shalt  }
.Lfunc_end2:
_tile_overlayer_lowered:
.L_overlay_start_2:
0x95: {  	(tag) =	ssettag $0x2  }
0x96: {  	s0 =	rddreg [dreg:$0x0];
	s2 =	stileid.u32  }
0x97: {  	s1 =	rddreg [dreg:$0x1];
	p0 =	sne.s32 s2, $0x0  }
0x98: {  	s3 =	rddreg [dreg:$0x2];
	[bflag:$0x3] =	sbarrier.arrive $0xFFFF;
	s2 =	simm.s32 @!p0 $0x1C02  }
0x99: {  	[timem:s3], [sflag:s2] =	dma.local @!p0 [hbm:s0], s1  }
0x9a: {  	s0 =	simm.s32 @!p0 $0x2  }
0x9b: {  	_ =	swait.ge @!p0 [sflag:s0], s1  }
0x9c: {  	s1 =	ssub.s32 @!p0 $0x0, s1;
	[sflag:s0] =	ssyncset.done @!p0 $0x0  }
0x9d: {  	[sflag:s0] =	ssyncadd.s32 @!p0 s1  }
0x9e: {  	[bflag:$0x3] =	sbarrier.arrive $0xFFFF  }
0x9f: {  	_ =	shalt  }

// kernel: kernel.8.cloned.1.call-start
scs
__scs_entry_jumppad:
0x0: {  	(pc) =	sbr.rel $0x88, $3  }
0x1: {  	(tag) =	ssettag $0x0;
	lr =	simm.s32 $0x1  }
0x2: {  	[smem:$0x3F90] =	sst lr;
	_ =	strace $0xD0000000  }
0x3: {  	_ = 	snop  }
0x4: {  	_ = 	snop  }
0x5: {  	_ = 	snop  }
0x6: {  	_ = 	snop  }
0x7: {  	_ = 	snop  }
__scs_overlays_trampoline_lowered:
0x8: {  	[smem:$0x3F9F] =	sst s0  }
0x9: {  	[smem:$0x3FA0] =	sst s1  }
0xa: {  	[smem:$0x3FA1] =	sst s2  }
0xb: {  	[smem:$0x3FA2] =	sst s3  }
0xc: {  	[smem:$0x3FA3] =	sst s4  }
0xd: {  	[smem:$0x3FA4] =	sst s5  }
0xe: {  	[smem:$0x3FA5] =	sst s6  }
0xf: {  	[smem:$0x3FA6] =	sst s7  }
0x10: {  	[smem:$0x3FA7] =	sst s8  }
0x11: {  	[smem:$0x3FA8] =	sst s9;
	s0 =	simm.s32 @!p0 $0x0  }
0x12: {  	s1 =	sld [smem:$0x3F8E];
	s0 =	simm.s32 @p0 $0x1  }
0x13: {  	[smem:$0x3FA9] =	sst s0;
	s0 =	simm.s32 @!p1 $0x0  }
0x14: {  	s2 =	sld [smem:$0x3F8D];
	s0 =	simm.s32 @p1 $0x1  }
0x15: {  	[smem:$0x3FAA] =	sst s0;
	s0 =	simm.s32 @!p2 $0x0  }
0x16: {  	s3 =	sld [smem:$0x3FDB];
	s0 =	simm.s32 @p2 $0x1  }
0x17: {  	s4 =	simm.s32 $0x1BF5;
	[smem:$0x3FAC] =	sst s0  }
0x18: {  	s0 =	sld [smem:$0x3F8F];
	_ =	swait.ge [sflag:s4], $0x0  }
0x19: {  	s7 =	sld [smem:$0x3F90]  }
0x1a: {  	s8 =	sadd.s32 $0xFFFFE003, lr  }
0x1b: {  	s9 =	sadd.s32 $0xFFFFFEF7, lr;
	s5 =	simm.s32 $0xFFFFFFFF;
	p2 =	slt.u32 s8, $0xFFFFF086  }
0x1c: {  	p1 =	slt.u32 s9, $0xF7A;
	s5 =	simm.s32 @!p2 $0x0  }
0x1d: {  	s5 =	simm.s32 @p1 $0x1;
	p0 =	seq.s32 s7, s2  }
0x1e: {  	s7 =	smul.u32 @!p0 $0xF7A, s2;
	p2 =	seq.s32 @!p0 s5, $0x0  }
0x1f: {  	s9 =	smul.u32 $0xF7A, s1;
	s8 =	simm.s32 @!p0 $0x1BF5;
	p2 =	por !p2, p0  }
0x20: {  	[sflag:s8] =	ssyncset.s32 @!p0 $0xFFFFF086;
	s6 =	sadd.s32 @!p0 s3, s7;
	s7 =	simm.s32 @!p0 $0x108  }
0x21: {  	s3 =	sadd.s32 s3, s9;
	s6 =	sadd.s32 @!p0 $0x88, s6;
	s7 =	simm.s32 @p2 $0x1082  }
0x22: {  	[simem:s7], [sflag:s8] =	dma.local @!p0 [hbm:s6], $0xF7A  }
0x23: {  	s9 =	sor.u32 $0xD0000000, s2;
	s6 =	simm.s32 $0x108;
	_ =	swait.ge @!p0 [sflag:s8], $0x0  }
0x24: {  	s3 =	sadd.s32 $0x88, s3;
	s6 =	simm.s32 @!p1 $0x1082;
	[sflag:s4] =	ssyncset.s32 $0xFFFFF086  }
0x25: {  	[simem:s6], [sflag:s4] =	dma.local [hbm:s3], $0xF7A  }
0x26: {  	[smem:$0x3F90] =	sst s1;
	(tag) =	ssettag s2;
	_ =	strace s9  }
0x27: {  	s1 =	sld [smem:$0x3FA0]  }
0x28: {  	s2 =	sld [smem:$0x3FA1]  }
0x29: {  	s4 =	sld [smem:$0x3FA3]  }
0x2a: {  	p0 =	seq.s32 s5, $0x0;
	s5 =	sld [smem:$0x3FA4]  }
0x2b: {  	s6 =	sld [smem:$0x3FA5]  }
0x2c: {  	s7 =	sld [smem:$0x3FA6]  }
0x2d: {  	s3 =	simm.s32 $0x108;
	s8 =	sld [smem:$0x3FA7]  }
0x2e: {  	s3 =	simm.s32 @!p0 $0x1082;
	s9 =	sld [smem:$0x3FA8]  }
0x2f: {  	lr =	sadd.s32 s0, s3;
	s0 =	sld [smem:$0x3F9F]  }
0x30: {  	s3 =	sld [smem:$0x3FA2]  }
0x31: {  	[smem:$0x3FAB] =	sst s10  }
0x32: {  	s10 =	sld [smem:$0x3FA9];
	_ =	sdelay $0x3  }
0x33: {  	p0 =	seq.s32 s10, $0x1;
	s10 =	sld [smem:$0x3FAB];
	_ =	sdelay $0x3  }
0x34: {  	[smem:$0x3FAB] =	sst s10  }
0x35: {  	s10 =	sld [smem:$0x3FAA];
	_ =	sdelay $0x3  }
0x36: {  	p1 =	seq.s32 s10, $0x1;
	s10 =	sld [smem:$0x3FAB];
	_ =	sdelay $0x3  }
0x37: {  	[smem:$0x3FAB] =	sst s10  }
0x38: {  	s10 =	sld [smem:$0x3FAC]  }
0x39: {  	_ = 	snop;
	(pc) =	sbr.ind lr, $3  }
0x3a: {  	_ = 	snop  }
0x3b: {  	_ = 	snop  }
0x3c: {  	p2 =	seq.s32 s10, $0x1;
	s10 =	sld [smem:$0x3FAB]  }
0x3d: {  	_ =	shalt  }
0x3e: {  	_ =	shalt  }
0x3f: {  	_ =	shalt  }
0x40: {  	_ =	shalt  }
0x41: {  	_ =	shalt  }
0x42: {  	_ =	shalt  }
0x43: {  	_ =	shalt  }
0x44: {  	_ =	shalt  }
0x45: {  	_ =	shalt  }
0x46: {  	_ =	shalt  }
0x47: {  	_ =	shalt  }
0x48: {  	_ =	shalt  }
0x49: {  	_ =	shalt  }
0x4a: {  	_ =	shalt  }
0x4b: {  	_ =	shalt  }
0x4c: {  	_ =	shalt  }
0x4d: {  	_ =	shalt  }
0x4e: {  	_ =	shalt  }
0x4f: {  	_ =	shalt  }
0x50: {  	_ =	shalt  }
0x51: {  	_ =	shalt  }
0x52: {  	_ =	shalt  }
0x53: {  	_ =	shalt  }
0x54: {  	_ =	shalt  }
0x55: {  	_ =	shalt  }
0x56: {  	_ =	shalt  }
0x57: {  	_ =	shalt  }
0x58: {  	_ =	shalt  }
0x59: {  	_ =	shalt  }
0x5a: {  	_ =	shalt  }
0x5b: {  	_ =	shalt  }
0x5c: {  	_ =	shalt  }
0x5d: {  	_ =	shalt  }
0x5e: {  	_ =	shalt  }
0x5f: {  	_ =	shalt  }
0x60: {  	_ =	shalt  }
0x61: {  	_ =	shalt  }
0x62: {  	_ =	shalt  }
0x63: {  	_ =	shalt  }
0x64: {  	_ =	shalt  }
0x65: {  	_ =	shalt  }
0x66: {  	_ =	shalt  }
0x67: {  	_ =	shalt  }
0x68: {  	_ =	shalt  }
0x69: {  	_ =	shalt  }
0x6a: {  	_ =	shalt  }
0x6b: {  	_ =	shalt  }
0x6c: {  	_ =	shalt  }
0x6d: {  	_ =	shalt  }
0x6e: {  	_ =	shalt  }
0x6f: {  	_ =	shalt  }
0x70: {  	_ =	shalt  }
0x71: {  	_ =	shalt  }
0x72: {  	_ =	shalt  }
0x73: {  	_ =	shalt  }
0x74: {  	_ =	shalt  }
0x75: {  	_ =	shalt  }
0x76: {  	_ =	shalt  }
0x77: {  	_ =	shalt  }
0x78: {  	_ =	shalt  }
0x79: {  	_ =	shalt  }
0x7a: {  	_ =	shalt  }
0x7b: {  	_ =	shalt  }
0x7c: {  	_ =	shalt  }
0x7d: {  	_ =	shalt  }
0x7e: {  	_ =	shalt  }
0x7f: {  	_ =	shalt  }
0x80: {  	_ =	shalt  }
0x81: {  	_ =	shalt  }
0x82: {  	_ =	shalt  }
0x83: {  	_ =	shalt  }
0x84: {  	_ =	shalt  }
0x85: {  	_ =	shalt  }
0x86: {  	_ =	shalt  }
0x87: {  	_ =	shalt  }
.Lfunc_end0:
.L_simem_size_0:
called_computation_lowered:
.L_overlay_start_0:
0x88: {  	s2 =	sld [smem:$0x3FD9]  }
0x89: {  	s3 =	sld [smem:$0x3FFE];
	_ =	sdelay $0x1  }
0x8a: {  	s1 =	srdreg.scid  }
0x8b: {  	s0 =	sand.u32 $0x1, s1  }
0x8c: {  	s17 =	sshll.u32 s0, $0xA;
	s2 =	sadd.s32 s3, s2  }
0x8d: {  	s2 =	sadd.s32 s2, s17  }
0x8e: {  	[smem:$0x3FB7] =	sst s2  }
0x8f: {  	_ = 	snop  }
0x90: {  	(tm) =	ssettm $0x1  }
0x91: {  	s18 =	sld [smem:$0x3FFB];
	_ =	sdelay $0x3  }
0x92: {  	_ =	strace s18  }
0x93: {  	s2 =	sld [smem:$0x3FFC];
	_ =	sdelay $0x3  }
0x94: {  	_ =	strace s2  }
0x95: {  	s2 =	sld [smem:$0x3FFD];
	_ =	sdelay $0x3  }
0x96: {  	_ =	strace s2  }
0x97: {  	_ =	strace $0x8FFFFFFF  }
0x98: {  	s19 =	sld [smem:$0x3FDB];
	_ =	sdelay $0x1  }
0x99: {  	s20 =	simm.s32 $_scs_section_size  }
0x9a: {  	s4 =	simm.s32 $_size__tile_overlayer_lowered;
	s5 =	simm.s32 $_tile_overlayer_lowered  }
0x9b: {  	s6 =	simm.s32 $0x1BFF;
	s21 =	sshll.u32 s5, $0x1;
	s3 =	sadd.s32 s20, s19  }
0x9c: {  	s22 =	simm.s32 $0x0;
	s4 =	sshll.u32 s4, $0x1;
	s5 =	sadd.s32 s21, s3  }
0x9d: {  	[timem:s22], [sflag:s6] =	dma.local [hbm:s5], s4  }
0x9e: {  	_ =	swait.ge [sflag:s6], s4  }
0x9f: {  	s4 =	ssub.s32 $0x0, s4;
	[sflag:s6] =	ssyncset.done $0x0  }
0xa0: {  	[sflag:s6] =	ssyncadd.s32 s4;
	_ =	sdelay $0x1  }
0xa1: {  	s23 =	simm.s32 $0x1B8B  }
0xa2: {  	_ =	swait.ge [sflag:s23], $0x1  }
0xa3: {  	[sflag:s23] =	ssyncset.done $0x0  }
0xa4: {  	[sflag:s23] =	ssyncadd.s32 $0xFFFFFFFF  }
0xa5: {  	s4 =	sld [smem:$0x0]  }
0xa6: {  	s5 =	sand.u32 $0xFFFFFFFE, s1  }
0xa7: {  	p0 =	sne.s32 s1, s5  }
0xa8: {  	s5 =	sshll.u32 @p0 s5, $0xE  }
0xa9: {  	s5 =	sadd.s32 @p0 $0x11B8D, s5;
	s6 =	sshll.u32 @p0 s4, $0x11  }
0xaa: {  	s5 =	sor.u32 @p0 s6, s5  }
0xab: {  	[sflag:s5] =	ssyncadd.remote.s32 @p0 $0x1;
	_ =	sdelay $0x1  }
0xac: {  	s5 =	simm.s32 @p0 $0x1B8D  }
0xad: {  	_ =	swait.eq @p0 [sflag:s5], $0x1  }
0xae: {  	[sflag:s5] =	ssyncadd.s32 @p0 $0xFFFFFFFF  }
0xaf: {  	s6 =	sshll.u32 @!p0 s1, $0xE  }
0xb0: {  	s6 =	sor.u32 @!p0 $0x4000, s6;
	s5 =	simm.s32 @!p0 $0x1B8D  }
0xb1: {  	s4 =	sshll.u32 @!p0 s4, $0x11;
	s6 =	sadd.s32 @!p0 $0x11B8D, s6;
	_ =	swait.eq @!p0 [sflag:s5], $0x1  }
0xb2: {  	s4 =	sor.u32 @!p0 s4, s6;
	[sflag:s5] =	ssyncadd.s32 @!p0 $0xFFFFFFFF  }
0xb3: {  	s25 =	simm.s32 $0x1B8E;
	s24 =	sld [smem:$0x3FFE];
	[sflag:s4] =	ssyncadd.remote.s32 @!p0 $0x1  }
0xb4: {  	s26 =	simm.s32 $execute0_lowered;
	[smem:$0x3FD2] =	sst s25  }
0xb5: {  	s5 =	sshll.u32 s26, $0x1;
	_ =	strace $0x80000049;
	[dreg:$0x1] =	wrdreg $0xFFFFFFFF  }
0xb6: {  	s28 =	simm.s32 $_size_execute0_lowered;
	s3 =	sadd.s32 s3, s5;
	[dreg:$0x0] =	wrdreg $0x0  }
0xb7: {  	s5 =	sshll.u32 s28, $0x1;
	[dreg:$0x2] =	wrdreg s3  }
0xb8: {  	[dreg:$0x3] =	wrdreg s5  }
0xb9: {  	[dreg:$0x4] =	wrdreg $0xC0  }
0xba: {  	_ =	task [dreg:s22], $0x5FFFF  }
0xbb: {  	[dreg:$0x1] =	wrdreg $0xFFFFFFFF  }
0xbc: {  	[dreg:$0x0] =	wrdreg $0x60  }
0xbd: {  	[dreg:$0x2] =	wrdreg s24  }
0xbe: {  	[dreg:$0x3] =	wrdreg $0x44800  }
0xbf: {  	[dreg:$0x4] =	wrdreg $0x9  }
0xc0: {  	_ =	task.clear_ibuf [dreg:s22], $0x5FFFF;
	_ =	strace $0x90000049  }
0xc1: {  	s29 =	simm.s32 $0x9;
	_ =	strace $0x8000004B  }
0xc2: {  	_ =	swait.ge [sflag:s29], $0x1  }
0xc3: {  	[sflag:s29] =	ssyncadd.s32 $0xFFFFFFFF  }
0xc4: {  	_ =	strace $0x9000004B  }
0xc5: {  	_ =	sfence  }
0xc6: {  	s30 =	sld [smem:$0x0];
	_ =	sdelay $0x2  }
0xc7: {  	s31 =	sshll.u32 s1, $0xD;
	s1 =	sshrl.u32 s1, $0x2  }
0xc8: {  	s4 =	sand.u32 $0x4000, s31;
	s1 =	sadd.s32 s1, s30  }
0xc9: {  	s0 =	sor.u32 s4, s0;
	s1 =	sshll.u32 s1, $0x11  }
0xca: {  	s0 =	sor.u32 s1, s0  }
0xcb: {  	s0 =	sadd.s32 $0x8F2B, s0  }
0xcc: {  	[sflag:s0] =	ssyncadd.remote.s32 $0x1  }
0xcd: {  	_ =	sfence.sel $0xFFFF  }
0xce: {  	[dreg:$0x0] =	wrdreg $0xFFFFFFFF;
	(pc) =	sbr.abs _section_cstart, $3  }
0xcf: {  	[dreg:$0x1] =	wrdreg $0xFFFFFFFF  }
0xd0: {  	_ =	task.clear_ibuf [dreg:s22], $0x2FFFF;
	_ =	strace $0x9FFFFFFF  }
0xd1: {  	(tm) =	ssettm $0x7FFFFFFF  }
tec
execute0_lowered:
.L_overlay_start_1:
0x0: {  	(tag) =	ssettag $0x1  }
0x1: {  	s5 =	rddreg [dreg:$0x0]  }
0x2: {  	s2 =	rddreg [dreg:$0x1]  }
0x3: {  	s0 =	rddreg [dreg:$0x2];
	s1 =	stileid.u32  }
0x4: {  	s4 =	srdreg.scid;
	s3 =	simm.s32 $0x0;
	s6 =	smul.u32 $0x9E0, s1  }
0x5: {  	s14 =	simm.s32 $0x0;
	s7 =	sand.u32 $0x1, s4;
	s29 =	smul.u32 $0x2780, s1  }
0x6: {  	[smem:$0x7FF] =	sst s3;
	s4 =	sadd.s32 $0x65800, s5;
	s11 =	smul.u32 $0x4F000, s1  }
0x7: {  	s12 =	sshll.u32 s1, $0x6;
	s8 =	smul.u32 $0x27800, s7;
	_ =	strace $0x8000004A  }
0x8: {  	s10 =	ssub.s32 $0x2, s7;
	s7 =	smul.u32 $0x4F0, s7;
	s12 =	sor.u32 $0x1C01, s12  }
0x9: {  	s9 =	sadd.s32 s6, s5;
	s30 =	sshrl.u32 s10, $0x1;
	s31 =	sshrl.u32 s11, $0x2  }
0xa: {  	s11 =	simm.s32 $0x4080;
	s6 =	sadd.s32 s29, s8;
	s8 =	ssub.s32 s10, s30  }
0xb: {  	s9 =	sadd.s32 s7, s9;
	s10 =	simm.s32 $0x1;
	s6 =	sadd.s32 s6, s5  }
0xc: {  	s5 =	sadd.s32 s31, s2;
	s7 =	smax.u32 s8, $0x1;
	s8 =	sadd.s32 $0x2C00, s9  }
0xd: {  	v0 =	vimm.f32 $0.0e+00;
	s9 =	simm.s32 $0x80;
	s6 =	sadd.s32 $0x66000, s6;
	s13 =	sshrl.u32 s5, $0x3  }
.LBB2_1:
0xe: {  	[tilespmem:$0x4080] =	vst v0  }
0xf: {  	[tilespmem:$0x4090] =	vst v0  }
0x10: {  	[tilespmem:$0x40A0] =	vst v0  }
0x11: {  	[tilespmem:$0x40B0] =	vst v0  }
0x12: {  	[tilespmem:$0x40C0] =	vst v0  }
0x13: {  	[tilespmem:$0x40D0] =	vst v0  }
0x14: {  	[tilespmem:$0x40E0] =	vst v0  }
0x15: {  	[tilespmem:$0x40F0] =	vst v0  }
0x16: {  	[tilespmem:$0x4100] =	vst v0  }
0x17: {  	[tilespmem:$0x4110] =	vst v0  }
0x18: {  	[tilespmem:$0x4120] =	vst v0  }
0x19: {  	[tilespmem:$0x4130] =	vst v0  }
0x1a: {  	[tilespmem:$0x4140] =	vst v0  }
0x1b: {  	[tilespmem:$0x4150] =	vst v0  }
0x1c: {  	[tilespmem:$0x4160] =	vst v0  }
0x1d: {  	[tilespmem:$0x4170] =	vst v0  }
0x1e: {  	[tilespmem:$0x4180] =	vst v0  }
0x1f: {  	[tilespmem:$0x4190] =	vst v0  }
0x20: {  	[tilespmem:$0x41A0] =	vst v0  }
0x21: {  	[tilespmem:$0x41B0] =	vst v0  }
0x22: {  	[tilespmem:$0x41C0] =	vst v0  }
0x23: {  	[tilespmem:$0x41D0] =	vst v0  }
0x24: {  	[tilespmem:$0x41E0] =	vst v0  }
0x25: {  	[tilespmem:$0x41F0] =	vst v0  }
0x26: {  	[tilespmem:$0x4200] =	vst v0  }
0x27: {  	[tilespmem:$0x4210] =	vst v0  }
0x28: {  	[tilespmem:$0x4220] =	vst v0  }
0x29: {  	[tilespmem:$0x4230] =	vst v0  }
0x2a: {  	[tilespmem:$0x4240] =	vst v0  }
0x2b: {  	[tilespmem:$0x4250] =	vst v0  }
0x2c: {  	[tilespmem:$0x4260] =	vst v0  }
0x2d: {  	[tilespmem:$0x4270] =	vst v0  }
0x2e: {  	[tilespmem:$0x4280] =	vst v0  }
0x2f: {  	[tilespmem:$0x4290] =	vst v0  }
0x30: {  	[tilespmem:$0x42A0] =	vst v0  }
0x31: {  	[tilespmem:$0x42B0] =	vst v0  }
0x32: {  	[tilespmem:$0x42C0] =	vst v0  }
0x33: {  	[tilespmem:$0x42D0] =	vst v0  }
0x34: {  	[tilespmem:$0x42E0] =	vst v0  }
0x35: {  	[tilespmem:$0x42F0] =	vst v0  }
0x36: {  	[tilespmem:$0x4300] =	vst v0  }
0x37: {  	[tilespmem:$0x4310] =	vst v0  }
0x38: {  	[tilespmem:$0x4320] =	vst v0  }
0x39: {  	[tilespmem:$0x4330] =	vst v0  }
0x3a: {  	[tilespmem:$0x4340] =	vst v0  }
0x3b: {  	[tilespmem:$0x4350] =	vst v0  }
0x3c: {  	[tilespmem:$0x4360] =	vst v0  }
0x3d: {  	[tilespmem:$0x4370] =	vst v0  }
0x3e: {  	[tilespmem:$0x4380] =	vst v0  }
0x3f: {  	[tilespmem:$0x4390] =	vst v0  }
0x40: {  	[tilespmem:$0x43A0] =	vst v0  }
0x41: {  	[tilespmem:$0x43B0] =	vst v0  }
0x42: {  	[tilespmem:$0x43C0] =	vst v0  }
0x43: {  	[tilespmem:$0x43D0] =	vst v0  }
0x44: {  	[tilespmem:$0x43E0] =	vst v0  }
0x45: {  	[tilespmem:$0x43F0] =	vst v0  }
0x46: {  	[tilespmem:$0x4400] =	vst v0  }
0x47: {  	[tilespmem:$0x4410] =	vst v0  }
0x48: {  	[tilespmem:$0x4420] =	vst v0  }
0x49: {  	[tilespmem:$0x4430] =	vst v0  }
0x4a: {  	[tilespmem:$0x4440] =	vst v0  }
0x4b: {  	[tilespmem:$0x4450] =	vst v0  }
0x4c: {  	[tilespmem:$0x4460] =	vst v0  }
0x4d: {  	[tilespmem:$0x4470] =	vst v0  }
0x4e: {  	[tilespmem:s9], [sflag:$0x1] =	stream.linear.gather [hbm4b:s4+s3], $0x4000, $0x38;
	[tilespmem:$0x18080] =	vst v63  }
0x4f: {  	_ =	swait.ge [sflag:s10], $0x4000  }
0x50: {  	[sflag:s10] =	ssyncset.done $0x0  }
0x51: {  	s15 =	sadd.s32 $0x0, s5;
	[sflag:s10] =	ssyncadd.s32 $0xFFFFC000  }
0x52: {  	[spmem:s15] =	stream.linear.scatter [tilespmem:s11], [sflag:$0x1], $0x400, $0x38;
	[tilespmem:$0x18080] =	vst v63  }
0x53: {  	s15 =	simm.s32 $0x1000;
	_ =	swait.ge [sflag:s10], $0x400  }
.LBB2_2:
0x54: {  	s16 =	sshra.s32 s15, $0x2;
	[sflag:s10] =	ssyncset.done $0x0;
	p0 =	sne.s32 s15, $0x4E000  }
.Ltmp0:
0x55: {  	s16 =	sadd.s32 s16, s5;
	[sflag:s10] =	ssyncadd.s32 $0xFFFFFC00;
	(pc) =	sbr.rel @p0 .LBB2_2-.Ltmp0, $3  }
0x56: {  	[spmem:s16] =	stream.linear.scatter [tilespmem:s11], [sflag:$0x1], $0x400, $0x38;
	[tilespmem:$0x18080] =	vst v63  }
0x57: {  	s15 =	sadd.s32 $0x1000, s15;
	_ =	sdelay $0x1  }
0x58: {  	_ =	swait.ge [sflag:s10], $0x400  }
0x59: {  	[sflag:s10] =	ssyncset.done $0x0  }
0x5a: {  	[sflag:s10] =	ssyncadd.s32 $0xFFFFFC00  }
0x5b: {  	s15 =	sadd.s32 $0x0, s8;
	[bflag:$0x0] =	sbarrier.arrive $0xFFFF  }
0x5c: {  	[tilespmem:s3], [sflag:$0x1] =	stream.linear.gather [hbm4b:s15+s3], $0x80, $0x38;
	[tilespmem:$0x18080] =	vst v63  }
0x5d: {  	_ =	swait.ge [sflag:s10], $0x80  }
0x5e: {  	[sflag:s10] =	ssyncset.done $0x0  }
0x5f: {  	[sflag:s10] =	ssyncadd.s32 $0xFFFFFF80  }
0x60: {  	[spmem:s2] =	stream.indirect.scatter.add.f32 [tilespmem:s9], [sflag:$0x1], $0x80, s3, s9, $0xb8;
	[tilespmem:$0x18080] =	vst v63  }
0x61: {  	_ =	swait.ge [sflag:s10], $0x4000  }
0x62: {  	s16 =	simm.s32 $0x20;
	s15 =	simm.s32 $0x10;
	[sflag:s10] =	ssyncset.done $0x0  }
.LBB2_4:
0x63: {  	s17 =	sadd.s32 s15, s8  }
0x64: {  	[sflag:s10] =	ssyncadd.s32 $0xFFFFC000;
	s15 =	smov.u32 s16;
	s18 =	sadd.s32 $0x10, s16  }
0x65: {  	[tilespmem:s3], [sflag:$0x1] =	stream.linear.gather [hbm4b:s17+s3], $0x80, $0x38;
	[tilespmem:$0x18080] =	vst v63  }
0x66: {  	p0 =	sne.s32 s16, $0x4E0;
	_ =	swait.ge [sflag:s10], $0x80  }
.Ltmp1:
0x67: {  	[sflag:s10] =	ssyncset.done $0x0;
	(pc) =	sbr.rel @p0 .LBB2_4-.Ltmp1, $4  }
0x68: {  	[sflag:s10] =	ssyncadd.s32 $0xFFFFFF80  }
0x69: {  	[spmem:s2] =	stream.indirect.scatter.add.f32 [tilespmem:s9], [sflag:$0x1], $0x80, s3, s9, $0xb8;
	[tilespmem:$0x18080] =	vst v63  }
0x6a: {  	_ =	swait.ge [sflag:s10], $0x4000  }
0x6b: {  	s16 =	smov.u32 s18;
	[sflag:s10] =	ssyncset.done $0x0  }
0x6c: {  	s15 =	sadd.s32 s15, s8;
	[sflag:s10] =	ssyncadd.s32 $0xFFFFC000  }
0x6d: {  	[tilespmem:s3], [sflag:$0x1] =	stream.linear.gather [hbm4b:s15+s3], $0x80, $0x38;
	[tilespmem:$0x18080] =	vst v63  }
0x6e: {  	_ =	swait.ge [sflag:s10], $0x80  }
0x6f: {  	[sflag:s10] =	ssyncset.done $0x0  }
0x70: {  	[sflag:s10] =	ssyncadd.s32 $0xFFFFFF80  }
0x71: {  	[spmem:s2] =	stream.indirect.scatter.add.f32 [tilespmem:s9], [sflag:$0x1], $0x80, s3, s9, $0xb8;
	[tilespmem:$0x18080] =	vst v63  }
0x72: {  	_ =	swait.ge [sflag:s10], $0x4000  }
0x73: {  	s14 =	sadd.s32 $0x1, s14;
	[sflag:s10] =	ssyncset.done $0x0  }
0x74: {  	p0 =	sne.s32 s14, s7;
	[sflag:s10] =	ssyncadd.s32 $0xFFFFC000  }
.Ltmp2:
0x75: {  	[bflag:$0x0] =	sbarrier.arrive $0xFFFF;
	(pc) =	sbr.rel @p0 .LBB2_1-.Ltmp2, $4  }
0x76: {  	[hbm:s6], [sflag:s12] =	dma.local [spmem:s13], $0x2780  }
0x77: {  	_ =	swait.ge [sflag:s10], $0x2780  }
0x78: {  	[sflag:s10] =	ssyncset.done $0x0  }
0x79: {  	[sflag:s10] =	ssyncadd.s32 $0xFFFFD880  }
0x7a: {  	_ =	sfence.sel $0x180000  }
0x7b: {  	[bflag:$0x0] =	sbarrier.arrive $0xFFFF  }
0x7c: {  	p0 =	sne.s32 s1, $0x0;
	_ =	strace $0x9000004A  }
0x7d: {  	s0 =	sadd.s32 @!p0 $0x100000, s0;
	[bflag:$0x2] =	sbarrier.arrive $0xFFFF  }
0x7e: {  	[sflag:s0] =	ssyncadd.tile.s32 @!p0 $0x1;
	_ =	shalt  }
.Lfunc_end2:
_tile_overlayer_lowered:
.L_overlay_start_2:
0x7f: {  	(tag) =	ssettag $0x2  }
0x80: {  	s0 =	rddreg [dreg:$0x0];
	s2 =	stileid.u32  }
0x81: {  	s1 =	rddreg [dreg:$0x1];
	p0 =	sne.s32 s2, $0x0  }
0x82: {  	s3 =	rddreg [dreg:$0x2];
	[bflag:$0x3] =	sbarrier.arrive $0xFFFF;
	s2 =	simm.s32 @!p0 $0x1C01  }
0x83: {  	[timem:s3], [sflag:s2] =	dma.local @!p0 [hbm:s0], s1  }
0x84: {  	s0 =	simm.s32 @!p0 $0x1  }
0x85: {  	_ =	swait.ge @!p0 [sflag:s0], s1  }
0x86: {  	s1 =	ssub.s32 @!p0 $0x0, s1;
	[sflag:s0] =	ssyncset.done @!p0 $0x0  }
0x87: {  	[sflag:s0] =	ssyncadd.s32 @!p0 s1  }
0x88: {  	[bflag:$0x3] =	sbarrier.arrive $0xFFFF  }
0x89: {  	_ =	shalt  }

</sc_bundles>
